<compile_context>
chip_gen: v7x
topology: tpu7x:2x2x1
jax: 0.10.2.dev20260603
libtpu: 0.0.44.dev20260713+nightly
codegen_flags: <defaults>
</compile_context>

<pallas_src>
import functools

import jax
import jax.numpy as jnp
from jax import lax
from jax.experimental import pallas as pl
from jax.experimental.pallas import tpu as pltpu
from jax.experimental.pallas import tpu_sc as plsc

N_, E_, T_ = 10000, 320000, 500000
AD, BD, AND_ = 128, 128, 64
TP = 524288
NW = 32
GROWS = TP // NW
IDXW = 128
CH = 1024
HALF = 512

SRANGE = 10000
NRANGE = 16
SPR = 10112
DUMP = 10000
STRIPE = SPR // 16
SROWS = TP // 16
SBLK = 2048

BT = 2000


def _mesh():
    return plsc.VectorSubcoreMesh(core_axis_name="c", subcore_axis_name="s")


def _m8(x):
    return pl.multiple_of(x, 8)


@functools.partial(
    pl.kernel,
    out_type=[jax.ShapeDtypeStruct((TP, BD), jnp.float32) for _ in range(3)],
    mesh=_mesh(),
    scratch_types=[
        pltpu.VMEM((CH // IDXW, IDXW), jnp.int32),
        pltpu.VMEM((HALF, BD), jnp.float32),
        pltpu.SemaphoreType.DMA,
    ],
)
def _gather3(vfeat, efeat, jidx2, kidx2, iidx2, center_o, bondi_o, bondj_o,
             idx_v, rows_v, sem):
    c = lax.axis_index("c")
    s = lax.axis_index("s")
    wid = s * 2 + c
    base = wid * GROWS
    nsub = CH // IDXW
    per_half = HALF // IDXW

    def body(ch, _):
        off = _m8(base + ch * CH)
        irow = _m8(off // IDXW)
        for idx_hbm, table, out_hbm in ((jidx2, vfeat, center_o),
                                        (kidx2, efeat, bondi_o),
                                        (iidx2, efeat, bondj_o)):
            pltpu.sync_copy(idx_hbm.at[pl.ds(irow, nsub)], idx_v)
            for h in range(CH // HALF):
                descs = []
                for p in range(per_half):
                    descs.append(pltpu.async_copy(
                        table.at[idx_v.at[h * per_half + p]],
                        rows_v.at[pl.ds(p * IDXW, IDXW)], sem))
                for d in descs:
                    d.wait()
                pltpu.sync_copy(rows_v,
                                out_hbm.at[pl.ds(_m8(off + h * HALF), HALF)])
        return ()

    lax.fori_loop(0, GROWS // CH, body, ())


@functools.partial(
    pl.kernel,
    out_type=jax.ShapeDtypeStruct((E_, BD), jnp.float32),
    mesh=_mesh(),
    scratch_types=[
        pltpu.VMEM_SHARED((SPR, BD), jnp.float32),
        pltpu.VMEM((SBLK // IDXW, IDXW), jnp.int32),
        pltpu.VMEM((IDXW,), jnp.int32),
        pltpu.VMEM((IDXW,), jnp.int32),
        pltpu.VMEM((IDXW, BD), jnp.float32),
        pltpu.VMEM((IDXW, BD), jnp.float32),
        pltpu.SemaphoreType.DMA,
        pltpu.SemaphoreType.DMA,
    ],
)
def _scatter(kidx2, upd, seg_o, spmem, kbuf, kdma0, kdma1, rows0, rows1,
             sem0, sem1):
    c = lax.axis_index("c")
    s = lax.axis_index("s")
    tbase = s * SROWS
    krows = SBLK // IDXW

    def zero_rows():
        def zi(i, _):
            for q in range(BD // 16):
                rows0[i, pl.ds(q * 16, 16)] = jnp.zeros((16,), jnp.float32)
            return ()
        lax.fori_loop(0, IDXW, zi, ())

    def range_body(r, _):
        lo = (c * NRANGE + r) * SRANGE
        zero_rows()
        for z in range(STRIPE // IDXW):
            pltpu.sync_copy(rows0, spmem.at[pl.ds(_m8(s * STRIPE + z * IDXW),
                                                  IDXW)])
        tail = STRIPE % IDXW
        pltpu.sync_copy(
            rows0.at[pl.ds(0, tail)],
            spmem.at[pl.ds(_m8(s * STRIPE + STRIPE - tail), tail)])
        plsc.subcore_barrier()

        def pair_body(i, _2):
            @pl.when(lax.rem(i, 8) == 0)
            def _():
                blk_off = _m8(tbase + (i // 8) * SBLK)
                pltpu.sync_copy(kidx2.at[pl.ds(_m8(blk_off // IDXW), krows)],
                                kbuf)
            for b in range(2):
                kd = (kdma0, kdma1)[b]
                rw = (rows0, rows1)[b]
                sem = (sem0, sem1)[b]
                sub = i * 2 + b
                row = lax.rem(sub, krows)

                @pl.when(i > 0)
                def _(kd=kd, rw=rw, sem=sem):
                    pltpu.make_async_copy(rw, spmem.at[kd], sem).wait()
                for q in range(IDXW // 16):
                    kv = kbuf[row, pl.ds(q * 16, 16)]
                    inr = (kv >= lo) & (kv < lo + SRANGE)
                    kd[pl.ds(q * 16, 16)] = jnp.where(inr, kv - lo, DUMP)
                pltpu.sync_copy(upd.at[pl.ds(_m8(tbase + sub * IDXW), IDXW)],
                                rw)
                pltpu.async_copy(rw, spmem.at[kd], sem, add=True)
            return ()
        lax.fori_loop(0, SROWS // IDXW // 2, pair_body, ())
        pltpu.make_async_copy(rows0, spmem.at[kdma0], sem0).wait()
        pltpu.make_async_copy(rows1, spmem.at[kdma1], sem1).wait()
        plsc.subcore_barrier()

        obase = _m8(s * STRIPE)
        @pl.when(s < 15)
        def _():
            pltpu.sync_copy(spmem.at[pl.ds(obase, STRIPE)],
                            seg_o.at[pl.ds(_m8(lo + obase), STRIPE)])
        @pl.when(s == 15)
        def _():
            last = SRANGE - 15 * STRIPE
            pltpu.sync_copy(spmem.at[pl.ds(obase, last)],
                            seg_o.at[pl.ds(_m8(lo + obase), last)])
        plsc.subcore_barrier()
        return ()

    lax.fori_loop(0, NRANGE, range_body, ())


def _mm_stats_body(c_ref, bi_ref, bj_ref, a_ref, wc_ref, wg_ref,
                   core_ref, gate_ref, stats_ref):
    i = pl.program_id(0)
    total = jnp.concatenate(
        [c_ref[...], bi_ref[...], bj_ref[...], a_ref[...]], axis=1)
    core = jnp.dot(total, wc_ref[...], preferred_element_type=jnp.float32)
    gate = jnp.dot(total, wg_ref[...], preferred_element_type=jnp.float32)
    core_ref[...] = core
    gate_ref[...] = gate

    @pl.when(i == 0)
    def _():
        stats_ref[...] = jnp.zeros_like(stats_ref)

    z = jnp.zeros((BD,), jnp.float32)
    stats_ref[...] += jnp.stack(
        [core.sum(0), (core * core).sum(0),
         gate.sum(0), (gate * gate).sum(0), z, z, z, z])


def _mm_stats(center, bondi, bondj, angle, wc, wg):
    grid = T_ // BT
    return pl.pallas_call(
        _mm_stats_body,
        grid=(grid,),
        in_specs=[
            pl.BlockSpec((BT, BD), lambda i: (i, 0)),
            pl.BlockSpec((BT, BD), lambda i: (i, 0)),
            pl.BlockSpec((BT, BD), lambda i: (i, 0)),
            pl.BlockSpec((BT, AND_), lambda i: (i, 0)),
            pl.BlockSpec((AD + 2 * BD + AND_, BD), lambda i: (0, 0)),
            pl.BlockSpec((AD + 2 * BD + AND_, BD), lambda i: (0, 0)),
        ],
        out_specs=[
            pl.BlockSpec((BT, BD), lambda i: (i, 0)),
            pl.BlockSpec((BT, BD), lambda i: (i, 0)),
            pl.BlockSpec((8, BD), lambda i: (0, 0)),
        ],
        out_shape=[
            jax.ShapeDtypeStruct((TP, BD), jnp.float32),
            jax.ShapeDtypeStruct((TP, BD), jnp.float32),
            jax.ShapeDtypeStruct((8, BD), jnp.float32),
        ],
    )(center, bondi, bondj, angle, wc, wg)


def _act_body(core_ref, gate_ref, p_ref, upd_ref):
    p = p_ref[...]
    x = core_ref[...] * p[0:1, :] + p[1:2, :]
    y = gate_ref[...] * p[2:3, :] + p[3:4, :]
    upd_ref[...] = x * jax.nn.sigmoid(x) * jax.nn.sigmoid(y)


def _act(core, gate, params):
    grid = T_ // BT
    return pl.pallas_call(
        _act_body,
        grid=(grid,),
        in_specs=[
            pl.BlockSpec((BT, BD), lambda i: (i, 0)),
            pl.BlockSpec((BT, BD), lambda i: (i, 0)),
            pl.BlockSpec((8, BD), lambda i: (0, 0)),
        ],
        out_specs=pl.BlockSpec((BT, BD), lambda i: (i, 0)),
        out_shape=jax.ShapeDtypeStruct((TP, BD), jnp.float32),
    )(core, gate, params)


def _final_body(seg_ref, ef_ref, w_ref, out_ref):
    out_ref[...] = jnp.dot(seg_ref[...], w_ref[...],
                           preferred_element_type=jnp.float32) + ef_ref[...]


def _final(seg, edge_feat, w_out):
    grid = E_ // BT
    return pl.pallas_call(
        _final_body,
        grid=(grid,),
        in_specs=[
            pl.BlockSpec((BT, BD), lambda i: (i, 0)),
            pl.BlockSpec((BT, BD), lambda i: (i, 0)),
            pl.BlockSpec((BD, BD), lambda i: (0, 0)),
        ],
        out_specs=pl.BlockSpec((BT, BD), lambda i: (i, 0)),
        out_shape=jax.ShapeDtypeStruct((E_, BD), jnp.float32),
    )(seg, edge_feat, w_out)


@jax.jit
def kernel(vertex_feat, edge_feat, angle_feat, edge_index, k_idx, j_idx, i_idx,
           W_core, W_gate, bn_core_gamma, bn_core_beta,
           bn_gate_gamma, bn_gate_beta, W_out):
    pad = TP - T_
    k32 = k_idx.astype(jnp.int32)
    jpad2 = jnp.concatenate(
        [j_idx.astype(jnp.int32), jnp.zeros((pad,), jnp.int32)]).reshape(-1, IDXW)
    ipad2 = jnp.concatenate(
        [i_idx.astype(jnp.int32), jnp.zeros((pad,), jnp.int32)]).reshape(-1, IDXW)
    kpadg2 = jnp.concatenate(
        [k32, jnp.zeros((pad,), jnp.int32)]).reshape(-1, IDXW)
    kpads2 = jnp.concatenate(
        [k32, jnp.full((pad,), E_, jnp.int32)]).reshape(-1, IDXW)

    center, bondi, bondj = _gather3(vertex_feat, edge_feat, jpad2, kpadg2, ipad2)
    core, gate, stats = _mm_stats(center, bondi, bondj, angle_feat,
                                  W_core, W_gate)

    inv_t = jnp.float32(1.0 / T_)
    mean_c = stats[0] * inv_t
    var_c = stats[1] * inv_t - mean_c * mean_c
    mean_g = stats[2] * inv_t
    var_g = stats[3] * inv_t - mean_g * mean_g
    sc = bn_core_gamma / jnp.sqrt(var_c + 1e-5)
    sg = bn_gate_gamma / jnp.sqrt(var_g + 1e-5)
    params = jnp.stack([
        sc, bn_core_beta - mean_c * sc,
        sg, bn_gate_beta - mean_g * sg,
        jnp.zeros_like(sc), jnp.zeros_like(sc),
        jnp.zeros_like(sc), jnp.zeros_like(sc)])

    upd = _act(core, gate, params)
    seg = _scatter(kpads2, upd)
    return _final(seg, edge_feat, W_out)

# --- scband reference (transcript-rebuilt; emitter-appended) ---
"""Pipeline reference for scband-bond-conv-cat-80917183856996 (READ-ONLY COPY).

The authoritative reference and input builder live on the scoring server;
editing this copy changes nothing except your own understanding.
"""

import jax, jax.numpy as jnp
import numpy as np

N, E, T = 10000, 320000, 500000
ATOM_DIM, BOND_DIM, ANGLE_DIM = 128, 128, 64
IN_DIM = ATOM_DIM + 2 * BOND_DIM + ANGLE_DIM
EPS = 1e-5


def setup_inputs(seed: int = 0) -> dict:
    key = jax.random.key(seed)
    ks = jax.random.split(key, 10)
    return {
        "vertex_feat": jax.random.normal(ks[0], (N, ATOM_DIM), dtype=jnp.float32),
        "edge_feat": jax.random.normal(ks[1], (E, BOND_DIM), dtype=jnp.float32),
        "angle_feat": jax.random.normal(ks[2], (T, ANGLE_DIM), dtype=jnp.float32),
        "edge_index": jax.random.randint(ks[3], (2, E), 0, N, dtype=jnp.int64 if jax.config.jax_enable_x64 else jnp.int32),
        "k_idx": jax.random.randint(ks[4], (T,), 0, E),
        "j_idx": jax.random.randint(ks[5], (T,), 0, N),
        "i_idx": jax.random.randint(ks[6], (T,), 0, E),
        "W_core": jax.random.normal(ks[7], (IN_DIM, BOND_DIM), dtype=jnp.float32) * 0.02,
        "W_gate": jax.random.normal(ks[8], (IN_DIM, BOND_DIM), dtype=jnp.float32) * 0.02,
        "bn_core_gamma": jnp.ones((BOND_DIM,), jnp.float32),
        "bn_core_beta": jnp.zeros((BOND_DIM,), jnp.float32),
        "bn_gate_gamma": jnp.ones((BOND_DIM,), jnp.float32),
        "bn_gate_beta": jnp.zeros((BOND_DIM,), jnp.float32),
        "W_out": jax.random.normal(ks[9], (BOND_DIM, BOND_DIM), dtype=jnp.float32) * 0.02,
    }


def _batch_norm(x, gamma, beta):
    # BatchNorm1d in training mode: biased batch statistics over dim 0
    mean = jnp.mean(x, axis=0)
    var = jnp.var(x, axis=0)
    return (x - mean) / jnp.sqrt(var + EPS) * gamma + beta


def reference(vertex_feat, edge_feat, angle_feat, edge_index, k_idx, j_idx, i_idx,
              W_core, W_gate, bn_core_gamma, bn_core_beta, bn_gate_gamma, bn_gate_beta, W_out):
    # BondConvCat forward
    b_i, a, b_j = k_idx, j_idx, i_idx
    center = jnp.take(vertex_feat, a, axis=0)
    bond_i = jnp.take(edge_feat, b_i, axis=0)
    bond_j = jnp.take(edge_feat, b_j, axis=0)
    total = jnp.concatenate([center, bond_i, bond_j, angle_feat], axis=-1)
    core = total @ W_core
    gate = total @ W_gate
    # GatedMLP: BN -> silu (core), BN -> sigmoid (gate)
    core = jax.nn.silu(_batch_norm(core, bn_core_gamma, bn_core_beta))
    gate = jax.nn.sigmoid(_batch_norm(gate, bn_gate_gamma, bn_gate_beta))
    update = core * gate
    # scatter add onto bonds
    new_bond = jax.ops.segment_sum(update, b_i, num_segments=edge_feat.shape[0])
    # mlp_out (bias=False) + resnet
    new_bond = new_bond @ W_out
    new_bond = new_bond + edge_feat
    return new_bond

if __name__ == "__main__":
    import jax
    _d = setup_inputs()
    print(jax.jit(kernel)(*tuple(_d.values())))

</pallas_src>

<mosaic_0001>
#map = affine_map<(d0, d1) -> (0, 0)>
module attributes {stable_mosaic.version = 14 : i64} {
  func.func @_scatter(%arg0: i32, %arg1: i32, %arg2: memref<4096x128xi32, #tpu.memory_space<hbm>>, %arg3: memref<524288x128xf32, #tpu.memory_space<hbm>>, %arg4: memref<320000x128xf32, #tpu.memory_space<hbm>>, %arg5: memref<10112x128xf32, #tpu.memory_space<vmem_shared>>, %arg6: memref<16x128xi32, #tpu.memory_space<vmem>>, %arg7: memref<128xi32, #tpu.memory_space<vmem>>, %arg8: memref<128xi32, #tpu.memory_space<vmem>>, %arg9: memref<128x128xf32, #tpu.memory_space<vmem>>, %arg10: memref<128x128xf32, #tpu.memory_space<vmem>>, %arg11: memref<!tpu.dma_semaphore, #tpu.memory_space<semaphore_mem>>, %arg12: memref<!tpu.dma_semaphore, #tpu.memory_space<semaphore_mem>>) attributes {dimension_semantics = [#tpu.dimension_semantics<core_parallel>, #tpu.dimension_semantics<subcore_parallel>], iteration_bounds = array<i64: 2, 16>, scalar_prefetch = 0 : i64, scratch_operands = 8 : i64, tpu.core_type = #tpu.core_type<sc_vector_subcore>, window_params = [{transform_indices = #map}, {transform_indices = #map}, {transform_indices = #map}]} {
    %mul3A = arith.constant 32768 : i32
    %mul3A_0 = arith.muli %arg1, %mul3A : i32
    %scan3A = arith.constant 0 : i32
    %scan3A_1 = arith.constant 16 : i32
    %scan3A_2 = arith.addi %scan3A, %scan3A_1 : i32
    %scan3A_3 = arith.constant 1 : i32
    scf.for %scan3A_5 = %scan3A to %scan3A_2 step %scan3A_3  : i32 {
      %mul3A_6 = arith.constant 16 : i32
      %mul3A_7 = arith.muli %arg0, %mul3A_6 : i32
      %add3A = arith.addi %mul3A_7, %scan3A_5 : i32
      %mul3A_8 = arith.constant 10000 : i32
      %mul3A_9 = arith.muli %add3A, %mul3A_8 : i32
      %scan3A_10 = arith.constant 0 : i32
      %scan3A_11 = arith.constant 128 : i32
      %scan3A_12 = arith.addi %scan3A_10, %scan3A_11 : i32
      %scan3A_13 = arith.constant 1 : i32
      scf.for %scan3A_61 = %scan3A_10 to %scan3A_12 step %scan3A_13  : i32 {
        %broadcast_in_dim3A = arith.constant 0.000000e+00 : f32
        %broadcast_in_dim3A_62 = vector.broadcast %broadcast_in_dim3A : f32 to vector<16xf32>
        %swap3A = arith.index_cast %scan3A_61 : i32 to index
        %swap3A_63 = arith.constant 0 : index
        %swap3A_64 = tpu.vector_load %arg9[%swap3A, %swap3A_63] {strides = array<i32>} : memref<128x128xf32, #tpu.memory_space<vmem>>, vector<1x16xf32>,
        %swap3A_65 = vector.shape_cast %swap3A_64 : vector<1x16xf32> to vector<16xf32>
        %swap3A_66 = vector.shape_cast %broadcast_in_dim3A_62 : vector<16xf32> to vector<1x16xf32>
        tpu.vector_store %arg9[%swap3A, %swap3A_63], %swap3A_66 {strides = array<i32>} : memref<128x128xf32, #tpu.memory_space<vmem>>, vector<1x16xf32>,
        %broadcast_in_dim3A_67 = arith.constant 0.000000e+00 : f32
        %broadcast_in_dim3A_68 = vector.broadcast %broadcast_in_dim3A_67 : f32 to vector<16xf32>
        %swap3A_69 = arith.index_cast %scan3A_61 : i32 to index
        %swap3A_70 = arith.constant 16 : index
        %swap3A_71 = tpu.vector_load %arg9[%swap3A_69, %swap3A_70] {strides = array<i32>} : memref<128x128xf32, #tpu.memory_space<vmem>>, vector<1x16xf32>,
        %swap3A_72 = vector.shape_cast %swap3A_71 : vector<1x16xf32> to vector<16xf32>
        %swap3A_73 = vector.shape_cast %broadcast_in_dim3A_68 : vector<16xf32> to vector<1x16xf32>
        tpu.vector_store %arg9[%swap3A_69, %swap3A_70], %swap3A_73 {strides = array<i32>} : memref<128x128xf32, #tpu.memory_space<vmem>>, vector<1x16xf32>,
        %broadcast_in_dim3A_74 = arith.constant 0.000000e+00 : f32
        %broadcast_in_dim3A_75 = vector.broadcast %broadcast_in_dim3A_74 : f32 to vector<16xf32>
        %swap3A_76 = arith.index_cast %scan3A_61 : i32 to index
        %swap3A_77 = arith.constant 32 : index
        %swap3A_78 = tpu.vector_load %arg9[%swap3A_76, %swap3A_77] {strides = array<i32>} : memref<128x128xf32, #tpu.memory_space<vmem>>, vector<1x16xf32>,
        %swap3A_79 = vector.shape_cast %swap3A_78 : vector<1x16xf32> to vector<16xf32>
        %swap3A_80 = vector.shape_cast %broadcast_in_dim3A_75 : vector<16xf32> to vector<1x16xf32>
        tpu.vector_store %arg9[%swap3A_76, %swap3A_77], %swap3A_80 {strides = array<i32>} : memref<128x128xf32, #tpu.memory_space<vmem>>, vector<1x16xf32>,
        %broadcast_in_dim3A_81 = arith.constant 0.000000e+00 : f32
        %broadcast_in_dim3A_82 = vector.broadcast %broadcast_in_dim3A_81 : f32 to vector<16xf32>
        %swap3A_83 = arith.index_cast %scan3A_61 : i32 to index
        %swap3A_84 = arith.constant 48 : index
        %swap3A_85 = tpu.vector_load %arg9[%swap3A_83, %swap3A_84] {strides = array<i32>} : memref<128x128xf32, #tpu.memory_space<vmem>>, vector<1x16xf32>,
        %swap3A_86 = vector.shape_cast %swap3A_85 : vector<1x16xf32> to vector<16xf32>
        %swap3A_87 = vector.shape_cast %broadcast_in_dim3A_82 : vector<16xf32> to vector<1x16xf32>
        tpu.vector_store %arg9[%swap3A_83, %swap3A_84], %swap3A_87 {strides = array<i32>} : memref<128x128xf32, #tpu.memory_space<vmem>>, vector<1x16xf32>,
        %broadcast_in_dim3A_88 = arith.constant 0.000000e+00 : f32
        %broadcast_in_dim3A_89 = vector.broadcast %broadcast_in_dim3A_88 : f32 to vector<16xf32>
        %swap3A_90 = arith.index_cast %scan3A_61 : i32 to index
        %swap3A_91 = arith.constant 64 : index
        %swap3A_92 = tpu.vector_load %arg9[%swap3A_90, %swap3A_91] {strides = array<i32>} : memref<128x128xf32, #tpu.memory_space<vmem>>, vector<1x16xf32>,
        %swap3A_93 = vector.shape_cast %swap3A_92 : vector<1x16xf32> to vector<16xf32>
        %swap3A_94 = vector.shape_cast %broadcast_in_dim3A_89 : vector<16xf32> to vector<1x16xf32>
        tpu.vector_store %arg9[%swap3A_90, %swap3A_91], %swap3A_94 {strides = array<i32>} : memref<128x128xf32, #tpu.memory_space<vmem>>, vector<1x16xf32>,
        %broadcast_in_dim3A_95 = arith.constant 0.000000e+00 : f32
        %broadcast_in_dim3A_96 = vector.broadcast %broadcast_in_dim3A_95 : f32 to vector<16xf32>
        %swap3A_97 = arith.index_cast %scan3A_61 : i32 to index
        %swap3A_98 = arith.constant 80 : index
        %swap3A_99 = tpu.vector_load %arg9[%swap3A_97, %swap3A_98] {strides = array<i32>} : memref<128x128xf32, #tpu.memory_space<vmem>>, vector<1x16xf32>,
        %swap3A_100 = vector.shape_cast %swap3A_99 : vector<1x16xf32> to vector<16xf32>
        %swap3A_101 = vector.shape_cast %broadcast_in_dim3A_96 : vector<16xf32> to vector<1x16xf32>
        tpu.vector_store %arg9[%swap3A_97, %swap3A_98], %swap3A_101 {strides = array<i32>} : memref<128x128xf32, #tpu.memory_space<vmem>>, vector<1x16xf32>,
        %broadcast_in_dim3A_102 = arith.constant 0.000000e+00 : f32
        %broadcast_in_dim3A_103 = vector.broadcast %broadcast_in_dim3A_102 : f32 to vector<16xf32>
        %swap3A_104 = arith.index_cast %scan3A_61 : i32 to index
        %swap3A_105 = arith.constant 96 : index
        %swap3A_106 = tpu.vector_load %arg9[%swap3A_104, %swap3A_105] {strides = array<i32>} : memref<128x128xf32, #tpu.memory_space<vmem>>, vector<1x16xf32>,
        %swap3A_107 = vector.shape_cast %swap3A_106 : vector<1x16xf32> to vector<16xf32>
        %swap3A_108 = vector.shape_cast %broadcast_in_dim3A_103 : vector<16xf32> to vector<1x16xf32>
        tpu.vector_store %arg9[%swap3A_104, %swap3A_105], %swap3A_108 {strides = array<i32>} : memref<128x128xf32, #tpu.memory_space<vmem>>, vector<1x16xf32>,
        %broadcast_in_dim3A_109 = arith.constant 0.000000e+00 : f32
        %broadcast_in_dim3A_110 = vector.broadcast %broadcast_in_dim3A_109 : f32 to vector<16xf32>
        %swap3A_111 = arith.index_cast %scan3A_61 : i32 to index
        %swap3A_112 = arith.constant 112 : index
        %swap3A_113 = tpu.vector_load %arg9[%swap3A_111, %swap3A_112] {strides = array<i32>} : memref<128x128xf32, #tpu.memory_space<vmem>>, vector<1x16xf32>,
        %swap3A_114 = vector.shape_cast %swap3A_113 : vector<1x16xf32> to vector<16xf32>
        %swap3A_115 = vector.shape_cast %broadcast_in_dim3A_110 : vector<16xf32> to vector<1x16xf32>
        tpu.vector_store %arg9[%swap3A_111, %swap3A_112], %swap3A_115 {strides = array<i32>} : memref<128x128xf32, #tpu.memory_space<vmem>>, vector<1x16xf32>,
      }
      %scan3A_14 = arith.constant 128 : i32
      %mul3A_15 = arith.constant 632 : i32
      %mul3A_16 = arith.muli %arg1, %mul3A_15 : i32
      %add3A_17 = arith.constant 0 : i32
      %add3A_18 = arith.addi %mul3A_16, %add3A_17 : i32
      %multiple_of3A = tpu.assume_multiple %add3A_18, 8 : i32
      "tpu.region"() ({
        %run_scoped3A = tpu.sem_alloc : memref<!tpu.dma_semaphore, #tpu.memory_space<semaphore_mem>>
        %dma_start3A = arith.constant 0 : i32
        %dma_start3A_61 = tpu.memref_slice %arg5[%multiple_of3A, %dma_start3A] : memref<10112x128xf32, #tpu.memory_space<vmem_shared>> -> memref<128x128xf32, #tpu.memory_space<vmem_shared>>
        %dma_start3A_62 = arith.constant 0 : i32
        %dma_start3A_63 = tpu.memref_slice %arg5[%multiple_of3A, %dma_start3A_62] : memref<10112x128xf32, #tpu.memory_space<vmem_shared>> -> memref<128x128xf32, #tpu.memory_space<vmem_shared>>
        tpu.enqueue_dma source(%arg9 : memref<128x128xf32, #tpu.memory_space<vmem>>) target(%dma_start3A_63 : memref<128x128xf32, #tpu.memory_space<vmem_shared>>) target_semaphore(%run_scoped3A : memref<!tpu.dma_semaphore, #tpu.memory_space<semaphore_mem>>)
        %dma_wait3A_64 = arith.constant 0 : i32
        %dma_wait3A_65 = tpu.memref_slice %arg5[%multiple_of3A, %dma_wait3A_64] : memref<10112x128xf32, #tpu.memory_space<vmem_shared>> -> memref<128x128xf32, #tpu.memory_space<vmem_shared>>
        %dma_wait3A_66 = arith.constant 0 : i32
        %dma_wait3A_67 = tpu.memref_slice %arg5[%multiple_of3A, %dma_wait3A_66] : memref<10112x128xf32, #tpu.memory_space<vmem_shared>> -> memref<128x128xf32, #tpu.memory_space<vmem_shared>>
        tpu.wait_dma2 semaphore(%run_scoped3A : memref<!tpu.dma_semaphore, #tpu.memory_space<semaphore_mem>>) src(%arg9 : memref<128x128xf32, #tpu.memory_space<vmem>>) dst(%dma_wait3A_67 : memref<128x128xf32, #tpu.memory_space<vmem_shared>>)
        tpu.yield
      }) : () -> ()
      %mul3A_19 = arith.constant 632 : i32
      %mul3A_20 = arith.muli %arg1, %mul3A_19 : i32
      %add3A_21 = arith.constant 128 : i32
      %add3A_22 = arith.addi %mul3A_20, %add3A_21 : i32
      %multiple_of3A_23 = tpu.assume_multiple %add3A_22, 8 : i32
      "tpu.region"() ({
        %run_scoped3A = tpu.sem_alloc : memref<!tpu.dma_semaphore, #tpu.memory_space<semaphore_mem>>
        %dma_start3A = arith.constant 0 : i32
        %dma_start3A_61 = tpu.memref_slice %arg5[%multiple_of3A_23, %dma_start3A] : memref<10112x128xf32, #tpu.memory_space<vmem_shared>> -> memref<128x128xf32, #tpu.memory_space<vmem_shared>>
        %dma_start3A_62 = arith.constant 0 : i32
        %dma_start3A_63 = tpu.memref_slice %arg5[%multiple_of3A_23, %dma_start3A_62] : memref<10112x128xf32, #tpu.memory_space<vmem_shared>> -> memref<128x128xf32, #tpu.memory_space<vmem_shared>>
        tpu.enqueue_dma source(%arg9 : memref<128x128xf32, #tpu.memory_space<vmem>>) target(%dma_start3A_63 : memref<128x128xf32, #tpu.memory_space<vmem_shared>>) target_semaphore(%run_scoped3A : memref<!tpu.dma_semaphore, #tpu.memory_space<semaphore_mem>>)
        %dma_wait3A_64 = arith.constant 0 : i32
        %dma_wait3A_65 = tpu.memref_slice %arg5[%multiple_of3A_23, %dma_wait3A_64] : memref<10112x128xf32, #tpu.memory_space<vmem_shared>> -> memref<128x128xf32, #tpu.memory_space<vmem_shared>>
        %dma_wait3A_66 = arith.constant 0 : i32
        %dma_wait3A_67 = tpu.memref_slice %arg5[%multiple_of3A_23, %dma_wait3A_66] : memref<10112x128xf32, #tpu.memory_space<vmem_shared>> -> memref<128x128xf32, #tpu.memory_space<vmem_shared>>
        tpu.wait_dma2 semaphore(%run_scoped3A : memref<!tpu.dma_semaphore, #tpu.memory_space<semaphore_mem>>) src(%arg9 : memref<128x128xf32, #tpu.memory_space<vmem>>) dst(%dma_wait3A_67 : memref<128x128xf32, #tpu.memory_space<vmem_shared>>)
        tpu.yield
      }) : () -> ()
      %mul3A_24 = arith.constant 632 : i32
      %mul3A_25 = arith.muli %arg1, %mul3A_24 : i32
      %add3A_26 = arith.constant 256 : i32
      %add3A_27 = arith.addi %mul3A_25, %add3A_26 : i32
      %multiple_of3A_28 = tpu.assume_multiple %add3A_27, 8 : i32
      "tpu.region"() ({
        %run_scoped3A = tpu.sem_alloc : memref<!tpu.dma_semaphore, #tpu.memory_space<semaphore_mem>>
        %dma_start3A = arith.constant 0 : i32
        %dma_start3A_61 = tpu.memref_slice %arg5[%multiple_of3A_28, %dma_start3A] : memref<10112x128xf32, #tpu.memory_space<vmem_shared>> -> memref<128x128xf32, #tpu.memory_space<vmem_shared>>
        %dma_start3A_62 = arith.constant 0 : i32
        %dma_start3A_63 = tpu.memref_slice %arg5[%multiple_of3A_28, %dma_start3A_62] : memref<10112x128xf32, #tpu.memory_space<vmem_shared>> -> memref<128x128xf32, #tpu.memory_space<vmem_shared>>
        tpu.enqueue_dma source(%arg9 : memref<128x128xf32, #tpu.memory_space<vmem>>) target(%dma_start3A_63 : memref<128x128xf32, #tpu.memory_space<vmem_shared>>) target_semaphore(%run_scoped3A : memref<!tpu.dma_semaphore, #tpu.memory_space<semaphore_mem>>)
        %dma_wait3A_64 = arith.constant 0 : i32
        %dma_wait3A_65 = tpu.memref_slice %arg5[%multiple_of3A_28, %dma_wait3A_64] : memref<10112x128xf32, #tpu.memory_space<vmem_shared>> -> memref<128x128xf32, #tpu.memory_space<vmem_shared>>
        %dma_wait3A_66 = arith.constant 0 : i32
        %dma_wait3A_67 = tpu.memref_slice %arg5[%multiple_of3A_28, %dma_wait3A_66] : memref<10112x128xf32, #tpu.memory_space<vmem_shared>> -> memref<128x128xf32, #tpu.memory_space<vmem_shared>>
        tpu.wait_dma2 semaphore(%run_scoped3A : memref<!tpu.dma_semaphore, #tpu.memory_space<semaphore_mem>>) src(%arg9 : memref<128x128xf32, #tpu.memory_space<vmem>>) dst(%dma_wait3A_67 : memref<128x128xf32, #tpu.memory_space<vmem_shared>>)
        tpu.yield
      }) : () -> ()
      %mul3A_29 = arith.constant 632 : i32
      %mul3A_30 = arith.muli %arg1, %mul3A_29 : i32
      %add3A_31 = arith.constant 384 : i32
      %add3A_32 = arith.addi %mul3A_30, %add3A_31 : i32
      %multiple_of3A_33 = tpu.assume_multiple %add3A_32, 8 : i32
      "tpu.region"() ({
        %run_scoped3A = tpu.sem_alloc : memref<!tpu.dma_semaphore, #tpu.memory_space<semaphore_mem>>
        %dma_start3A = arith.constant 0 : i32
        %dma_start3A_61 = tpu.memref_slice %arg5[%multiple_of3A_33, %dma_start3A] : memref<10112x128xf32, #tpu.memory_space<vmem_shared>> -> memref<128x128xf32, #tpu.memory_space<vmem_shared>>
        %dma_start3A_62 = arith.constant 0 : i32
        %dma_start3A_63 = tpu.memref_slice %arg5[%multiple_of3A_33, %dma_start3A_62] : memref<10112x128xf32, #tpu.memory_space<vmem_shared>> -> memref<128x128xf32, #tpu.memory_space<vmem_shared>>
        tpu.enqueue_dma source(%arg9 : memref<128x128xf32, #tpu.memory_space<vmem>>) target(%dma_start3A_63 : memref<128x128xf32, #tpu.memory_space<vmem_shared>>) target_semaphore(%run_scoped3A : memref<!tpu.dma_semaphore, #tpu.memory_space<semaphore_mem>>)
        %dma_wait3A_64 = arith.constant 0 : i32
        %dma_wait3A_65 = tpu.memref_slice %arg5[%multiple_of3A_33, %dma_wait3A_64] : memref<10112x128xf32, #tpu.memory_space<vmem_shared>> -> memref<128x128xf32, #tpu.memory_space<vmem_shared>>
        %dma_wait3A_66 = arith.constant 0 : i32
        %dma_wait3A_67 = tpu.memref_slice %arg5[%multiple_of3A_33, %dma_wait3A_66] : memref<10112x128xf32, #tpu.memory_space<vmem_shared>> -> memref<128x128xf32, #tpu.memory_space<vmem_shared>>
        tpu.wait_dma2 semaphore(%run_scoped3A : memref<!tpu.dma_semaphore, #tpu.memory_space<semaphore_mem>>) src(%arg9 : memref<128x128xf32, #tpu.memory_space<vmem>>) dst(%dma_wait3A_67 : memref<128x128xf32, #tpu.memory_space<vmem_shared>>)
        tpu.yield
      }) : () -> ()
      %mul3A_34 = arith.constant 632 : i32
      %mul3A_35 = arith.muli %arg1, %mul3A_34 : i32
      %add3A_36 = arith.constant 632 : i32
      %add3A_37 = arith.addi %mul3A_35, %add3A_36 : i32
      %sub3A = arith.constant 120 : i32
      %sub3A_38 = arith.subi %add3A_37, %sub3A : i32
      %multiple_of3A_39 = tpu.assume_multiple %sub3A_38, 8 : i32
      "tpu.region"() ({
        %run_scoped3A = tpu.sem_alloc : memref<!tpu.dma_semaphore, #tpu.memory_space<semaphore_mem>>
        %dma_start3A = arith.constant 0 : i32
        %dma_start3A_61 = arith.constant 0 : i32
        %dma_start3A_62 = tpu.memref_slice %arg9[%dma_start3A, %dma_start3A_61] : memref<128x128xf32, #tpu.memory_space<vmem>> -> memref<120x128xf32, #tpu.memory_space<vmem>>
        %dma_start3A_63 = arith.constant 0 : i32
        %dma_start3A_64 = tpu.memref_slice %arg5[%multiple_of3A_39, %dma_start3A_63] : memref<10112x128xf32, #tpu.memory_space<vmem_shared>> -> memref<120x128xf32, #tpu.memory_space<vmem_shared>>
        %dma_start3A_65 = arith.constant 0 : i32
        %dma_start3A_66 = tpu.memref_slice %arg5[%multiple_of3A_39, %dma_start3A_65] : memref<10112x128xf32, #tpu.memory_space<vmem_shared>> -> memref<120x128xf32, #tpu.memory_space<vmem_shared>>
        %dma_start3A_67 = arith.constant 0 : i32
        %dma_start3A_68 = arith.constant 0 : i32
        %dma_start3A_69 = tpu.memref_slice %arg9[%dma_start3A_67, %dma_start3A_68] : memref<128x128xf32, #tpu.memory_space<vmem>> -> memref<120x128xf32, #tpu.memory_space<vmem>>
        tpu.enqueue_dma source(%dma_start3A_69 : memref<120x128xf32, #tpu.memory_space<vmem>>) target(%dma_start3A_66 : memref<120x128xf32, #tpu.memory_space<vmem_shared>>) target_semaphore(%run_scoped3A : memref<!tpu.dma_semaphore, #tpu.memory_space<semaphore_mem>>)
        %dma_wait3A_70 = arith.constant 0 : i32
        %dma_wait3A_71 = arith.constant 0 : i32
        %dma_wait3A_72 = tpu.memref_slice %arg9[%dma_wait3A_70, %dma_wait3A_71] : memref<128x128xf32, #tpu.memory_space<vmem>> -> memref<120x128xf32, #tpu.memory_space<vmem>>
        %dma_wait3A_73 = arith.constant 0 : i32
        %dma_wait3A_74 = tpu.memref_slice %arg5[%multiple_of3A_39, %dma_wait3A_73] : memref<10112x128xf32, #tpu.memory_space<vmem_shared>> -> memref<120x128xf32, #tpu.memory_space<vmem_shared>>
        %dma_wait3A_75 = arith.constant 0 : i32
        %dma_wait3A_76 = tpu.memref_slice %arg5[%multiple_of3A_39, %dma_wait3A_75] : memref<10112x128xf32, #tpu.memory_space<vmem_shared>> -> memref<120x128xf32, #tpu.memory_space<vmem_shared>>
        %dma_wait3A_77 = arith.constant 0 : i32
        %dma_wait3A_78 = arith.constant 0 : i32
        %dma_wait3A_79 = tpu.memref_slice %arg9[%dma_wait3A_77, %dma_wait3A_78] : memref<128x128xf32, #tpu.memory_space<vmem>> -> memref<120x128xf32, #tpu.memory_space<vmem>>
        tpu.wait_dma2 semaphore(%run_scoped3A : memref<!tpu.dma_semaphore, #tpu.memory_space<semaphore_mem>>) src(%dma_wait3A_79 : memref<120x128xf32, #tpu.memory_space<vmem>>) dst(%dma_wait3A_76 : memref<120x128xf32, #tpu.memory_space<vmem_shared>>)
        tpu.yield
      }) : () -> ()
      %barrier3A = arith.constant 0 : index
      tpu.barrier barrier_id(%barrier3A)
      %scan3A_40 = arith.constant 0 : i32
      %scan3A_41 = arith.constant 128 : i32
      %scan3A_42 = arith.addi %scan3A_40, %scan3A_41 : i32
      %scan3A_43 = arith.constant 1 : i32
      scf.for %scan3A_61 = %scan3A_40 to %scan3A_42 step %scan3A_43  : i32 {
        %rem3A = arith.constant 8 : i32
        %rem3A_62 = arith.remsi %scan3A_61, %rem3A : i32
        %eq3A_63 = arith.constant 0 : i32
        %eq3A_64 = arith.cmpi eq, %rem3A_62, %eq3A_63 : i32
        %convert_element_type3A_65 = arith.extui %eq3A_64 : i1 to i32
        %cond3A_66 = arith.constant 0 : i32
        %cond3A_67 = arith.cmpi ne, %convert_element_type3A_65, %cond3A_66 : i32
        scf.if %cond3A_67 {
          %jit3A_415 = arith.constant 8 : i32
          %div3A = arith.divsi %scan3A_61, %jit3A_415 : i32
          %sign3A = arith.constant 0 : i32
          %sign3A_416 = arith.cmpi sgt, %scan3A_61, %sign3A : i32
          %sign3A_417 = arith.extui %sign3A_416 : i1 to i32
          %sign3A_418 = arith.constant 0 : i32
          %sign3A_419 = arith.cmpi slt, %scan3A_61, %sign3A_418 : i32
          %sign3A_420 = arith.extui %sign3A_419 : i1 to i32
          %sign3A_421 = arith.subi %sign3A_417, %sign3A_420 : i32
          %sign3A_422 = arith.constant 0 : i32
          %sign3A_423 = arith.cmpi sgt, %jit3A_415, %sign3A_422 : i32
          %sign3A_424 = arith.extui %sign3A_423 : i1 to i32
          %sign3A_425 = arith.constant 0 : i32
          %sign3A_426 = arith.cmpi slt, %jit3A_415, %sign3A_425 : i32
          %sign3A_427 = arith.extui %sign3A_426 : i1 to i32
          %sign3A_428 = arith.subi %sign3A_424, %sign3A_427 : i32
          %ne3A = arith.cmpi ne, %sign3A_421, %sign3A_428 : i32
          %rem3A_429 = arith.remsi %scan3A_61, %jit3A_415 : i32
          %ne3A_430 = arith.constant 0 : i32
          %ne3A_431 = arith.cmpi ne, %rem3A_429, %ne3A_430 : i32
          %and3A_432 = arith.andi %ne3A, %ne3A_431 : i1
          %sub3A_433 = arith.constant 1 : i32
          %sub3A_434 = arith.subi %div3A, %sub3A_433 : i32
          %select_n3A_435 = arith.select %and3A_432, %sub3A_434, %div3A : i32
          %mul3A_436 = arith.constant 2048 : i32
          %mul3A_437 = arith.muli %select_n3A_435, %mul3A_436 : i32
          %add3A_438 = arith.addi %mul3A_0, %mul3A_437 : i32
          %multiple_of3A_439 = tpu.assume_multiple %add3A_438, 8 : i32
          %jit3A_440 = arith.constant 128 : i32
          %div3A_441 = arith.divsi %multiple_of3A_439, %jit3A_440 : i32
          %sign3A_442 = arith.constant 0 : i32
          %sign3A_443 = arith.cmpi sgt, %multiple_of3A_439, %sign3A_442 : i32
          %sign3A_444 = arith.extui %sign3A_443 : i1 to i32
          %sign3A_445 = arith.constant 0 : i32
          %sign3A_446 = arith.cmpi slt, %multiple_of3A_439, %sign3A_445 : i32
          %sign3A_447 = arith.extui %sign3A_446 : i1 to i32
          %sign3A_448 = arith.subi %sign3A_444, %sign3A_447 : i32
          %sign3A_449 = arith.constant 0 : i32
          %sign3A_450 = arith.cmpi sgt, %jit3A_440, %sign3A_449 : i32
          %sign3A_451 = arith.extui %sign3A_450 : i1 to i32
          %sign3A_452 = arith.constant 0 : i32
          %sign3A_453 = arith.cmpi slt, %jit3A_440, %sign3A_452 : i32
          %sign3A_454 = arith.extui %sign3A_453 : i1 to i32
          %sign3A_455 = arith.subi %sign3A_451, %sign3A_454 : i32
          %ne3A_456 = arith.cmpi ne, %sign3A_448, %sign3A_455 : i32
          %rem3A_457 = arith.remsi %multiple_of3A_439, %jit3A_440 : i32
          %ne3A_458 = arith.constant 0 : i32
          %ne3A_459 = arith.cmpi ne, %rem3A_457, %ne3A_458 : i32
          %and3A_460 = arith.andi %ne3A_456, %ne3A_459 : i1
          %sub3A_461 = arith.constant 1 : i32
          %sub3A_462 = arith.subi %div3A_441, %sub3A_461 : i32
          %select_n3A_463 = arith.select %and3A_460, %sub3A_462, %div3A_441 : i32
          %multiple_of3A_464 = tpu.assume_multiple %select_n3A_463, 8 : i32
          "tpu.region"() ({
            %run_scoped3A = tpu.sem_alloc : memref<!tpu.dma_semaphore, #tpu.memory_space<semaphore_mem>>
            %dma_start3A_465 = arith.constant 0 : i32
            %dma_start3A_466 = tpu.memref_slice %arg2[%multiple_of3A_464, %dma_start3A_465] : memref<4096x128xi32, #tpu.memory_space<hbm>> -> memref<16x128xi32, #tpu.memory_space<hbm>>
            %dma_start3A_467 = arith.constant 0 : i32
            %dma_start3A_468 = tpu.memref_slice %arg2[%multiple_of3A_464, %dma_start3A_467] : memref<4096x128xi32, #tpu.memory_space<hbm>> -> memref<16x128xi32, #tpu.memory_space<hbm>>
            tpu.enqueue_dma source(%dma_start3A_468 : memref<16x128xi32, #tpu.memory_space<hbm>>) target(%arg6 : memref<16x128xi32, #tpu.memory_space<vmem>>) target_semaphore(%run_scoped3A : memref<!tpu.dma_semaphore, #tpu.memory_space<semaphore_mem>>)
            %dma_wait3A_469 = arith.constant 0 : i32
            %dma_wait3A_470 = tpu.memref_slice %arg2[%multiple_of3A_464, %dma_wait3A_469] : memref<4096x128xi32, #tpu.memory_space<hbm>> -> memref<16x128xi32, #tpu.memory_space<hbm>>
            %dma_wait3A_471 = arith.constant 0 : i32
            %dma_wait3A_472 = tpu.memref_slice %arg2[%multiple_of3A_464, %dma_wait3A_471] : memref<4096x128xi32, #tpu.memory_space<hbm>> -> memref<16x128xi32, #tpu.memory_space<hbm>>
            tpu.wait_dma2 semaphore(%run_scoped3A : memref<!tpu.dma_semaphore, #tpu.memory_space<semaphore_mem>>) src(%dma_wait3A_472 : memref<16x128xi32, #tpu.memory_space<hbm>>) dst(%arg6 : memref<16x128xi32, #tpu.memory_space<vmem>>)
            tpu.yield
          }) : () -> ()
        } else {
        }
        %mul3A_68 = arith.constant 2 : i32
        %mul3A_69 = arith.muli %scan3A_61, %mul3A_68 : i32
        %add3A_70 = arith.constant 0 : i32
        %add3A_71 = arith.addi %mul3A_69, %add3A_70 : i32
        %rem3A_72 = arith.constant 16 : i32
        %rem3A_73 = arith.remsi %add3A_71, %rem3A_72 : i32
        %gt3A = arith.constant 0 : i32
        %gt3A_74 = arith.cmpi sgt, %scan3A_61, %gt3A : i32
        %convert_element_type3A_75 = arith.extui %gt3A_74 : i1 to i32
        %cond3A_76 = arith.constant 0 : i32
        %cond3A_77 = arith.cmpi ne, %convert_element_type3A_75, %cond3A_76 : i32
        scf.if %cond3A_77 {
          %dma_wait3A_415 = arith.constant 0 : i32
          %dma_wait3A_416 = arith.constant 0 : i32
          %dma_wait3A_417 = tpu.memref_slice %arg5[%dma_wait3A_415, %dma_wait3A_416] : memref<10112x128xf32, #tpu.memory_space<vmem_shared>> -> memref<10112x128xf32, #tpu.memory_space<vmem_shared>>
          tpu.wait_indirect_dma semaphore(%arg11 : memref<!tpu.dma_semaphore, #tpu.memory_space<semaphore_mem>>) src(%arg9 : memref<128x128xf32, #tpu.memory_space<vmem>>) dst(%dma_wait3A_417 : memref<10112x128xf32, #tpu.memory_space<vmem_shared>>)
        } else {
        }
        %get3A = arith.index_cast %rem3A_73 : i32 to index
        %get3A_78 = arith.constant 0 : index
        %get3A_79 = tpu.vector_load %arg6[%get3A, %get3A_78] {strides = array<i32>} : memref<16x128xi32, #tpu.memory_space<vmem>>, vector<1x16xi32>,
        %get3A_80 = vector.shape_cast %get3A_79 : vector<1x16xi32> to vector<16xi32>
        %ge3A = vector.broadcast %mul3A_9 : i32 to vector<16xi32>
        %ge3A_81 = arith.cmpi sge, %get3A_80, %ge3A : vector<16xi32>
        %add3A_82 = arith.constant 10000 : i32
        %add3A_83 = arith.addi %mul3A_9, %add3A_82 : i32
        %lt3A_84 = vector.broadcast %add3A_83 : i32 to vector<16xi32>
        %lt3A_85 = arith.cmpi slt, %get3A_80, %lt3A_84 : vector<16xi32>
        %and3A = arith.andi %ge3A_81, %lt3A_85 : vector<16xi1>
        %sub3A_86 = vector.broadcast %mul3A_9 : i32 to vector<16xi32>
        %sub3A_87 = arith.subi %get3A_80, %sub3A_86 : vector<16xi32>
        %jit3A = arith.constant 10000 : i32
        %broadcast_in_dim3A = vector.broadcast %jit3A : i32 to vector<16xi32>
        %select_n3A = arith.select %and3A, %sub3A_87, %broadcast_in_dim3A : vector<16xi1>, vector<16xi32>
        %swap3A = arith.constant 0 : index
        %swap3A_88 = tpu.vector_load %arg7[%swap3A] {strides = array<i32>} : memref<128xi32, #tpu.memory_space<vmem>>, vector<16xi32>,
        %swap3A_89 = vector.shape_cast %swap3A_88 : vector<16xi32> to vector<16xi32>
        %swap3A_90 = vector.shape_cast %select_n3A : vector<16xi32> to vector<16xi32>
        tpu.vector_store %arg7[%swap3A], %swap3A_90 {strides = array<i32>} : memref<128xi32, #tpu.memory_space<vmem>>, vector<16xi32>,
        %get3A_91 = arith.index_cast %rem3A_73 : i32 to index
        %get3A_92 = arith.constant 16 : index
        %get3A_93 = tpu.vector_load %arg6[%get3A_91, %get3A_92] {strides = array<i32>} : memref<16x128xi32, #tpu.memory_space<vmem>>, vector<1x16xi32>,
        %get3A_94 = vector.shape_cast %get3A_93 : vector<1x16xi32> to vector<16xi32>
        %ge3A_95 = vector.broadcast %mul3A_9 : i32 to vector<16xi32>
        %ge3A_96 = arith.cmpi sge, %get3A_94, %ge3A_95 : vector<16xi32>
        %add3A_97 = arith.constant 10000 : i32
        %add3A_98 = arith.addi %mul3A_9, %add3A_97 : i32
        %lt3A_99 = vector.broadcast %add3A_98 : i32 to vector<16xi32>
        %lt3A_100 = arith.cmpi slt, %get3A_94, %lt3A_99 : vector<16xi32>
        %and3A_101 = arith.andi %ge3A_96, %lt3A_100 : vector<16xi1>
        %sub3A_102 = vector.broadcast %mul3A_9 : i32 to vector<16xi32>
        %sub3A_103 = arith.subi %get3A_94, %sub3A_102 : vector<16xi32>
        %jit3A_104 = arith.constant 10000 : i32
        %broadcast_in_dim3A_105 = vector.broadcast %jit3A_104 : i32 to vector<16xi32>
        %select_n3A_106 = arith.select %and3A_101, %sub3A_103, %broadcast_in_dim3A_105 : vector<16xi1>, vector<16xi32>
        %swap3A_107 = arith.constant 16 : index
        %swap3A_108 = tpu.vector_load %arg7[%swap3A_107] {strides = array<i32>} : memref<128xi32, #tpu.memory_space<vmem>>, vector<16xi32>,
        %swap3A_109 = vector.shape_cast %swap3A_108 : vector<16xi32> to vector<16xi32>
        %swap3A_110 = vector.shape_cast %select_n3A_106 : vector<16xi32> to vector<16xi32>
        tpu.vector_store %arg7[%swap3A_107], %swap3A_110 {strides = array<i32>} : memref<128xi32, #tpu.memory_space<vmem>>, vector<16xi32>,
        %get3A_111 = arith.index_cast %rem3A_73 : i32 to index
        %get3A_112 = arith.constant 32 : index
        %get3A_113 = tpu.vector_load %arg6[%get3A_111, %get3A_112] {strides = array<i32>} : memref<16x128xi32, #tpu.memory_space<vmem>>, vector<1x16xi32>,
        %get3A_114 = vector.shape_cast %get3A_113 : vector<1x16xi32> to vector<16xi32>
        %ge3A_115 = vector.broadcast %mul3A_9 : i32 to vector<16xi32>
        %ge3A_116 = arith.cmpi sge, %get3A_114, %ge3A_115 : vector<16xi32>
        %add3A_117 = arith.constant 10000 : i32
        %add3A_118 = arith.addi %mul3A_9, %add3A_117 : i32
        %lt3A_119 = vector.broadcast %add3A_118 : i32 to vector<16xi32>
        %lt3A_120 = arith.cmpi slt, %get3A_114, %lt3A_119 : vector<16xi32>
        %and3A_121 = arith.andi %ge3A_116, %lt3A_120 : vector<16xi1>
        %sub3A_122 = vector.broadcast %mul3A_9 : i32 to vector<16xi32>
        %sub3A_123 = arith.subi %get3A_114, %sub3A_122 : vector<16xi32>
        %jit3A_124 = arith.constant 10000 : i32
        %broadcast_in_dim3A_125 = vector.broadcast %jit3A_124 : i32 to vector<16xi32>
        %select_n3A_126 = arith.select %and3A_121, %sub3A_123, %broadcast_in_dim3A_125 : vector<16xi1>, vector<16xi32>
        %swap3A_127 = arith.constant 32 : index
        %swap3A_128 = tpu.vector_load %arg7[%swap3A_127] {strides = array<i32>} : memref<128xi32, #tpu.memory_space<vmem>>, vector<16xi32>,
        %swap3A_129 = vector.shape_cast %swap3A_128 : vector<16xi32> to vector<16xi32>
        %swap3A_130 = vector.shape_cast %select_n3A_126 : vector<16xi32> to vector<16xi32>
        tpu.vector_store %arg7[%swap3A_127], %swap3A_130 {strides = array<i32>} : memref<128xi32, #tpu.memory_space<vmem>>, vector<16xi32>,
        %get3A_131 = arith.index_cast %rem3A_73 : i32 to index
        %get3A_132 = arith.constant 48 : index
        %get3A_133 = tpu.vector_load %arg6[%get3A_131, %get3A_132] {strides = array<i32>} : memref<16x128xi32, #tpu.memory_space<vmem>>, vector<1x16xi32>,
        %get3A_134 = vector.shape_cast %get3A_133 : vector<1x16xi32> to vector<16xi32>
        %ge3A_135 = vector.broadcast %mul3A_9 : i32 to vector<16xi32>
        %ge3A_136 = arith.cmpi sge, %get3A_134, %ge3A_135 : vector<16xi32>
        %add3A_137 = arith.constant 10000 : i32
        %add3A_138 = arith.addi %mul3A_9, %add3A_137 : i32
        %lt3A_139 = vector.broadcast %add3A_138 : i32 to vector<16xi32>
        %lt3A_140 = arith.cmpi slt, %get3A_134, %lt3A_139 : vector<16xi32>
        %and3A_141 = arith.andi %ge3A_136, %lt3A_140 : vector<16xi1>
        %sub3A_142 = vector.broadcast %mul3A_9 : i32 to vector<16xi32>
        %sub3A_143 = arith.subi %get3A_134, %sub3A_142 : vector<16xi32>
        %jit3A_144 = arith.constant 10000 : i32
        %broadcast_in_dim3A_145 = vector.broadcast %jit3A_144 : i32 to vector<16xi32>
        %select_n3A_146 = arith.select %and3A_141, %sub3A_143, %broadcast_in_dim3A_145 : vector<16xi1>, vector<16xi32>
        %swap3A_147 = arith.constant 48 : index
        %swap3A_148 = tpu.vector_load %arg7[%swap3A_147] {strides = array<i32>} : memref<128xi32, #tpu.memory_space<vmem>>, vector<16xi32>,
        %swap3A_149 = vector.shape_cast %swap3A_148 : vector<16xi32> to vector<16xi32>
        %swap3A_150 = vector.shape_cast %select_n3A_146 : vector<16xi32> to vector<16xi32>
        tpu.vector_store %arg7[%swap3A_147], %swap3A_150 {strides = array<i32>} : memref<128xi32, #tpu.memory_space<vmem>>, vector<16xi32>,
        %get3A_151 = arith.index_cast %rem3A_73 : i32 to index
        %get3A_152 = arith.constant 64 : index
        %get3A_153 = tpu.vector_load %arg6[%get3A_151, %get3A_152] {strides = array<i32>} : memref<16x128xi32, #tpu.memory_space<vmem>>, vector<1x16xi32>,
        %get3A_154 = vector.shape_cast %get3A_153 : vector<1x16xi32> to vector<16xi32>
        %ge3A_155 = vector.broadcast %mul3A_9 : i32 to vector<16xi32>
        %ge3A_156 = arith.cmpi sge, %get3A_154, %ge3A_155 : vector<16xi32>
        %add3A_157 = arith.constant 10000 : i32
        %add3A_158 = arith.addi %mul3A_9, %add3A_157 : i32
        %lt3A_159 = vector.broadcast %add3A_158 : i32 to vector<16xi32>
        %lt3A_160 = arith.cmpi slt, %get3A_154, %lt3A_159 : vector<16xi32>
        %and3A_161 = arith.andi %ge3A_156, %lt3A_160 : vector<16xi1>
        %sub3A_162 = vector.broadcast %mul3A_9 : i32 to vector<16xi32>
        %sub3A_163 = arith.subi %get3A_154, %sub3A_162 : vector<16xi32>
        %jit3A_164 = arith.constant 10000 : i32
        %broadcast_in_dim3A_165 = vector.broadcast %jit3A_164 : i32 to vector<16xi32>
        %select_n3A_166 = arith.select %and3A_161, %sub3A_163, %broadcast_in_dim3A_165 : vector<16xi1>, vector<16xi32>
        %swap3A_167 = arith.constant 64 : index
        %swap3A_168 = tpu.vector_load %arg7[%swap3A_167] {strides = array<i32>} : memref<128xi32, #tpu.memory_space<vmem>>, vector<16xi32>,
        %swap3A_169 = vector.shape_cast %swap3A_168 : vector<16xi32> to vector<16xi32>
        %swap3A_170 = vector.shape_cast %select_n3A_166 : vector<16xi32> to vector<16xi32>
        tpu.vector_store %arg7[%swap3A_167], %swap3A_170 {strides = array<i32>} : memref<128xi32, #tpu.memory_space<vmem>>, vector<16xi32>,
        %get3A_171 = arith.index_cast %rem3A_73 : i32 to index
        %get3A_172 = arith.constant 80 : index
        %get3A_173 = tpu.vector_load %arg6[%get3A_171, %get3A_172] {strides = array<i32>} : memref<16x128xi32, #tpu.memory_space<vmem>>, vector<1x16xi32>,
        %get3A_174 = vector.shape_cast %get3A_173 : vector<1x16xi32> to vector<16xi32>
        %ge3A_175 = vector.broadcast %mul3A_9 : i32 to vector<16xi32>
        %ge3A_176 = arith.cmpi sge, %get3A_174, %ge3A_175 : vector<16xi32>
        %add3A_177 = arith.constant 10000 : i32
        %add3A_178 = arith.addi %mul3A_9, %add3A_177 : i32
        %lt3A_179 = vector.broadcast %add3A_178 : i32 to vector<16xi32>
        %lt3A_180 = arith.cmpi slt, %get3A_174, %lt3A_179 : vector<16xi32>
        %and3A_181 = arith.andi %ge3A_176, %lt3A_180 : vector<16xi1>
        %sub3A_182 = vector.broadcast %mul3A_9 : i32 to vector<16xi32>
        %sub3A_183 = arith.subi %get3A_174, %sub3A_182 : vector<16xi32>
        %jit3A_184 = arith.constant 10000 : i32
        %broadcast_in_dim3A_185 = vector.broadcast %jit3A_184 : i32 to vector<16xi32>
        %select_n3A_186 = arith.select %and3A_181, %sub3A_183, %broadcast_in_dim3A_185 : vector<16xi1>, vector<16xi32>
        %swap3A_187 = arith.constant 80 : index
        %swap3A_188 = tpu.vector_load %arg7[%swap3A_187] {strides = array<i32>} : memref<128xi32, #tpu.memory_space<vmem>>, vector<16xi32>,
        %swap3A_189 = vector.shape_cast %swap3A_188 : vector<16xi32> to vector<16xi32>
        %swap3A_190 = vector.shape_cast %select_n3A_186 : vector<16xi32> to vector<16xi32>
        tpu.vector_store %arg7[%swap3A_187], %swap3A_190 {strides = array<i32>} : memref<128xi32, #tpu.memory_space<vmem>>, vector<16xi32>,
        %get3A_191 = arith.index_cast %rem3A_73 : i32 to index
        %get3A_192 = arith.constant 96 : index
        %get3A_193 = tpu.vector_load %arg6[%get3A_191, %get3A_192] {strides = array<i32>} : memref<16x128xi32, #tpu.memory_space<vmem>>, vector<1x16xi32>,
        %get3A_194 = vector.shape_cast %get3A_193 : vector<1x16xi32> to vector<16xi32>
        %ge3A_195 = vector.broadcast %mul3A_9 : i32 to vector<16xi32>
        %ge3A_196 = arith.cmpi sge, %get3A_194, %ge3A_195 : vector<16xi32>
        %add3A_197 = arith.constant 10000 : i32
        %add3A_198 = arith.addi %mul3A_9, %add3A_197 : i32
        %lt3A_199 = vector.broadcast %add3A_198 : i32 to vector<16xi32>
        %lt3A_200 = arith.cmpi slt, %get3A_194, %lt3A_199 : vector<16xi32>
        %and3A_201 = arith.andi %ge3A_196, %lt3A_200 : vector<16xi1>
        %sub3A_202 = vector.broadcast %mul3A_9 : i32 to vector<16xi32>
        %sub3A_203 = arith.subi %get3A_194, %sub3A_202 : vector<16xi32>
        %jit3A_204 = arith.constant 10000 : i32
        %broadcast_in_dim3A_205 = vector.broadcast %jit3A_204 : i32 to vector<16xi32>
        %select_n3A_206 = arith.select %and3A_201, %sub3A_203, %broadcast_in_dim3A_205 : vector<16xi1>, vector<16xi32>
        %swap3A_207 = arith.constant 96 : index
        %swap3A_208 = tpu.vector_load %arg7[%swap3A_207] {strides = array<i32>} : memref<128xi32, #tpu.memory_space<vmem>>, vector<16xi32>,
        %swap3A_209 = vector.shape_cast %swap3A_208 : vector<16xi32> to vector<16xi32>
        %swap3A_210 = vector.shape_cast %select_n3A_206 : vector<16xi32> to vector<16xi32>
        tpu.vector_store %arg7[%swap3A_207], %swap3A_210 {strides = array<i32>} : memref<128xi32, #tpu.memory_space<vmem>>, vector<16xi32>,
        %get3A_211 = arith.index_cast %rem3A_73 : i32 to index
        %get3A_212 = arith.constant 112 : index
        %get3A_213 = tpu.vector_load %arg6[%get3A_211, %get3A_212] {strides = array<i32>} : memref<16x128xi32, #tpu.memory_space<vmem>>, vector<1x16xi32>,
        %get3A_214 = vector.shape_cast %get3A_213 : vector<1x16xi32> to vector<16xi32>
        %ge3A_215 = vector.broadcast %mul3A_9 : i32 to vector<16xi32>
        %ge3A_216 = arith.cmpi sge, %get3A_214, %ge3A_215 : vector<16xi32>
        %add3A_217 = arith.constant 10000 : i32
        %add3A_218 = arith.addi %mul3A_9, %add3A_217 : i32
        %lt3A_219 = vector.broadcast %add3A_218 : i32 to vector<16xi32>
        %lt3A_220 = arith.cmpi slt, %get3A_214, %lt3A_219 : vector<16xi32>
        %and3A_221 = arith.andi %ge3A_216, %lt3A_220 : vector<16xi1>
        %sub3A_222 = vector.broadcast %mul3A_9 : i32 to vector<16xi32>
        %sub3A_223 = arith.subi %get3A_214, %sub3A_222 : vector<16xi32>
        %jit3A_224 = arith.constant 10000 : i32
        %broadcast_in_dim3A_225 = vector.broadcast %jit3A_224 : i32 to vector<16xi32>
        %select_n3A_226 = arith.select %and3A_221, %sub3A_223, %broadcast_in_dim3A_225 : vector<16xi1>, vector<16xi32>
        %swap3A_227 = arith.constant 112 : index
        %swap3A_228 = tpu.vector_load %arg7[%swap3A_227] {strides = array<i32>} : memref<128xi32, #tpu.memory_space<vmem>>, vector<16xi32>,
        %swap3A_229 = vector.shape_cast %swap3A_228 : vector<16xi32> to vector<16xi32>
        %swap3A_230 = vector.shape_cast %select_n3A_226 : vector<16xi32> to vector<16xi32>
        tpu.vector_store %arg7[%swap3A_227], %swap3A_230 {strides = array<i32>} : memref<128xi32, #tpu.memory_space<vmem>>, vector<16xi32>,
        %mul3A_231 = arith.constant 128 : i32
        %mul3A_232 = arith.muli %add3A_71, %mul3A_231 : i32
        %add3A_233 = arith.addi %mul3A_0, %mul3A_232 : i32
        %multiple_of3A_234 = tpu.assume_multiple %add3A_233, 8 : i32
        "tpu.region"() ({
          %run_scoped3A = tpu.sem_alloc : memref<!tpu.dma_semaphore, #tpu.memory_space<semaphore_mem>>
          %dma_start3A_415 = arith.constant 0 : i32
          %dma_start3A_416 = tpu.memref_slice %arg3[%multiple_of3A_234, %dma_start3A_415] : memref<524288x128xf32, #tpu.memory_space<hbm>> -> memref<128x128xf32, #tpu.memory_space<hbm>>
          %dma_start3A_417 = arith.constant 0 : i32
          %dma_start3A_418 = tpu.memref_slice %arg3[%multiple_of3A_234, %dma_start3A_417] : memref<524288x128xf32, #tpu.memory_space<hbm>> -> memref<128x128xf32, #tpu.memory_space<hbm>>
          tpu.enqueue_dma source(%dma_start3A_418 : memref<128x128xf32, #tpu.memory_space<hbm>>) target(%arg9 : memref<128x128xf32, #tpu.memory_space<vmem>>) target_semaphore(%run_scoped3A : memref<!tpu.dma_semaphore, #tpu.memory_space<semaphore_mem>>)
          %dma_wait3A_419 = arith.constant 0 : i32
          %dma_wait3A_420 = tpu.memref_slice %arg3[%multiple_of3A_234, %dma_wait3A_419] : memref<524288x128xf32, #tpu.memory_space<hbm>> -> memref<128x128xf32, #tpu.memory_space<hbm>>
          %dma_wait3A_421 = arith.constant 0 : i32
          %dma_wait3A_422 = tpu.memref_slice %arg3[%multiple_of3A_234, %dma_wait3A_421] : memref<524288x128xf32, #tpu.memory_space<hbm>> -> memref<128x128xf32, #tpu.memory_space<hbm>>
          tpu.wait_dma2 semaphore(%run_scoped3A : memref<!tpu.dma_semaphore, #tpu.memory_space<semaphore_mem>>) src(%dma_wait3A_422 : memref<128x128xf32, #tpu.memory_space<hbm>>) dst(%arg9 : memref<128x128xf32, #tpu.memory_space<vmem>>)
          tpu.yield
        }) : () -> ()
        %dma_start3A = arith.constant 0 : i32
        %dma_start3A_235 = arith.constant 0 : i32
        %dma_start3A_236 = tpu.memref_slice %arg5[%dma_start3A, %dma_start3A_235] : memref<10112x128xf32, #tpu.memory_space<vmem_shared>> -> memref<10112x128xf32, #tpu.memory_space<vmem_shared>>
        tpu.enqueue_indirect_dma source(%arg9 : memref<128x128xf32, #tpu.memory_space<vmem>>) target(%dma_start3A_236 : memref<10112x128xf32, #tpu.memory_space<vmem_shared>>) offsets(%arg7 : memref<128xi32, #tpu.memory_space<vmem>>) semaphore(%arg11 : memref<!tpu.dma_semaphore, #tpu.memory_space<semaphore_mem>>) {add = true}
        %mul3A_237 = arith.constant 2 : i32
        %mul3A_238 = arith.muli %scan3A_61, %mul3A_237 : i32
        %add3A_239 = arith.constant 1 : i32
        %add3A_240 = arith.addi %mul3A_238, %add3A_239 : i32
        %rem3A_241 = arith.constant 16 : i32
        %rem3A_242 = arith.remsi %add3A_240, %rem3A_241 : i32
        %gt3A_243 = arith.constant 0 : i32
        %gt3A_244 = arith.cmpi sgt, %scan3A_61, %gt3A_243 : i32
        %convert_element_type3A_245 = arith.extui %gt3A_244 : i1 to i32
        %cond3A_246 = arith.constant 0 : i32
        %cond3A_247 = arith.cmpi ne, %convert_element_type3A_245, %cond3A_246 : i32
        scf.if %cond3A_247 {
          %dma_wait3A_415 = arith.constant 0 : i32
          %dma_wait3A_416 = arith.constant 0 : i32
          %dma_wait3A_417 = tpu.memref_slice %arg5[%dma_wait3A_415, %dma_wait3A_416] : memref<10112x128xf32, #tpu.memory_space<vmem_shared>> -> memref<10112x128xf32, #tpu.memory_space<vmem_shared>>
          tpu.wait_indirect_dma semaphore(%arg12 : memref<!tpu.dma_semaphore, #tpu.memory_space<semaphore_mem>>) src(%arg10 : memref<128x128xf32, #tpu.memory_space<vmem>>) dst(%dma_wait3A_417 : memref<10112x128xf32, #tpu.memory_space<vmem_shared>>)
        } else {
        }
        %get3A_248 = arith.index_cast %rem3A_242 : i32 to index
        %get3A_249 = arith.constant 0 : index
        %get3A_250 = tpu.vector_load %arg6[%get3A_248, %get3A_249] {strides = array<i32>} : memref<16x128xi32, #tpu.memory_space<vmem>>, vector<1x16xi32>,
        %get3A_251 = vector.shape_cast %get3A_250 : vector<1x16xi32> to vector<16xi32>
        %ge3A_252 = vector.broadcast %mul3A_9 : i32 to vector<16xi32>
        %ge3A_253 = arith.cmpi sge, %get3A_251, %ge3A_252 : vector<16xi32>
        %add3A_254 = arith.constant 10000 : i32
        %add3A_255 = arith.addi %mul3A_9, %add3A_254 : i32
        %lt3A_256 = vector.broadcast %add3A_255 : i32 to vector<16xi32>
        %lt3A_257 = arith.cmpi slt, %get3A_251, %lt3A_256 : vector<16xi32>
        %and3A_258 = arith.andi %ge3A_253, %lt3A_257 : vector<16xi1>
        %sub3A_259 = vector.broadcast %mul3A_9 : i32 to vector<16xi32>
        %sub3A_260 = arith.subi %get3A_251, %sub3A_259 : vector<16xi32>
        %jit3A_261 = arith.constant 10000 : i32
        %broadcast_in_dim3A_262 = vector.broadcast %jit3A_261 : i32 to vector<16xi32>
        %select_n3A_263 = arith.select %and3A_258, %sub3A_260, %broadcast_in_dim3A_262 : vector<16xi1>, vector<16xi32>
        %swap3A_264 = arith.constant 0 : index
        %swap3A_265 = tpu.vector_load %arg8[%swap3A_264] {strides = array<i32>} : memref<128xi32, #tpu.memory_space<vmem>>, vector<16xi32>,
        %swap3A_266 = vector.shape_cast %swap3A_265 : vector<16xi32> to vector<16xi32>
        %swap3A_267 = vector.shape_cast %select_n3A_263 : vector<16xi32> to vector<16xi32>
        tpu.vector_store %arg8[%swap3A_264], %swap3A_267 {strides = array<i32>} : memref<128xi32, #tpu.memory_space<vmem>>, vector<16xi32>,
        %get3A_268 = arith.index_cast %rem3A_242 : i32 to index
        %get3A_269 = arith.constant 16 : index
        %get3A_270 = tpu.vector_load %arg6[%get3A_268, %get3A_269] {strides = array<i32>} : memref<16x128xi32, #tpu.memory_space<vmem>>, vector<1x16xi32>,
        %get3A_271 = vector.shape_cast %get3A_270 : vector<1x16xi32> to vector<16xi32>
        %ge3A_272 = vector.broadcast %mul3A_9 : i32 to vector<16xi32>
        %ge3A_273 = arith.cmpi sge, %get3A_271, %ge3A_272 : vector<16xi32>
        %add3A_274 = arith.constant 10000 : i32
        %add3A_275 = arith.addi %mul3A_9, %add3A_274 : i32
        %lt3A_276 = vector.broadcast %add3A_275 : i32 to vector<16xi32>
        %lt3A_277 = arith.cmpi slt, %get3A_271, %lt3A_276 : vector<16xi32>
        %and3A_278 = arith.andi %ge3A_273, %lt3A_277 : vector<16xi1>
        %sub3A_279 = vector.broadcast %mul3A_9 : i32 to vector<16xi32>
        %sub3A_280 = arith.subi %get3A_271, %sub3A_279 : vector<16xi32>
        %jit3A_281 = arith.constant 10000 : i32
        %broadcast_in_dim3A_282 = vector.broadcast %jit3A_281 : i32 to vector<16xi32>
        %select_n3A_283 = arith.select %and3A_278, %sub3A_280, %broadcast_in_dim3A_282 : vector<16xi1>, vector<16xi32>
        %swap3A_284 = arith.constant 16 : index
        %swap3A_285 = tpu.vector_load %arg8[%swap3A_284] {strides = array<i32>} : memref<128xi32, #tpu.memory_space<vmem>>, vector<16xi32>,
        %swap3A_286 = vector.shape_cast %swap3A_285 : vector<16xi32> to vector<16xi32>
        %swap3A_287 = vector.shape_cast %select_n3A_283 : vector<16xi32> to vector<16xi32>
        tpu.vector_store %arg8[%swap3A_284], %swap3A_287 {strides = array<i32>} : memref<128xi32, #tpu.memory_space<vmem>>, vector<16xi32>,
        %get3A_288 = arith.index_cast %rem3A_242 : i32 to index
        %get3A_289 = arith.constant 32 : index
        %get3A_290 = tpu.vector_load %arg6[%get3A_288, %get3A_289] {strides = array<i32>} : memref<16x128xi32, #tpu.memory_space<vmem>>, vector<1x16xi32>,
        %get3A_291 = vector.shape_cast %get3A_290 : vector<1x16xi32> to vector<16xi32>
        %ge3A_292 = vector.broadcast %mul3A_9 : i32 to vector<16xi32>
        %ge3A_293 = arith.cmpi sge, %get3A_291, %ge3A_292 : vector<16xi32>
        %add3A_294 = arith.constant 10000 : i32
        %add3A_295 = arith.addi %mul3A_9, %add3A_294 : i32
        %lt3A_296 = vector.broadcast %add3A_295 : i32 to vector<16xi32>
        %lt3A_297 = arith.cmpi slt, %get3A_291, %lt3A_296 : vector<16xi32>
        %and3A_298 = arith.andi %ge3A_293, %lt3A_297 : vector<16xi1>
        %sub3A_299 = vector.broadcast %mul3A_9 : i32 to vector<16xi32>
        %sub3A_300 = arith.subi %get3A_291, %sub3A_299 : vector<16xi32>
        %jit3A_301 = arith.constant 10000 : i32
        %broadcast_in_dim3A_302 = vector.broadcast %jit3A_301 : i32 to vector<16xi32>
        %select_n3A_303 = arith.select %and3A_298, %sub3A_300, %broadcast_in_dim3A_302 : vector<16xi1>, vector<16xi32>
        %swap3A_304 = arith.constant 32 : index
        %swap3A_305 = tpu.vector_load %arg8[%swap3A_304] {strides = array<i32>} : memref<128xi32, #tpu.memory_space<vmem>>, vector<16xi32>,
        %swap3A_306 = vector.shape_cast %swap3A_305 : vector<16xi32> to vector<16xi32>
        %swap3A_307 = vector.shape_cast %select_n3A_303 : vector<16xi32> to vector<16xi32>
        tpu.vector_store %arg8[%swap3A_304], %swap3A_307 {strides = array<i32>} : memref<128xi32, #tpu.memory_space<vmem>>, vector<16xi32>,
        %get3A_308 = arith.index_cast %rem3A_242 : i32 to index
        %get3A_309 = arith.constant 48 : index
        %get3A_310 = tpu.vector_load %arg6[%get3A_308, %get3A_309] {strides = array<i32>} : memref<16x128xi32, #tpu.memory_space<vmem>>, vector<1x16xi32>,
        %get3A_311 = vector.shape_cast %get3A_310 : vector<1x16xi32> to vector<16xi32>
        %ge3A_312 = vector.broadcast %mul3A_9 : i32 to vector<16xi32>
        %ge3A_313 = arith.cmpi sge, %get3A_311, %ge3A_312 : vector<16xi32>
        %add3A_314 = arith.constant 10000 : i32
        %add3A_315 = arith.addi %mul3A_9, %add3A_314 : i32
        %lt3A_316 = vector.broadcast %add3A_315 : i32 to vector<16xi32>
        %lt3A_317 = arith.cmpi slt, %get3A_311, %lt3A_316 : vector<16xi32>
        %and3A_318 = arith.andi %ge3A_313, %lt3A_317 : vector<16xi1>
        %sub3A_319 = vector.broadcast %mul3A_9 : i32 to vector<16xi32>
        %sub3A_320 = arith.subi %get3A_311, %sub3A_319 : vector<16xi32>
        %jit3A_321 = arith.constant 10000 : i32
        %broadcast_in_dim3A_322 = vector.broadcast %jit3A_321 : i32 to vector<16xi32>
        %select_n3A_323 = arith.select %and3A_318, %sub3A_320, %broadcast_in_dim3A_322 : vector<16xi1>, vector<16xi32>
        %swap3A_324 = arith.constant 48 : index
        %swap3A_325 = tpu.vector_load %arg8[%swap3A_324] {strides = array<i32>} : memref<128xi32, #tpu.memory_space<vmem>>, vector<16xi32>,
        %swap3A_326 = vector.shape_cast %swap3A_325 : vector<16xi32> to vector<16xi32>
        %swap3A_327 = vector.shape_cast %select_n3A_323 : vector<16xi32> to vector<16xi32>
        tpu.vector_store %arg8[%swap3A_324], %swap3A_327 {strides = array<i32>} : memref<128xi32, #tpu.memory_space<vmem>>, vector<16xi32>,
        %get3A_328 = arith.index_cast %rem3A_242 : i32 to index
        %get3A_329 = arith.constant 64 : index
        %get3A_330 = tpu.vector_load %arg6[%get3A_328, %get3A_329] {strides = array<i32>} : memref<16x128xi32, #tpu.memory_space<vmem>>, vector<1x16xi32>,
        %get3A_331 = vector.shape_cast %get3A_330 : vector<1x16xi32> to vector<16xi32>
        %ge3A_332 = vector.broadcast %mul3A_9 : i32 to vector<16xi32>
        %ge3A_333 = arith.cmpi sge, %get3A_331, %ge3A_332 : vector<16xi32>
        %add3A_334 = arith.constant 10000 : i32
        %add3A_335 = arith.addi %mul3A_9, %add3A_334 : i32
        %lt3A_336 = vector.broadcast %add3A_335 : i32 to vector<16xi32>
        %lt3A_337 = arith.cmpi slt, %get3A_331, %lt3A_336 : vector<16xi32>
        %and3A_338 = arith.andi %ge3A_333, %lt3A_337 : vector<16xi1>
        %sub3A_339 = vector.broadcast %mul3A_9 : i32 to vector<16xi32>
        %sub3A_340 = arith.subi %get3A_331, %sub3A_339 : vector<16xi32>
        %jit3A_341 = arith.constant 10000 : i32
        %broadcast_in_dim3A_342 = vector.broadcast %jit3A_341 : i32 to vector<16xi32>
        %select_n3A_343 = arith.select %and3A_338, %sub3A_340, %broadcast_in_dim3A_342 : vector<16xi1>, vector<16xi32>
        %swap3A_344 = arith.constant 64 : index
        %swap3A_345 = tpu.vector_load %arg8[%swap3A_344] {strides = array<i32>} : memref<128xi32, #tpu.memory_space<vmem>>, vector<16xi32>,
        %swap3A_346 = vector.shape_cast %swap3A_345 : vector<16xi32> to vector<16xi32>
        %swap3A_347 = vector.shape_cast %select_n3A_343 : vector<16xi32> to vector<16xi32>
        tpu.vector_store %arg8[%swap3A_344], %swap3A_347 {strides = array<i32>} : memref<128xi32, #tpu.memory_space<vmem>>, vector<16xi32>,
        %get3A_348 = arith.index_cast %rem3A_242 : i32 to index
        %get3A_349 = arith.constant 80 : index
        %get3A_350 = tpu.vector_load %arg6[%get3A_348, %get3A_349] {strides = array<i32>} : memref<16x128xi32, #tpu.memory_space<vmem>>, vector<1x16xi32>,
        %get3A_351 = vector.shape_cast %get3A_350 : vector<1x16xi32> to vector<16xi32>
        %ge3A_352 = vector.broadcast %mul3A_9 : i32 to vector<16xi32>
        %ge3A_353 = arith.cmpi sge, %get3A_351, %ge3A_352 : vector<16xi32>
        %add3A_354 = arith.constant 10000 : i32
        %add3A_355 = arith.addi %mul3A_9, %add3A_354 : i32
        %lt3A_356 = vector.broadcast %add3A_355 : i32 to vector<16xi32>
        %lt3A_357 = arith.cmpi slt, %get3A_351, %lt3A_356 : vector<16xi32>
        %and3A_358 = arith.andi %ge3A_353, %lt3A_357 : vector<16xi1>
        %sub3A_359 = vector.broadcast %mul3A_9 : i32 to vector<16xi32>
        %sub3A_360 = arith.subi %get3A_351, %sub3A_359 : vector<16xi32>
        %jit3A_361 = arith.constant 10000 : i32
        %broadcast_in_dim3A_362 = vector.broadcast %jit3A_361 : i32 to vector<16xi32>
        %select_n3A_363 = arith.select %and3A_358, %sub3A_360, %broadcast_in_dim3A_362 : vector<16xi1>, vector<16xi32>
        %swap3A_364 = arith.constant 80 : index
        %swap3A_365 = tpu.vector_load %arg8[%swap3A_364] {strides = array<i32>} : memref<128xi32, #tpu.memory_space<vmem>>, vector<16xi32>,
        %swap3A_366 = vector.shape_cast %swap3A_365 : vector<16xi32> to vector<16xi32>
        %swap3A_367 = vector.shape_cast %select_n3A_363 : vector<16xi32> to vector<16xi32>
        tpu.vector_store %arg8[%swap3A_364], %swap3A_367 {strides = array<i32>} : memref<128xi32, #tpu.memory_space<vmem>>, vector<16xi32>,
        %get3A_368 = arith.index_cast %rem3A_242 : i32 to index
        %get3A_369 = arith.constant 96 : index
        %get3A_370 = tpu.vector_load %arg6[%get3A_368, %get3A_369] {strides = array<i32>} : memref<16x128xi32, #tpu.memory_space<vmem>>, vector<1x16xi32>,
        %get3A_371 = vector.shape_cast %get3A_370 : vector<1x16xi32> to vector<16xi32>
        %ge3A_372 = vector.broadcast %mul3A_9 : i32 to vector<16xi32>
        %ge3A_373 = arith.cmpi sge, %get3A_371, %ge3A_372 : vector<16xi32>
        %add3A_374 = arith.constant 10000 : i32
        %add3A_375 = arith.addi %mul3A_9, %add3A_374 : i32
        %lt3A_376 = vector.broadcast %add3A_375 : i32 to vector<16xi32>
        %lt3A_377 = arith.cmpi slt, %get3A_371, %lt3A_376 : vector<16xi32>
        %and3A_378 = arith.andi %ge3A_373, %lt3A_377 : vector<16xi1>
        %sub3A_379 = vector.broadcast %mul3A_9 : i32 to vector<16xi32>
        %sub3A_380 = arith.subi %get3A_371, %sub3A_379 : vector<16xi32>
        %jit3A_381 = arith.constant 10000 : i32
        %broadcast_in_dim3A_382 = vector.broadcast %jit3A_381 : i32 to vector<16xi32>
        %select_n3A_383 = arith.select %and3A_378, %sub3A_380, %broadcast_in_dim3A_382 : vector<16xi1>, vector<16xi32>
        %swap3A_384 = arith.constant 96 : index
        %swap3A_385 = tpu.vector_load %arg8[%swap3A_384] {strides = array<i32>} : memref<128xi32, #tpu.memory_space<vmem>>, vector<16xi32>,
        %swap3A_386 = vector.shape_cast %swap3A_385 : vector<16xi32> to vector<16xi32>
        %swap3A_387 = vector.shape_cast %select_n3A_383 : vector<16xi32> to vector<16xi32>
        tpu.vector_store %arg8[%swap3A_384], %swap3A_387 {strides = array<i32>} : memref<128xi32, #tpu.memory_space<vmem>>, vector<16xi32>,
        %get3A_388 = arith.index_cast %rem3A_242 : i32 to index
        %get3A_389 = arith.constant 112 : index
        %get3A_390 = tpu.vector_load %arg6[%get3A_388, %get3A_389] {strides = array<i32>} : memref<16x128xi32, #tpu.memory_space<vmem>>, vector<1x16xi32>,
        %get3A_391 = vector.shape_cast %get3A_390 : vector<1x16xi32> to vector<16xi32>
        %ge3A_392 = vector.broadcast %mul3A_9 : i32 to vector<16xi32>
        %ge3A_393 = arith.cmpi sge, %get3A_391, %ge3A_392 : vector<16xi32>
        %add3A_394 = arith.constant 10000 : i32
        %add3A_395 = arith.addi %mul3A_9, %add3A_394 : i32
        %lt3A_396 = vector.broadcast %add3A_395 : i32 to vector<16xi32>
        %lt3A_397 = arith.cmpi slt, %get3A_391, %lt3A_396 : vector<16xi32>
        %and3A_398 = arith.andi %ge3A_393, %lt3A_397 : vector<16xi1>
        %sub3A_399 = vector.broadcast %mul3A_9 : i32 to vector<16xi32>
        %sub3A_400 = arith.subi %get3A_391, %sub3A_399 : vector<16xi32>
        %jit3A_401 = arith.constant 10000 : i32
        %broadcast_in_dim3A_402 = vector.broadcast %jit3A_401 : i32 to vector<16xi32>
        %select_n3A_403 = arith.select %and3A_398, %sub3A_400, %broadcast_in_dim3A_402 : vector<16xi1>, vector<16xi32>
        %swap3A_404 = arith.constant 112 : index
        %swap3A_405 = tpu.vector_load %arg8[%swap3A_404] {strides = array<i32>} : memref<128xi32, #tpu.memory_space<vmem>>, vector<16xi32>,
        %swap3A_406 = vector.shape_cast %swap3A_405 : vector<16xi32> to vector<16xi32>
        %swap3A_407 = vector.shape_cast %select_n3A_403 : vector<16xi32> to vector<16xi32>
        tpu.vector_store %arg8[%swap3A_404], %swap3A_407 {strides = array<i32>} : memref<128xi32, #tpu.memory_space<vmem>>, vector<16xi32>,
        %mul3A_408 = arith.constant 128 : i32
        %mul3A_409 = arith.muli %add3A_240, %mul3A_408 : i32
        %add3A_410 = arith.addi %mul3A_0, %mul3A_409 : i32
        %multiple_of3A_411 = tpu.assume_multiple %add3A_410, 8 : i32
        "tpu.region"() ({
          %run_scoped3A = tpu.sem_alloc : memref<!tpu.dma_semaphore, #tpu.memory_space<semaphore_mem>>
          %dma_start3A_415 = arith.constant 0 : i32
          %dma_start3A_416 = tpu.memref_slice %arg3[%multiple_of3A_411, %dma_start3A_415] : memref<524288x128xf32, #tpu.memory_space<hbm>> -> memref<128x128xf32, #tpu.memory_space<hbm>>
          %dma_start3A_417 = arith.constant 0 : i32
          %dma_start3A_418 = tpu.memref_slice %arg3[%multiple_of3A_411, %dma_start3A_417] : memref<524288x128xf32, #tpu.memory_space<hbm>> -> memref<128x128xf32, #tpu.memory_space<hbm>>
          tpu.enqueue_dma source(%dma_start3A_418 : memref<128x128xf32, #tpu.memory_space<hbm>>) target(%arg10 : memref<128x128xf32, #tpu.memory_space<vmem>>) target_semaphore(%run_scoped3A : memref<!tpu.dma_semaphore, #tpu.memory_space<semaphore_mem>>)
          %dma_wait3A_419 = arith.constant 0 : i32
          %dma_wait3A_420 = tpu.memref_slice %arg3[%multiple_of3A_411, %dma_wait3A_419] : memref<524288x128xf32, #tpu.memory_space<hbm>> -> memref<128x128xf32, #tpu.memory_space<hbm>>
          %dma_wait3A_421 = arith.constant 0 : i32
          %dma_wait3A_422 = tpu.memref_slice %arg3[%multiple_of3A_411, %dma_wait3A_421] : memref<524288x128xf32, #tpu.memory_space<hbm>> -> memref<128x128xf32, #tpu.memory_space<hbm>>
          tpu.wait_dma2 semaphore(%run_scoped3A : memref<!tpu.dma_semaphore, #tpu.memory_space<semaphore_mem>>) src(%dma_wait3A_422 : memref<128x128xf32, #tpu.memory_space<hbm>>) dst(%arg10 : memref<128x128xf32, #tpu.memory_space<vmem>>)
          tpu.yield
        }) : () -> ()
        %dma_start3A_412 = arith.constant 0 : i32
        %dma_start3A_413 = arith.constant 0 : i32
        %dma_start3A_414 = tpu.memref_slice %arg5[%dma_start3A_412, %dma_start3A_413] : memref<10112x128xf32, #tpu.memory_space<vmem_shared>> -> memref<10112x128xf32, #tpu.memory_space<vmem_shared>>
        tpu.enqueue_indirect_dma source(%arg10 : memref<128x128xf32, #tpu.memory_space<vmem>>) target(%dma_start3A_414 : memref<10112x128xf32, #tpu.memory_space<vmem_shared>>) offsets(%arg8 : memref<128xi32, #tpu.memory_space<vmem>>) semaphore(%arg12 : memref<!tpu.dma_semaphore, #tpu.memory_space<semaphore_mem>>) {add = true}
      }
      %scan3A_44 = arith.constant 128 : i32
      %dma_wait3A = arith.constant 0 : i32
      %dma_wait3A_45 = arith.constant 0 : i32
      %dma_wait3A_46 = tpu.memref_slice %arg5[%dma_wait3A, %dma_wait3A_45] : memref<10112x128xf32, #tpu.memory_space<vmem_shared>> -> memref<10112x128xf32, #tpu.memory_space<vmem_shared>>
      tpu.wait_indirect_dma semaphore(%arg11 : memref<!tpu.dma_semaphore, #tpu.memory_space<semaphore_mem>>) src(%arg9 : memref<128x128xf32, #tpu.memory_space<vmem>>) dst(%dma_wait3A_46 : memref<10112x128xf32, #tpu.memory_space<vmem_shared>>)
      %dma_wait3A_47 = arith.constant 0 : i32
      %dma_wait3A_48 = arith.constant 0 : i32
      %dma_wait3A_49 = tpu.memref_slice %arg5[%dma_wait3A_47, %dma_wait3A_48] : memref<10112x128xf32, #tpu.memory_space<vmem_shared>> -> memref<10112x128xf32, #tpu.memory_space<vmem_shared>>
      tpu.wait_indirect_dma semaphore(%arg12 : memref<!tpu.dma_semaphore, #tpu.memory_space<semaphore_mem>>) src(%arg10 : memref<128x128xf32, #tpu.memory_space<vmem>>) dst(%dma_wait3A_49 : memref<10112x128xf32, #tpu.memory_space<vmem_shared>>)
      %barrier3A_50 = arith.constant 0 : index
      tpu.barrier barrier_id(%barrier3A_50)
      %mul3A_51 = arith.constant 632 : i32
      %mul3A_52 = arith.muli %arg1, %mul3A_51 : i32
      %multiple_of3A_53 = tpu.assume_multiple %mul3A_52, 8 : i32
      %lt3A = arith.constant 15 : i32
      %lt3A_54 = arith.cmpi slt, %arg1, %lt3A : i32
      %convert_element_type3A = arith.extui %lt3A_54 : i1 to i32
      %cond3A = arith.constant 0 : i32
      %cond3A_55 = arith.cmpi ne, %convert_element_type3A, %cond3A : i32
      scf.if %cond3A_55 {
        %add3A_61 = arith.addi %mul3A_9, %multiple_of3A_53 : i32
        %multiple_of3A_62 = tpu.assume_multiple %add3A_61, 8 : i32
        "tpu.region"() ({
          %run_scoped3A = tpu.sem_alloc : memref<!tpu.dma_semaphore, #tpu.memory_space<semaphore_mem>>
          %dma_start3A = arith.constant 0 : i32
          %dma_start3A_63 = tpu.memref_slice %arg4[%multiple_of3A_62, %dma_start3A] : memref<320000x128xf32, #tpu.memory_space<hbm>> -> memref<632x128xf32, #tpu.memory_space<hbm>>
          %dma_start3A_64 = arith.constant 0 : i32
          %dma_start3A_65 = tpu.memref_slice %arg5[%multiple_of3A_53, %dma_start3A_64] : memref<10112x128xf32, #tpu.memory_space<vmem_shared>> -> memref<632x128xf32, #tpu.memory_space<vmem_shared>>
          tpu.enqueue_dma source(%dma_start3A_65 : memref<632x128xf32, #tpu.memory_space<vmem_shared>>) target(%dma_start3A_63 : memref<632x128xf32, #tpu.memory_space<hbm>>) target_semaphore(%run_scoped3A : memref<!tpu.dma_semaphore, #tpu.memory_space<semaphore_mem>>)
          %dma_wait3A_66 = arith.constant 0 : i32
          %dma_wait3A_67 = tpu.memref_slice %arg4[%multiple_of3A_62, %dma_wait3A_66] : memref<320000x128xf32, #tpu.memory_space<hbm>> -> memref<632x128xf32, #tpu.memory_space<hbm>>
          %dma_wait3A_68 = arith.constant 0 : i32
          %dma_wait3A_69 = tpu.memref_slice %arg5[%multiple_of3A_53, %dma_wait3A_68] : memref<10112x128xf32, #tpu.memory_space<vmem_shared>> -> memref<632x128xf32, #tpu.memory_space<vmem_shared>>
          tpu.wait_dma2 semaphore(%run_scoped3A : memref<!tpu.dma_semaphore, #tpu.memory_space<semaphore_mem>>) src(%dma_wait3A_69 : memref<632x128xf32, #tpu.memory_space<vmem_shared>>) dst(%dma_wait3A_67 : memref<632x128xf32, #tpu.memory_space<hbm>>)
          tpu.yield
        }) : () -> ()
      } else {
      }
      %eq3A = arith.constant 15 : i32
      %eq3A_56 = arith.cmpi eq, %arg1, %eq3A : i32
      %convert_element_type3A_57 = arith.extui %eq3A_56 : i1 to i32
      %cond3A_58 = arith.constant 0 : i32
      %cond3A_59 = arith.cmpi ne, %convert_element_type3A_57, %cond3A_58 : i32
      scf.if %cond3A_59 {
        %add3A_61 = arith.addi %mul3A_9, %multiple_of3A_53 : i32
        %multiple_of3A_62 = tpu.assume_multiple %add3A_61, 8 : i32
        "tpu.region"() ({
          %run_scoped3A = tpu.sem_alloc : memref<!tpu.dma_semaphore, #tpu.memory_space<semaphore_mem>>
          %dma_start3A = arith.constant 0 : i32
          %dma_start3A_63 = tpu.memref_slice %arg4[%multiple_of3A_62, %dma_start3A] : memref<320000x128xf32, #tpu.memory_space<hbm>> -> memref<520x128xf32, #tpu.memory_space<hbm>>
          %dma_start3A_64 = arith.constant 0 : i32
          %dma_start3A_65 = tpu.memref_slice %arg5[%multiple_of3A_53, %dma_start3A_64] : memref<10112x128xf32, #tpu.memory_space<vmem_shared>> -> memref<520x128xf32, #tpu.memory_space<vmem_shared>>
          tpu.enqueue_dma source(%dma_start3A_65 : memref<520x128xf32, #tpu.memory_space<vmem_shared>>) target(%dma_start3A_63 : memref<520x128xf32, #tpu.memory_space<hbm>>) target_semaphore(%run_scoped3A : memref<!tpu.dma_semaphore, #tpu.memory_space<semaphore_mem>>)
          %dma_wait3A_66 = arith.constant 0 : i32
          %dma_wait3A_67 = tpu.memref_slice %arg4[%multiple_of3A_62, %dma_wait3A_66] : memref<320000x128xf32, #tpu.memory_space<hbm>> -> memref<520x128xf32, #tpu.memory_space<hbm>>
          %dma_wait3A_68 = arith.constant 0 : i32
          %dma_wait3A_69 = tpu.memref_slice %arg5[%multiple_of3A_53, %dma_wait3A_68] : memref<10112x128xf32, #tpu.memory_space<vmem_shared>> -> memref<520x128xf32, #tpu.memory_space<vmem_shared>>
          tpu.wait_dma2 semaphore(%run_scoped3A : memref<!tpu.dma_semaphore, #tpu.memory_space<semaphore_mem>>) src(%dma_wait3A_69 : memref<520x128xf32, #tpu.memory_space<vmem_shared>>) dst(%dma_wait3A_67 : memref<520x128xf32, #tpu.memory_space<hbm>>)
          tpu.yield
        }) : () -> ()
      } else {
      }
      %barrier3A_60 = arith.constant 0 : index
      tpu.barrier barrier_id(%barrier3A_60)
    }
    %scan3A_4 = arith.constant 16 : i32
    return
  }
}

#map = affine_map<(d0, d1) -> (0, 0)>
module attributes {stable_mosaic.version = 14 : i64} {
  func.func @_gather3(%arg0: i32, %arg1: i32, %arg2: memref<10000x128xf32, #tpu.memory_space<hbm>>, %arg3: memref<320000x128xf32, #tpu.memory_space<hbm>>, %arg4: memref<4096x128xi32, #tpu.memory_space<hbm>>, %arg5: memref<4096x128xi32, #tpu.memory_space<hbm>>, %arg6: memref<4096x128xi32, #tpu.memory_space<hbm>>, %arg7: memref<524288x128xf32, #tpu.memory_space<hbm>>, %arg8: memref<524288x128xf32, #tpu.memory_space<hbm>>, %arg9: memref<524288x128xf32, #tpu.memory_space<hbm>>, %arg10: memref<8x128xi32, #tpu.memory_space<vmem>>, %arg11: memref<512x128xf32, #tpu.memory_space<vmem>>, %arg12: memref<!tpu.dma_semaphore, #tpu.memory_space<semaphore_mem>>) attributes {dimension_semantics = [#tpu.dimension_semantics<core_parallel>, #tpu.dimension_semantics<subcore_parallel>], iteration_bounds = array<i64: 2, 16>, scalar_prefetch = 0 : i64, scratch_operands = 3 : i64, tpu.core_type = #tpu.core_type<sc_vector_subcore>, window_params = [{transform_indices = #map}, {transform_indices = #map}, {transform_indices = #map}, {transform_indices = #map}, {transform_indices = #map}, {transform_indices = #map}, {transform_indices = #map}, {transform_indices = #map}]} {
    %mul3A = arith.constant 2 : i32
    %mul3A_0 = arith.muli %arg1, %mul3A : i32
    %add3A = arith.addi %mul3A_0, %arg0 : i32
    %mul3A_1 = arith.constant 16384 : i32
    %mul3A_2 = arith.muli %add3A, %mul3A_1 : i32
    %scan3A = arith.constant 0 : i32
    %scan3A_3 = arith.constant 16 : i32
    %scan3A_4 = arith.addi %scan3A, %scan3A_3 : i32
    %scan3A_5 = arith.constant 1 : i32
    scf.for %scan3A_7 = %scan3A to %scan3A_4 step %scan3A_5  : i32 {
      %mul3A_8 = arith.constant 1024 : i32
      %mul3A_9 = arith.muli %scan3A_7, %mul3A_8 : i32
      %add3A_10 = arith.addi %mul3A_2, %mul3A_9 : i32
      %multiple_of3A = tpu.assume_multiple %add3A_10, 8 : i32
      %jit3A = arith.constant 128 : i32
      %div3A = arith.divsi %multiple_of3A, %jit3A : i32
      %sign3A = arith.constant 0 : i32
      %sign3A_11 = arith.cmpi sgt, %multiple_of3A, %sign3A : i32
      %sign3A_12 = arith.extui %sign3A_11 : i1 to i32
      %sign3A_13 = arith.constant 0 : i32
      %sign3A_14 = arith.cmpi slt, %multiple_of3A, %sign3A_13 : i32
      %sign3A_15 = arith.extui %sign3A_14 : i1 to i32
      %sign3A_16 = arith.subi %sign3A_12, %sign3A_15 : i32
      %sign3A_17 = arith.constant 0 : i32
      %sign3A_18 = arith.cmpi sgt, %jit3A, %sign3A_17 : i32
      %sign3A_19 = arith.extui %sign3A_18 : i1 to i32
      %sign3A_20 = arith.constant 0 : i32
      %sign3A_21 = arith.cmpi slt, %jit3A, %sign3A_20 : i32
      %sign3A_22 = arith.extui %sign3A_21 : i1 to i32
      %sign3A_23 = arith.subi %sign3A_19, %sign3A_22 : i32
      %ne3A = arith.cmpi ne, %sign3A_16, %sign3A_23 : i32
      %rem3A = arith.remsi %multiple_of3A, %jit3A : i32
      %ne3A_24 = arith.constant 0 : i32
      %ne3A_25 = arith.cmpi ne, %rem3A, %ne3A_24 : i32
      %and3A = arith.andi %ne3A, %ne3A_25 : i1
      %sub3A = arith.constant 1 : i32
      %sub3A_26 = arith.subi %div3A, %sub3A : i32
      %select_n3A = arith.select %and3A, %sub3A_26, %div3A : i32
      %multiple_of3A_27 = tpu.assume_multiple %select_n3A, 8 : i32
      "tpu.region"() ({
        %run_scoped3A = tpu.sem_alloc : memref<!tpu.dma_semaphore, #tpu.memory_space<semaphore_mem>>
        %dma_start3A_524 = arith.constant 0 : i32
        %dma_start3A_525 = tpu.memref_slice %arg4[%multiple_of3A_27, %dma_start3A_524] : memref<4096x128xi32, #tpu.memory_space<hbm>> -> memref<8x128xi32, #tpu.memory_space<hbm>>
        %dma_start3A_526 = arith.constant 0 : i32
        %dma_start3A_527 = tpu.memref_slice %arg4[%multiple_of3A_27, %dma_start3A_526] : memref<4096x128xi32, #tpu.memory_space<hbm>> -> memref<8x128xi32, #tpu.memory_space<hbm>>
        tpu.enqueue_dma source(%dma_start3A_527 : memref<8x128xi32, #tpu.memory_space<hbm>>) target(%arg10 : memref<8x128xi32, #tpu.memory_space<vmem>>) target_semaphore(%run_scoped3A : memref<!tpu.dma_semaphore, #tpu.memory_space<semaphore_mem>>)
        %dma_wait3A_528 = arith.constant 0 : i32
        %dma_wait3A_529 = tpu.memref_slice %arg4[%multiple_of3A_27, %dma_wait3A_528] : memref<4096x128xi32, #tpu.memory_space<hbm>> -> memref<8x128xi32, #tpu.memory_space<hbm>>
        %dma_wait3A_530 = arith.constant 0 : i32
        %dma_wait3A_531 = tpu.memref_slice %arg4[%multiple_of3A_27, %dma_wait3A_530] : memref<4096x128xi32, #tpu.memory_space<hbm>> -> memref<8x128xi32, #tpu.memory_space<hbm>>
        tpu.wait_dma2 semaphore(%run_scoped3A : memref<!tpu.dma_semaphore, #tpu.memory_space<semaphore_mem>>) src(%dma_wait3A_531 : memref<8x128xi32, #tpu.memory_space<hbm>>) dst(%arg10 : memref<8x128xi32, #tpu.memory_space<vmem>>)
        tpu.yield
      }) : () -> ()
      %dma_start3A = arith.constant 0 : i32
      %dma_start3A_28 = arith.constant 0 : i32
      %dma_start3A_29 = arith.constant 0 : i32
      %dma_start3A_30 = tpu.memref_slice %arg11[%dma_start3A_28, %dma_start3A_29] : memref<512x128xf32, #tpu.memory_space<vmem>> -> memref<128x128xf32, #tpu.memory_space<vmem>>
      %dma_start3A_31 = arith.constant 0 : i32
      %dma_start3A_32 = tpu.memref_slice %arg10[%dma_start3A, %dma_start3A_31] : memref<8x128xi32, #tpu.memory_space<vmem>> -> memref<1x128xi32, #tpu.memory_space<vmem>>
      %dma_start3A_33 = tpu.memref_squeeze %dma_start3A_32 : memref<1x128xi32, #tpu.memory_space<vmem>> -> memref<128xi32, #tpu.memory_space<vmem>>
      %dma_start3A_34 = arith.constant 0 : i32
      %dma_start3A_35 = arith.constant 0 : i32
      %dma_start3A_36 = tpu.memref_slice %arg2[%dma_start3A_34, %dma_start3A_35] : memref<10000x128xf32, #tpu.memory_space<hbm>> -> memref<10000x128xf32, #tpu.memory_space<hbm>>
      tpu.enqueue_indirect_dma source(%dma_start3A_36 : memref<10000x128xf32, #tpu.memory_space<hbm>>) target(%dma_start3A_30 : memref<128x128xf32, #tpu.memory_space<vmem>>) offsets(%dma_start3A_33 : memref<128xi32, #tpu.memory_space<vmem>>) semaphore(%arg12 : memref<!tpu.dma_semaphore, #tpu.memory_space<semaphore_mem>>)
      %dma_start3A_37 = arith.constant 1 : i32
      %dma_start3A_38 = arith.constant 128 : i32
      %dma_start3A_39 = arith.constant 0 : i32
      %dma_start3A_40 = tpu.memref_slice %arg11[%dma_start3A_38, %dma_start3A_39] : memref<512x128xf32, #tpu.memory_space<vmem>> -> memref<128x128xf32, #tpu.memory_space<vmem>>
      %dma_start3A_41 = arith.constant 0 : i32
      %dma_start3A_42 = tpu.memref_slice %arg10[%dma_start3A_37, %dma_start3A_41] : memref<8x128xi32, #tpu.memory_space<vmem>> -> memref<1x128xi32, #tpu.memory_space<vmem>>
      %dma_start3A_43 = tpu.memref_squeeze %dma_start3A_42 : memref<1x128xi32, #tpu.memory_space<vmem>> -> memref<128xi32, #tpu.memory_space<vmem>>
      %dma_start3A_44 = arith.constant 0 : i32
      %dma_start3A_45 = arith.constant 0 : i32
      %dma_start3A_46 = tpu.memref_slice %arg2[%dma_start3A_44, %dma_start3A_45] : memref<10000x128xf32, #tpu.memory_space<hbm>> -> memref<10000x128xf32, #tpu.memory_space<hbm>>
      tpu.enqueue_indirect_dma source(%dma_start3A_46 : memref<10000x128xf32, #tpu.memory_space<hbm>>) target(%dma_start3A_40 : memref<128x128xf32, #tpu.memory_space<vmem>>) offsets(%dma_start3A_43 : memref<128xi32, #tpu.memory_space<vmem>>) semaphore(%arg12 : memref<!tpu.dma_semaphore, #tpu.memory_space<semaphore_mem>>)
      %dma_start3A_47 = arith.constant 2 : i32
      %dma_start3A_48 = arith.constant 256 : i32
      %dma_start3A_49 = arith.constant 0 : i32
      %dma_start3A_50 = tpu.memref_slice %arg11[%dma_start3A_48, %dma_start3A_49] : memref<512x128xf32, #tpu.memory_space<vmem>> -> memref<128x128xf32, #tpu.memory_space<vmem>>
      %dma_start3A_51 = arith.constant 0 : i32
      %dma_start3A_52 = tpu.memref_slice %arg10[%dma_start3A_47, %dma_start3A_51] : memref<8x128xi32, #tpu.memory_space<vmem>> -> memref<1x128xi32, #tpu.memory_space<vmem>>
      %dma_start3A_53 = tpu.memref_squeeze %dma_start3A_52 : memref<1x128xi32, #tpu.memory_space<vmem>> -> memref<128xi32, #tpu.memory_space<vmem>>
      %dma_start3A_54 = arith.constant 0 : i32
      %dma_start3A_55 = arith.constant 0 : i32
      %dma_start3A_56 = tpu.memref_slice %arg2[%dma_start3A_54, %dma_start3A_55] : memref<10000x128xf32, #tpu.memory_space<hbm>> -> memref<10000x128xf32, #tpu.memory_space<hbm>>
      tpu.enqueue_indirect_dma source(%dma_start3A_56 : memref<10000x128xf32, #tpu.memory_space<hbm>>) target(%dma_start3A_50 : memref<128x128xf32, #tpu.memory_space<vmem>>) offsets(%dma_start3A_53 : memref<128xi32, #tpu.memory_space<vmem>>) semaphore(%arg12 : memref<!tpu.dma_semaphore, #tpu.memory_space<semaphore_mem>>)
      %dma_start3A_57 = arith.constant 3 : i32
      %dma_start3A_58 = arith.constant 384 : i32
      %dma_start3A_59 = arith.constant 0 : i32
      %dma_start3A_60 = tpu.memref_slice %arg11[%dma_start3A_58, %dma_start3A_59] : memref<512x128xf32, #tpu.memory_space<vmem>> -> memref<128x128xf32, #tpu.memory_space<vmem>>
      %dma_start3A_61 = arith.constant 0 : i32
      %dma_start3A_62 = tpu.memref_slice %arg10[%dma_start3A_57, %dma_start3A_61] : memref<8x128xi32, #tpu.memory_space<vmem>> -> memref<1x128xi32, #tpu.memory_space<vmem>>
      %dma_start3A_63 = tpu.memref_squeeze %dma_start3A_62 : memref<1x128xi32, #tpu.memory_space<vmem>> -> memref<128xi32, #tpu.memory_space<vmem>>
      %dma_start3A_64 = arith.constant 0 : i32
      %dma_start3A_65 = arith.constant 0 : i32
      %dma_start3A_66 = tpu.memref_slice %arg2[%dma_start3A_64, %dma_start3A_65] : memref<10000x128xf32, #tpu.memory_space<hbm>> -> memref<10000x128xf32, #tpu.memory_space<hbm>>
      tpu.enqueue_indirect_dma source(%dma_start3A_66 : memref<10000x128xf32, #tpu.memory_space<hbm>>) target(%dma_start3A_60 : memref<128x128xf32, #tpu.memory_space<vmem>>) offsets(%dma_start3A_63 : memref<128xi32, #tpu.memory_space<vmem>>) semaphore(%arg12 : memref<!tpu.dma_semaphore, #tpu.memory_space<semaphore_mem>>)
      %dma_wait3A = arith.constant 0 : i32
      %dma_wait3A_67 = arith.constant 0 : i32
      %dma_wait3A_68 = arith.constant 0 : i32
      %dma_wait3A_69 = tpu.memref_slice %arg11[%dma_wait3A_67, %dma_wait3A_68] : memref<512x128xf32, #tpu.memory_space<vmem>> -> memref<128x128xf32, #tpu.memory_space<vmem>>
      %dma_wait3A_70 = arith.constant 0 : i32
      %dma_wait3A_71 = tpu.memref_slice %arg10[%dma_wait3A, %dma_wait3A_70] : memref<8x128xi32, #tpu.memory_space<vmem>> -> memref<1x128xi32, #tpu.memory_space<vmem>>
      %dma_wait3A_72 = tpu.memref_squeeze %dma_wait3A_71 : memref<1x128xi32, #tpu.memory_space<vmem>> -> memref<128xi32, #tpu.memory_space<vmem>>
      %dma_wait3A_73 = arith.constant 0 : i32
      %dma_wait3A_74 = arith.constant 0 : i32
      %dma_wait3A_75 = tpu.memref_slice %arg2[%dma_wait3A_73, %dma_wait3A_74] : memref<10000x128xf32, #tpu.memory_space<hbm>> -> memref<10000x128xf32, #tpu.memory_space<hbm>>
      tpu.wait_indirect_dma semaphore(%arg12 : memref<!tpu.dma_semaphore, #tpu.memory_space<semaphore_mem>>) src(%dma_wait3A_75 : memref<10000x128xf32, #tpu.memory_space<hbm>>) dst(%dma_wait3A_69 : memref<128x128xf32, #tpu.memory_space<vmem>>)
      %dma_wait3A_76 = arith.constant 1 : i32
      %dma_wait3A_77 = arith.constant 128 : i32
      %dma_wait3A_78 = arith.constant 0 : i32
      %dma_wait3A_79 = tpu.memref_slice %arg11[%dma_wait3A_77, %dma_wait3A_78] : memref<512x128xf32, #tpu.memory_space<vmem>> -> memref<128x128xf32, #tpu.memory_space<vmem>>
      %dma_wait3A_80 = arith.constant 0 : i32
      %dma_wait3A_81 = tpu.memref_slice %arg10[%dma_wait3A_76, %dma_wait3A_80] : memref<8x128xi32, #tpu.memory_space<vmem>> -> memref<1x128xi32, #tpu.memory_space<vmem>>
      %dma_wait3A_82 = tpu.memref_squeeze %dma_wait3A_81 : memref<1x128xi32, #tpu.memory_space<vmem>> -> memref<128xi32, #tpu.memory_space<vmem>>
      %dma_wait3A_83 = arith.constant 0 : i32
      %dma_wait3A_84 = arith.constant 0 : i32
      %dma_wait3A_85 = tpu.memref_slice %arg2[%dma_wait3A_83, %dma_wait3A_84] : memref<10000x128xf32, #tpu.memory_space<hbm>> -> memref<10000x128xf32, #tpu.memory_space<hbm>>
      tpu.wait_indirect_dma semaphore(%arg12 : memref<!tpu.dma_semaphore, #tpu.memory_space<semaphore_mem>>) src(%dma_wait3A_85 : memref<10000x128xf32, #tpu.memory_space<hbm>>) dst(%dma_wait3A_79 : memref<128x128xf32, #tpu.memory_space<vmem>>)
      %dma_wait3A_86 = arith.constant 2 : i32
      %dma_wait3A_87 = arith.constant 256 : i32
      %dma_wait3A_88 = arith.constant 0 : i32
      %dma_wait3A_89 = tpu.memref_slice %arg11[%dma_wait3A_87, %dma_wait3A_88] : memref<512x128xf32, #tpu.memory_space<vmem>> -> memref<128x128xf32, #tpu.memory_space<vmem>>
      %dma_wait3A_90 = arith.constant 0 : i32
      %dma_wait3A_91 = tpu.memref_slice %arg10[%dma_wait3A_86, %dma_wait3A_90] : memref<8x128xi32, #tpu.memory_space<vmem>> -> memref<1x128xi32, #tpu.memory_space<vmem>>
      %dma_wait3A_92 = tpu.memref_squeeze %dma_wait3A_91 : memref<1x128xi32, #tpu.memory_space<vmem>> -> memref<128xi32, #tpu.memory_space<vmem>>
      %dma_wait3A_93 = arith.constant 0 : i32
      %dma_wait3A_94 = arith.constant 0 : i32
      %dma_wait3A_95 = tpu.memref_slice %arg2[%dma_wait3A_93, %dma_wait3A_94] : memref<10000x128xf32, #tpu.memory_space<hbm>> -> memref<10000x128xf32, #tpu.memory_space<hbm>>
      tpu.wait_indirect_dma semaphore(%arg12 : memref<!tpu.dma_semaphore, #tpu.memory_space<semaphore_mem>>) src(%dma_wait3A_95 : memref<10000x128xf32, #tpu.memory_space<hbm>>) dst(%dma_wait3A_89 : memref<128x128xf32, #tpu.memory_space<vmem>>)
      %dma_wait3A_96 = arith.constant 3 : i32
      %dma_wait3A_97 = arith.constant 384 : i32
      %dma_wait3A_98 = arith.constant 0 : i32
      %dma_wait3A_99 = tpu.memref_slice %arg11[%dma_wait3A_97, %dma_wait3A_98] : memref<512x128xf32, #tpu.memory_space<vmem>> -> memref<128x128xf32, #tpu.memory_space<vmem>>
      %dma_wait3A_100 = arith.constant 0 : i32
      %dma_wait3A_101 = tpu.memref_slice %arg10[%dma_wait3A_96, %dma_wait3A_100] : memref<8x128xi32, #tpu.memory_space<vmem>> -> memref<1x128xi32, #tpu.memory_space<vmem>>
      %dma_wait3A_102 = tpu.memref_squeeze %dma_wait3A_101 : memref<1x128xi32, #tpu.memory_space<vmem>> -> memref<128xi32, #tpu.memory_space<vmem>>
      %dma_wait3A_103 = arith.constant 0 : i32
      %dma_wait3A_104 = arith.constant 0 : i32
      %dma_wait3A_105 = tpu.memref_slice %arg2[%dma_wait3A_103, %dma_wait3A_104] : memref<10000x128xf32, #tpu.memory_space<hbm>> -> memref<10000x128xf32, #tpu.memory_space<hbm>>
      tpu.wait_indirect_dma semaphore(%arg12 : memref<!tpu.dma_semaphore, #tpu.memory_space<semaphore_mem>>) src(%dma_wait3A_105 : memref<10000x128xf32, #tpu.memory_space<hbm>>) dst(%dma_wait3A_99 : memref<128x128xf32, #tpu.memory_space<vmem>>)
      %add3A_106 = arith.constant 0 : i32
      %add3A_107 = arith.addi %multiple_of3A, %add3A_106 : i32
      %multiple_of3A_108 = tpu.assume_multiple %add3A_107, 8 : i32
      "tpu.region"() ({
        %run_scoped3A = tpu.sem_alloc : memref<!tpu.dma_semaphore, #tpu.memory_space<semaphore_mem>>
        %dma_start3A_524 = arith.constant 0 : i32
        %dma_start3A_525 = tpu.memref_slice %arg7[%multiple_of3A_108, %dma_start3A_524] : memref<524288x128xf32, #tpu.memory_space<hbm>> -> memref<512x128xf32, #tpu.memory_space<hbm>>
        %dma_start3A_526 = arith.constant 0 : i32
        %dma_start3A_527 = tpu.memref_slice %arg7[%multiple_of3A_108, %dma_start3A_526] : memref<524288x128xf32, #tpu.memory_space<hbm>> -> memref<512x128xf32, #tpu.memory_space<hbm>>
        tpu.enqueue_dma source(%arg11 : memref<512x128xf32, #tpu.memory_space<vmem>>) target(%dma_start3A_527 : memref<512x128xf32, #tpu.memory_space<hbm>>) target_semaphore(%run_scoped3A : memref<!tpu.dma_semaphore, #tpu.memory_space<semaphore_mem>>)
        %dma_wait3A_528 = arith.constant 0 : i32
        %dma_wait3A_529 = tpu.memref_slice %arg7[%multiple_of3A_108, %dma_wait3A_528] : memref<524288x128xf32, #tpu.memory_space<hbm>> -> memref<512x128xf32, #tpu.memory_space<hbm>>
        %dma_wait3A_530 = arith.constant 0 : i32
        %dma_wait3A_531 = tpu.memref_slice %arg7[%multiple_of3A_108, %dma_wait3A_530] : memref<524288x128xf32, #tpu.memory_space<hbm>> -> memref<512x128xf32, #tpu.memory_space<hbm>>
        tpu.wait_dma2 semaphore(%run_scoped3A : memref<!tpu.dma_semaphore, #tpu.memory_space<semaphore_mem>>) src(%arg11 : memref<512x128xf32, #tpu.memory_space<vmem>>) dst(%dma_wait3A_531 : memref<512x128xf32, #tpu.memory_space<hbm>>)
        tpu.yield
      }) : () -> ()
      %dma_start3A_109 = arith.constant 4 : i32
      %dma_start3A_110 = arith.constant 0 : i32
      %dma_start3A_111 = arith.constant 0 : i32
      %dma_start3A_112 = tpu.memref_slice %arg11[%dma_start3A_110, %dma_start3A_111] : memref<512x128xf32, #tpu.memory_space<vmem>> -> memref<128x128xf32, #tpu.memory_space<vmem>>
      %dma_start3A_113 = arith.constant 0 : i32
      %dma_start3A_114 = tpu.memref_slice %arg10[%dma_start3A_109, %dma_start3A_113] : memref<8x128xi32, #tpu.memory_space<vmem>> -> memref<1x128xi32, #tpu.memory_space<vmem>>
      %dma_start3A_115 = tpu.memref_squeeze %dma_start3A_114 : memref<1x128xi32, #tpu.memory_space<vmem>> -> memref<128xi32, #tpu.memory_space<vmem>>
      %dma_start3A_116 = arith.constant 0 : i32
      %dma_start3A_117 = arith.constant 0 : i32
      %dma_start3A_118 = tpu.memref_slice %arg2[%dma_start3A_116, %dma_start3A_117] : memref<10000x128xf32, #tpu.memory_space<hbm>> -> memref<10000x128xf32, #tpu.memory_space<hbm>>
      tpu.enqueue_indirect_dma source(%dma_start3A_118 : memref<10000x128xf32, #tpu.memory_space<hbm>>) target(%dma_start3A_112 : memref<128x128xf32, #tpu.memory_space<vmem>>) offsets(%dma_start3A_115 : memref<128xi32, #tpu.memory_space<vmem>>) semaphore(%arg12 : memref<!tpu.dma_semaphore, #tpu.memory_space<semaphore_mem>>)
      %dma_start3A_119 = arith.constant 5 : i32
      %dma_start3A_120 = arith.constant 128 : i32
      %dma_start3A_121 = arith.constant 0 : i32
      %dma_start3A_122 = tpu.memref_slice %arg11[%dma_start3A_120, %dma_start3A_121] : memref<512x128xf32, #tpu.memory_space<vmem>> -> memref<128x128xf32, #tpu.memory_space<vmem>>
      %dma_start3A_123 = arith.constant 0 : i32
      %dma_start3A_124 = tpu.memref_slice %arg10[%dma_start3A_119, %dma_start3A_123] : memref<8x128xi32, #tpu.memory_space<vmem>> -> memref<1x128xi32, #tpu.memory_space<vmem>>
      %dma_start3A_125 = tpu.memref_squeeze %dma_start3A_124 : memref<1x128xi32, #tpu.memory_space<vmem>> -> memref<128xi32, #tpu.memory_space<vmem>>
      %dma_start3A_126 = arith.constant 0 : i32
      %dma_start3A_127 = arith.constant 0 : i32
      %dma_start3A_128 = tpu.memref_slice %arg2[%dma_start3A_126, %dma_start3A_127] : memref<10000x128xf32, #tpu.memory_space<hbm>> -> memref<10000x128xf32, #tpu.memory_space<hbm>>
      tpu.enqueue_indirect_dma source(%dma_start3A_128 : memref<10000x128xf32, #tpu.memory_space<hbm>>) target(%dma_start3A_122 : memref<128x128xf32, #tpu.memory_space<vmem>>) offsets(%dma_start3A_125 : memref<128xi32, #tpu.memory_space<vmem>>) semaphore(%arg12 : memref<!tpu.dma_semaphore, #tpu.memory_space<semaphore_mem>>)
      %dma_start3A_129 = arith.constant 6 : i32
      %dma_start3A_130 = arith.constant 256 : i32
      %dma_start3A_131 = arith.constant 0 : i32
      %dma_start3A_132 = tpu.memref_slice %arg11[%dma_start3A_130, %dma_start3A_131] : memref<512x128xf32, #tpu.memory_space<vmem>> -> memref<128x128xf32, #tpu.memory_space<vmem>>
      %dma_start3A_133 = arith.constant 0 : i32
      %dma_start3A_134 = tpu.memref_slice %arg10[%dma_start3A_129, %dma_start3A_133] : memref<8x128xi32, #tpu.memory_space<vmem>> -> memref<1x128xi32, #tpu.memory_space<vmem>>
      %dma_start3A_135 = tpu.memref_squeeze %dma_start3A_134 : memref<1x128xi32, #tpu.memory_space<vmem>> -> memref<128xi32, #tpu.memory_space<vmem>>
      %dma_start3A_136 = arith.constant 0 : i32
      %dma_start3A_137 = arith.constant 0 : i32
      %dma_start3A_138 = tpu.memref_slice %arg2[%dma_start3A_136, %dma_start3A_137] : memref<10000x128xf32, #tpu.memory_space<hbm>> -> memref<10000x128xf32, #tpu.memory_space<hbm>>
      tpu.enqueue_indirect_dma source(%dma_start3A_138 : memref<10000x128xf32, #tpu.memory_space<hbm>>) target(%dma_start3A_132 : memref<128x128xf32, #tpu.memory_space<vmem>>) offsets(%dma_start3A_135 : memref<128xi32, #tpu.memory_space<vmem>>) semaphore(%arg12 : memref<!tpu.dma_semaphore, #tpu.memory_space<semaphore_mem>>)
      %dma_start3A_139 = arith.constant 7 : i32
      %dma_start3A_140 = arith.constant 384 : i32
      %dma_start3A_141 = arith.constant 0 : i32
      %dma_start3A_142 = tpu.memref_slice %arg11[%dma_start3A_140, %dma_start3A_141] : memref<512x128xf32, #tpu.memory_space<vmem>> -> memref<128x128xf32, #tpu.memory_space<vmem>>
      %dma_start3A_143 = arith.constant 0 : i32
      %dma_start3A_144 = tpu.memref_slice %arg10[%dma_start3A_139, %dma_start3A_143] : memref<8x128xi32, #tpu.memory_space<vmem>> -> memref<1x128xi32, #tpu.memory_space<vmem>>
      %dma_start3A_145 = tpu.memref_squeeze %dma_start3A_144 : memref<1x128xi32, #tpu.memory_space<vmem>> -> memref<128xi32, #tpu.memory_space<vmem>>
      %dma_start3A_146 = arith.constant 0 : i32
      %dma_start3A_147 = arith.constant 0 : i32
      %dma_start3A_148 = tpu.memref_slice %arg2[%dma_start3A_146, %dma_start3A_147] : memref<10000x128xf32, #tpu.memory_space<hbm>> -> memref<10000x128xf32, #tpu.memory_space<hbm>>
      tpu.enqueue_indirect_dma source(%dma_start3A_148 : memref<10000x128xf32, #tpu.memory_space<hbm>>) target(%dma_start3A_142 : memref<128x128xf32, #tpu.memory_space<vmem>>) offsets(%dma_start3A_145 : memref<128xi32, #tpu.memory_space<vmem>>) semaphore(%arg12 : memref<!tpu.dma_semaphore, #tpu.memory_space<semaphore_mem>>)
      %dma_wait3A_149 = arith.constant 4 : i32
      %dma_wait3A_150 = arith.constant 0 : i32
      %dma_wait3A_151 = arith.constant 0 : i32
      %dma_wait3A_152 = tpu.memref_slice %arg11[%dma_wait3A_150, %dma_wait3A_151] : memref<512x128xf32, #tpu.memory_space<vmem>> -> memref<128x128xf32, #tpu.memory_space<vmem>>
      %dma_wait3A_153 = arith.constant 0 : i32
      %dma_wait3A_154 = tpu.memref_slice %arg10[%dma_wait3A_149, %dma_wait3A_153] : memref<8x128xi32, #tpu.memory_space<vmem>> -> memref<1x128xi32, #tpu.memory_space<vmem>>
      %dma_wait3A_155 = tpu.memref_squeeze %dma_wait3A_154 : memref<1x128xi32, #tpu.memory_space<vmem>> -> memref<128xi32, #tpu.memory_space<vmem>>
      %dma_wait3A_156 = arith.constant 0 : i32
      %dma_wait3A_157 = arith.constant 0 : i32
      %dma_wait3A_158 = tpu.memref_slice %arg2[%dma_wait3A_156, %dma_wait3A_157] : memref<10000x128xf32, #tpu.memory_space<hbm>> -> memref<10000x128xf32, #tpu.memory_space<hbm>>
      tpu.wait_indirect_dma semaphore(%arg12 : memref<!tpu.dma_semaphore, #tpu.memory_space<semaphore_mem>>) src(%dma_wait3A_158 : memref<10000x128xf32, #tpu.memory_space<hbm>>) dst(%dma_wait3A_152 : memref<128x128xf32, #tpu.memory_space<vmem>>)
      %dma_wait3A_159 = arith.constant 5 : i32
      %dma_wait3A_160 = arith.constant 128 : i32
      %dma_wait3A_161 = arith.constant 0 : i32
      %dma_wait3A_162 = tpu.memref_slice %arg11[%dma_wait3A_160, %dma_wait3A_161] : memref<512x128xf32, #tpu.memory_space<vmem>> -> memref<128x128xf32, #tpu.memory_space<vmem>>
      %dma_wait3A_163 = arith.constant 0 : i32
      %dma_wait3A_164 = tpu.memref_slice %arg10[%dma_wait3A_159, %dma_wait3A_163] : memref<8x128xi32, #tpu.memory_space<vmem>> -> memref<1x128xi32, #tpu.memory_space<vmem>>
      %dma_wait3A_165 = tpu.memref_squeeze %dma_wait3A_164 : memref<1x128xi32, #tpu.memory_space<vmem>> -> memref<128xi32, #tpu.memory_space<vmem>>
      %dma_wait3A_166 = arith.constant 0 : i32
      %dma_wait3A_167 = arith.constant 0 : i32
      %dma_wait3A_168 = tpu.memref_slice %arg2[%dma_wait3A_166, %dma_wait3A_167] : memref<10000x128xf32, #tpu.memory_space<hbm>> -> memref<10000x128xf32, #tpu.memory_space<hbm>>
      tpu.wait_indirect_dma semaphore(%arg12 : memref<!tpu.dma_semaphore, #tpu.memory_space<semaphore_mem>>) src(%dma_wait3A_168 : memref<10000x128xf32, #tpu.memory_space<hbm>>) dst(%dma_wait3A_162 : memref<128x128xf32, #tpu.memory_space<vmem>>)
      %dma_wait3A_169 = arith.constant 6 : i32
      %dma_wait3A_170 = arith.constant 256 : i32
      %dma_wait3A_171 = arith.constant 0 : i32
      %dma_wait3A_172 = tpu.memref_slice %arg11[%dma_wait3A_170, %dma_wait3A_171] : memref<512x128xf32, #tpu.memory_space<vmem>> -> memref<128x128xf32, #tpu.memory_space<vmem>>
      %dma_wait3A_173 = arith.constant 0 : i32
      %dma_wait3A_174 = tpu.memref_slice %arg10[%dma_wait3A_169, %dma_wait3A_173] : memref<8x128xi32, #tpu.memory_space<vmem>> -> memref<1x128xi32, #tpu.memory_space<vmem>>
      %dma_wait3A_175 = tpu.memref_squeeze %dma_wait3A_174 : memref<1x128xi32, #tpu.memory_space<vmem>> -> memref<128xi32, #tpu.memory_space<vmem>>
      %dma_wait3A_176 = arith.constant 0 : i32
      %dma_wait3A_177 = arith.constant 0 : i32
      %dma_wait3A_178 = tpu.memref_slice %arg2[%dma_wait3A_176, %dma_wait3A_177] : memref<10000x128xf32, #tpu.memory_space<hbm>> -> memref<10000x128xf32, #tpu.memory_space<hbm>>
      tpu.wait_indirect_dma semaphore(%arg12 : memref<!tpu.dma_semaphore, #tpu.memory_space<semaphore_mem>>) src(%dma_wait3A_178 : memref<10000x128xf32, #tpu.memory_space<hbm>>) dst(%dma_wait3A_172 : memref<128x128xf32, #tpu.memory_space<vmem>>)
      %dma_wait3A_179 = arith.constant 7 : i32
      %dma_wait3A_180 = arith.constant 384 : i32
      %dma_wait3A_181 = arith.constant 0 : i32
      %dma_wait3A_182 = tpu.memref_slice %arg11[%dma_wait3A_180, %dma_wait3A_181] : memref<512x128xf32, #tpu.memory_space<vmem>> -> memref<128x128xf32, #tpu.memory_space<vmem>>
      %dma_wait3A_183 = arith.constant 0 : i32
      %dma_wait3A_184 = tpu.memref_slice %arg10[%dma_wait3A_179, %dma_wait3A_183] : memref<8x128xi32, #tpu.memory_space<vmem>> -> memref<1x128xi32, #tpu.memory_space<vmem>>
      %dma_wait3A_185 = tpu.memref_squeeze %dma_wait3A_184 : memref<1x128xi32, #tpu.memory_space<vmem>> -> memref<128xi32, #tpu.memory_space<vmem>>
      %dma_wait3A_186 = arith.constant 0 : i32
      %dma_wait3A_187 = arith.constant 0 : i32
      %dma_wait3A_188 = tpu.memref_slice %arg2[%dma_wait3A_186, %dma_wait3A_187] : memref<10000x128xf32, #tpu.memory_space<hbm>> -> memref<10000x128xf32, #tpu.memory_space<hbm>>
      tpu.wait_indirect_dma semaphore(%arg12 : memref<!tpu.dma_semaphore, #tpu.memory_space<semaphore_mem>>) src(%dma_wait3A_188 : memref<10000x128xf32, #tpu.memory_space<hbm>>) dst(%dma_wait3A_182 : memref<128x128xf32, #tpu.memory_space<vmem>>)
      %add3A_189 = arith.constant 512 : i32
      %add3A_190 = arith.addi %multiple_of3A, %add3A_189 : i32
      %multiple_of3A_191 = tpu.assume_multiple %add3A_190, 8 : i32
      "tpu.region"() ({
        %run_scoped3A = tpu.sem_alloc : memref<!tpu.dma_semaphore, #tpu.memory_space<semaphore_mem>>
        %dma_start3A_524 = arith.constant 0 : i32
        %dma_start3A_525 = tpu.memref_slice %arg7[%multiple_of3A_191, %dma_start3A_524] : memref<524288x128xf32, #tpu.memory_space<hbm>> -> memref<512x128xf32, #tpu.memory_space<hbm>>
        %dma_start3A_526 = arith.constant 0 : i32
        %dma_start3A_527 = tpu.memref_slice %arg7[%multiple_of3A_191, %dma_start3A_526] : memref<524288x128xf32, #tpu.memory_space<hbm>> -> memref<512x128xf32, #tpu.memory_space<hbm>>
        tpu.enqueue_dma source(%arg11 : memref<512x128xf32, #tpu.memory_space<vmem>>) target(%dma_start3A_527 : memref<512x128xf32, #tpu.memory_space<hbm>>) target_semaphore(%run_scoped3A : memref<!tpu.dma_semaphore, #tpu.memory_space<semaphore_mem>>)
        %dma_wait3A_528 = arith.constant 0 : i32
        %dma_wait3A_529 = tpu.memref_slice %arg7[%multiple_of3A_191, %dma_wait3A_528] : memref<524288x128xf32, #tpu.memory_space<hbm>> -> memref<512x128xf32, #tpu.memory_space<hbm>>
        %dma_wait3A_530 = arith.constant 0 : i32
        %dma_wait3A_531 = tpu.memref_slice %arg7[%multiple_of3A_191, %dma_wait3A_530] : memref<524288x128xf32, #tpu.memory_space<hbm>> -> memref<512x128xf32, #tpu.memory_space<hbm>>
        tpu.wait_dma2 semaphore(%run_scoped3A : memref<!tpu.dma_semaphore, #tpu.memory_space<semaphore_mem>>) src(%arg11 : memref<512x128xf32, #tpu.memory_space<vmem>>) dst(%dma_wait3A_531 : memref<512x128xf32, #tpu.memory_space<hbm>>)
        tpu.yield
      }) : () -> ()
      "tpu.region"() ({
        %run_scoped3A = tpu.sem_alloc : memref<!tpu.dma_semaphore, #tpu.memory_space<semaphore_mem>>
        %dma_start3A_524 = arith.constant 0 : i32
        %dma_start3A_525 = tpu.memref_slice %arg5[%multiple_of3A_27, %dma_start3A_524] : memref<4096x128xi32, #tpu.memory_space<hbm>> -> memref<8x128xi32, #tpu.memory_space<hbm>>
        %dma_start3A_526 = arith.constant 0 : i32
        %dma_start3A_527 = tpu.memref_slice %arg5[%multiple_of3A_27, %dma_start3A_526] : memref<4096x128xi32, #tpu.memory_space<hbm>> -> memref<8x128xi32, #tpu.memory_space<hbm>>
        tpu.enqueue_dma source(%dma_start3A_527 : memref<8x128xi32, #tpu.memory_space<hbm>>) target(%arg10 : memref<8x128xi32, #tpu.memory_space<vmem>>) target_semaphore(%run_scoped3A : memref<!tpu.dma_semaphore, #tpu.memory_space<semaphore_mem>>)
        %dma_wait3A_528 = arith.constant 0 : i32
        %dma_wait3A_529 = tpu.memref_slice %arg5[%multiple_of3A_27, %dma_wait3A_528] : memref<4096x128xi32, #tpu.memory_space<hbm>> -> memref<8x128xi32, #tpu.memory_space<hbm>>
        %dma_wait3A_530 = arith.constant 0 : i32
        %dma_wait3A_531 = tpu.memref_slice %arg5[%multiple_of3A_27, %dma_wait3A_530] : memref<4096x128xi32, #tpu.memory_space<hbm>> -> memref<8x128xi32, #tpu.memory_space<hbm>>
        tpu.wait_dma2 semaphore(%run_scoped3A : memref<!tpu.dma_semaphore, #tpu.memory_space<semaphore_mem>>) src(%dma_wait3A_531 : memref<8x128xi32, #tpu.memory_space<hbm>>) dst(%arg10 : memref<8x128xi32, #tpu.memory_space<vmem>>)
        tpu.yield
      }) : () -> ()
      %dma_start3A_192 = arith.constant 0 : i32
      %dma_start3A_193 = arith.constant 0 : i32
      %dma_start3A_194 = arith.constant 0 : i32
      %dma_start3A_195 = tpu.memref_slice %arg11[%dma_start3A_193, %dma_start3A_194] : memref<512x128xf32, #tpu.memory_space<vmem>> -> memref<128x128xf32, #tpu.memory_space<vmem>>
      %dma_start3A_196 = arith.constant 0 : i32
      %dma_start3A_197 = tpu.memref_slice %arg10[%dma_start3A_192, %dma_start3A_196] : memref<8x128xi32, #tpu.memory_space<vmem>> -> memref<1x128xi32, #tpu.memory_space<vmem>>
      %dma_start3A_198 = tpu.memref_squeeze %dma_start3A_197 : memref<1x128xi32, #tpu.memory_space<vmem>> -> memref<128xi32, #tpu.memory_space<vmem>>
      %dma_start3A_199 = arith.constant 0 : i32
      %dma_start3A_200 = arith.constant 0 : i32
      %dma_start3A_201 = tpu.memref_slice %arg3[%dma_start3A_199, %dma_start3A_200] : memref<320000x128xf32, #tpu.memory_space<hbm>> -> memref<320000x128xf32, #tpu.memory_space<hbm>>
      tpu.enqueue_indirect_dma source(%dma_start3A_201 : memref<320000x128xf32, #tpu.memory_space<hbm>>) target(%dma_start3A_195 : memref<128x128xf32, #tpu.memory_space<vmem>>) offsets(%dma_start3A_198 : memref<128xi32, #tpu.memory_space<vmem>>) semaphore(%arg12 : memref<!tpu.dma_semaphore, #tpu.memory_space<semaphore_mem>>)
      %dma_start3A_202 = arith.constant 1 : i32
      %dma_start3A_203 = arith.constant 128 : i32
      %dma_start3A_204 = arith.constant 0 : i32
      %dma_start3A_205 = tpu.memref_slice %arg11[%dma_start3A_203, %dma_start3A_204] : memref<512x128xf32, #tpu.memory_space<vmem>> -> memref<128x128xf32, #tpu.memory_space<vmem>>
      %dma_start3A_206 = arith.constant 0 : i32
      %dma_start3A_207 = tpu.memref_slice %arg10[%dma_start3A_202, %dma_start3A_206] : memref<8x128xi32, #tpu.memory_space<vmem>> -> memref<1x128xi32, #tpu.memory_space<vmem>>
      %dma_start3A_208 = tpu.memref_squeeze %dma_start3A_207 : memref<1x128xi32, #tpu.memory_space<vmem>> -> memref<128xi32, #tpu.memory_space<vmem>>
      %dma_start3A_209 = arith.constant 0 : i32
      %dma_start3A_210 = arith.constant 0 : i32
      %dma_start3A_211 = tpu.memref_slice %arg3[%dma_start3A_209, %dma_start3A_210] : memref<320000x128xf32, #tpu.memory_space<hbm>> -> memref<320000x128xf32, #tpu.memory_space<hbm>>
      tpu.enqueue_indirect_dma source(%dma_start3A_211 : memref<320000x128xf32, #tpu.memory_space<hbm>>) target(%dma_start3A_205 : memref<128x128xf32, #tpu.memory_space<vmem>>) offsets(%dma_start3A_208 : memref<128xi32, #tpu.memory_space<vmem>>) semaphore(%arg12 : memref<!tpu.dma_semaphore, #tpu.memory_space<semaphore_mem>>)
      %dma_start3A_212 = arith.constant 2 : i32
      %dma_start3A_213 = arith.constant 256 : i32
      %dma_start3A_214 = arith.constant 0 : i32
      %dma_start3A_215 = tpu.memref_slice %arg11[%dma_start3A_213, %dma_start3A_214] : memref<512x128xf32, #tpu.memory_space<vmem>> -> memref<128x128xf32, #tpu.memory_space<vmem>>
      %dma_start3A_216 = arith.constant 0 : i32
      %dma_start3A_217 = tpu.memref_slice %arg10[%dma_start3A_212, %dma_start3A_216] : memref<8x128xi32, #tpu.memory_space<vmem>> -> memref<1x128xi32, #tpu.memory_space<vmem>>
      %dma_start3A_218 = tpu.memref_squeeze %dma_start3A_217 : memref<1x128xi32, #tpu.memory_space<vmem>> -> memref<128xi32, #tpu.memory_space<vmem>>
      %dma_start3A_219 = arith.constant 0 : i32
      %dma_start3A_220 = arith.constant 0 : i32
      %dma_start3A_221 = tpu.memref_slice %arg3[%dma_start3A_219, %dma_start3A_220] : memref<320000x128xf32, #tpu.memory_space<hbm>> -> memref<320000x128xf32, #tpu.memory_space<hbm>>
      tpu.enqueue_indirect_dma source(%dma_start3A_221 : memref<320000x128xf32, #tpu.memory_space<hbm>>) target(%dma_start3A_215 : memref<128x128xf32, #tpu.memory_space<vmem>>) offsets(%dma_start3A_218 : memref<128xi32, #tpu.memory_space<vmem>>) semaphore(%arg12 : memref<!tpu.dma_semaphore, #tpu.memory_space<semaphore_mem>>)
      %dma_start3A_222 = arith.constant 3 : i32
      %dma_start3A_223 = arith.constant 384 : i32
      %dma_start3A_224 = arith.constant 0 : i32
      %dma_start3A_225 = tpu.memref_slice %arg11[%dma_start3A_223, %dma_start3A_224] : memref<512x128xf32, #tpu.memory_space<vmem>> -> memref<128x128xf32, #tpu.memory_space<vmem>>
      %dma_start3A_226 = arith.constant 0 : i32
      %dma_start3A_227 = tpu.memref_slice %arg10[%dma_start3A_222, %dma_start3A_226] : memref<8x128xi32, #tpu.memory_space<vmem>> -> memref<1x128xi32, #tpu.memory_space<vmem>>
      %dma_start3A_228 = tpu.memref_squeeze %dma_start3A_227 : memref<1x128xi32, #tpu.memory_space<vmem>> -> memref<128xi32, #tpu.memory_space<vmem>>
      %dma_start3A_229 = arith.constant 0 : i32
      %dma_start3A_230 = arith.constant 0 : i32
      %dma_start3A_231 = tpu.memref_slice %arg3[%dma_start3A_229, %dma_start3A_230] : memref<320000x128xf32, #tpu.memory_space<hbm>> -> memref<320000x128xf32, #tpu.memory_space<hbm>>
      tpu.enqueue_indirect_dma source(%dma_start3A_231 : memref<320000x128xf32, #tpu.memory_space<hbm>>) target(%dma_start3A_225 : memref<128x128xf32, #tpu.memory_space<vmem>>) offsets(%dma_start3A_228 : memref<128xi32, #tpu.memory_space<vmem>>) semaphore(%arg12 : memref<!tpu.dma_semaphore, #tpu.memory_space<semaphore_mem>>)
      %dma_wait3A_232 = arith.constant 0 : i32
      %dma_wait3A_233 = arith.constant 0 : i32
      %dma_wait3A_234 = arith.constant 0 : i32
      %dma_wait3A_235 = tpu.memref_slice %arg11[%dma_wait3A_233, %dma_wait3A_234] : memref<512x128xf32, #tpu.memory_space<vmem>> -> memref<128x128xf32, #tpu.memory_space<vmem>>
      %dma_wait3A_236 = arith.constant 0 : i32
      %dma_wait3A_237 = tpu.memref_slice %arg10[%dma_wait3A_232, %dma_wait3A_236] : memref<8x128xi32, #tpu.memory_space<vmem>> -> memref<1x128xi32, #tpu.memory_space<vmem>>
      %dma_wait3A_238 = tpu.memref_squeeze %dma_wait3A_237 : memref<1x128xi32, #tpu.memory_space<vmem>> -> memref<128xi32, #tpu.memory_space<vmem>>
      %dma_wait3A_239 = arith.constant 0 : i32
      %dma_wait3A_240 = arith.constant 0 : i32
      %dma_wait3A_241 = tpu.memref_slice %arg3[%dma_wait3A_239, %dma_wait3A_240] : memref<320000x128xf32, #tpu.memory_space<hbm>> -> memref<320000x128xf32, #tpu.memory_space<hbm>>
      tpu.wait_indirect_dma semaphore(%arg12 : memref<!tpu.dma_semaphore, #tpu.memory_space<semaphore_mem>>) src(%dma_wait3A_241 : memref<320000x128xf32, #tpu.memory_space<hbm>>) dst(%dma_wait3A_235 : memref<128x128xf32, #tpu.memory_space<vmem>>)
      %dma_wait3A_242 = arith.constant 1 : i32
      %dma_wait3A_243 = arith.constant 128 : i32
      %dma_wait3A_244 = arith.constant 0 : i32
      %dma_wait3A_245 = tpu.memref_slice %arg11[%dma_wait3A_243, %dma_wait3A_244] : memref<512x128xf32, #tpu.memory_space<vmem>> -> memref<128x128xf32, #tpu.memory_space<vmem>>
      %dma_wait3A_246 = arith.constant 0 : i32
      %dma_wait3A_247 = tpu.memref_slice %arg10[%dma_wait3A_242, %dma_wait3A_246] : memref<8x128xi32, #tpu.memory_space<vmem>> -> memref<1x128xi32, #tpu.memory_space<vmem>>
      %dma_wait3A_248 = tpu.memref_squeeze %dma_wait3A_247 : memref<1x128xi32, #tpu.memory_space<vmem>> -> memref<128xi32, #tpu.memory_space<vmem>>
      %dma_wait3A_249 = arith.constant 0 : i32
      %dma_wait3A_250 = arith.constant 0 : i32
      %dma_wait3A_251 = tpu.memref_slice %arg3[%dma_wait3A_249, %dma_wait3A_250] : memref<320000x128xf32, #tpu.memory_space<hbm>> -> memref<320000x128xf32, #tpu.memory_space<hbm>>
      tpu.wait_indirect_dma semaphore(%arg12 : memref<!tpu.dma_semaphore, #tpu.memory_space<semaphore_mem>>) src(%dma_wait3A_251 : memref<320000x128xf32, #tpu.memory_space<hbm>>) dst(%dma_wait3A_245 : memref<128x128xf32, #tpu.memory_space<vmem>>)
      %dma_wait3A_252 = arith.constant 2 : i32
      %dma_wait3A_253 = arith.constant 256 : i32
      %dma_wait3A_254 = arith.constant 0 : i32
      %dma_wait3A_255 = tpu.memref_slice %arg11[%dma_wait3A_253, %dma_wait3A_254] : memref<512x128xf32, #tpu.memory_space<vmem>> -> memref<128x128xf32, #tpu.memory_space<vmem>>
      %dma_wait3A_256 = arith.constant 0 : i32
      %dma_wait3A_257 = tpu.memref_slice %arg10[%dma_wait3A_252, %dma_wait3A_256] : memref<8x128xi32, #tpu.memory_space<vmem>> -> memref<1x128xi32, #tpu.memory_space<vmem>>
      %dma_wait3A_258 = tpu.memref_squeeze %dma_wait3A_257 : memref<1x128xi32, #tpu.memory_space<vmem>> -> memref<128xi32, #tpu.memory_space<vmem>>
      %dma_wait3A_259 = arith.constant 0 : i32
      %dma_wait3A_260 = arith.constant 0 : i32
      %dma_wait3A_261 = tpu.memref_slice %arg3[%dma_wait3A_259, %dma_wait3A_260] : memref<320000x128xf32, #tpu.memory_space<hbm>> -> memref<320000x128xf32, #tpu.memory_space<hbm>>
      tpu.wait_indirect_dma semaphore(%arg12 : memref<!tpu.dma_semaphore, #tpu.memory_space<semaphore_mem>>) src(%dma_wait3A_261 : memref<320000x128xf32, #tpu.memory_space<hbm>>) dst(%dma_wait3A_255 : memref<128x128xf32, #tpu.memory_space<vmem>>)
      %dma_wait3A_262 = arith.constant 3 : i32
      %dma_wait3A_263 = arith.constant 384 : i32
      %dma_wait3A_264 = arith.constant 0 : i32
      %dma_wait3A_265 = tpu.memref_slice %arg11[%dma_wait3A_263, %dma_wait3A_264] : memref<512x128xf32, #tpu.memory_space<vmem>> -> memref<128x128xf32, #tpu.memory_space<vmem>>
      %dma_wait3A_266 = arith.constant 0 : i32
      %dma_wait3A_267 = tpu.memref_slice %arg10[%dma_wait3A_262, %dma_wait3A_266] : memref<8x128xi32, #tpu.memory_space<vmem>> -> memref<1x128xi32, #tpu.memory_space<vmem>>
      %dma_wait3A_268 = tpu.memref_squeeze %dma_wait3A_267 : memref<1x128xi32, #tpu.memory_space<vmem>> -> memref<128xi32, #tpu.memory_space<vmem>>
      %dma_wait3A_269 = arith.constant 0 : i32
      %dma_wait3A_270 = arith.constant 0 : i32
      %dma_wait3A_271 = tpu.memref_slice %arg3[%dma_wait3A_269, %dma_wait3A_270] : memref<320000x128xf32, #tpu.memory_space<hbm>> -> memref<320000x128xf32, #tpu.memory_space<hbm>>
      tpu.wait_indirect_dma semaphore(%arg12 : memref<!tpu.dma_semaphore, #tpu.memory_space<semaphore_mem>>) src(%dma_wait3A_271 : memref<320000x128xf32, #tpu.memory_space<hbm>>) dst(%dma_wait3A_265 : memref<128x128xf32, #tpu.memory_space<vmem>>)
      %add3A_272 = arith.constant 0 : i32
      %add3A_273 = arith.addi %multiple_of3A, %add3A_272 : i32
      %multiple_of3A_274 = tpu.assume_multiple %add3A_273, 8 : i32
      "tpu.region"() ({
        %run_scoped3A = tpu.sem_alloc : memref<!tpu.dma_semaphore, #tpu.memory_space<semaphore_mem>>
        %dma_start3A_524 = arith.constant 0 : i32
        %dma_start3A_525 = tpu.memref_slice %arg8[%multiple_of3A_274, %dma_start3A_524] : memref<524288x128xf32, #tpu.memory_space<hbm>> -> memref<512x128xf32, #tpu.memory_space<hbm>>
        %dma_start3A_526 = arith.constant 0 : i32
        %dma_start3A_527 = tpu.memref_slice %arg8[%multiple_of3A_274, %dma_start3A_526] : memref<524288x128xf32, #tpu.memory_space<hbm>> -> memref<512x128xf32, #tpu.memory_space<hbm>>
        tpu.enqueue_dma source(%arg11 : memref<512x128xf32, #tpu.memory_space<vmem>>) target(%dma_start3A_527 : memref<512x128xf32, #tpu.memory_space<hbm>>) target_semaphore(%run_scoped3A : memref<!tpu.dma_semaphore, #tpu.memory_space<semaphore_mem>>)
        %dma_wait3A_528 = arith.constant 0 : i32
        %dma_wait3A_529 = tpu.memref_slice %arg8[%multiple_of3A_274, %dma_wait3A_528] : memref<524288x128xf32, #tpu.memory_space<hbm>> -> memref<512x128xf32, #tpu.memory_space<hbm>>
        %dma_wait3A_530 = arith.constant 0 : i32
        %dma_wait3A_531 = tpu.memref_slice %arg8[%multiple_of3A_274, %dma_wait3A_530] : memref<524288x128xf32, #tpu.memory_space<hbm>> -> memref<512x128xf32, #tpu.memory_space<hbm>>
        tpu.wait_dma2 semaphore(%run_scoped3A : memref<!tpu.dma_semaphore, #tpu.memory_space<semaphore_mem>>) src(%arg11 : memref<512x128xf32, #tpu.memory_space<vmem>>) dst(%dma_wait3A_531 : memref<512x128xf32, #tpu.memory_space<hbm>>)
        tpu.yield
      }) : () -> ()
      %dma_start3A_275 = arith.constant 4 : i32
      %dma_start3A_276 = arith.constant 0 : i32
      %dma_start3A_277 = arith.constant 0 : i32
      %dma_start3A_278 = tpu.memref_slice %arg11[%dma_start3A_276, %dma_start3A_277] : memref<512x128xf32, #tpu.memory_space<vmem>> -> memref<128x128xf32, #tpu.memory_space<vmem>>
      %dma_start3A_279 = arith.constant 0 : i32
      %dma_start3A_280 = tpu.memref_slice %arg10[%dma_start3A_275, %dma_start3A_279] : memref<8x128xi32, #tpu.memory_space<vmem>> -> memref<1x128xi32, #tpu.memory_space<vmem>>
      %dma_start3A_281 = tpu.memref_squeeze %dma_start3A_280 : memref<1x128xi32, #tpu.memory_space<vmem>> -> memref<128xi32, #tpu.memory_space<vmem>>
      %dma_start3A_282 = arith.constant 0 : i32
      %dma_start3A_283 = arith.constant 0 : i32
      %dma_start3A_284 = tpu.memref_slice %arg3[%dma_start3A_282, %dma_start3A_283] : memref<320000x128xf32, #tpu.memory_space<hbm>> -> memref<320000x128xf32, #tpu.memory_space<hbm>>
      tpu.enqueue_indirect_dma source(%dma_start3A_284 : memref<320000x128xf32, #tpu.memory_space<hbm>>) target(%dma_start3A_278 : memref<128x128xf32, #tpu.memory_space<vmem>>) offsets(%dma_start3A_281 : memref<128xi32, #tpu.memory_space<vmem>>) semaphore(%arg12 : memref<!tpu.dma_semaphore, #tpu.memory_space<semaphore_mem>>)
      %dma_start3A_285 = arith.constant 5 : i32
      %dma_start3A_286 = arith.constant 128 : i32
      %dma_start3A_287 = arith.constant 0 : i32
      %dma_start3A_288 = tpu.memref_slice %arg11[%dma_start3A_286, %dma_start3A_287] : memref<512x128xf32, #tpu.memory_space<vmem>> -> memref<128x128xf32, #tpu.memory_space<vmem>>
      %dma_start3A_289 = arith.constant 0 : i32
      %dma_start3A_290 = tpu.memref_slice %arg10[%dma_start3A_285, %dma_start3A_289] : memref<8x128xi32, #tpu.memory_space<vmem>> -> memref<1x128xi32, #tpu.memory_space<vmem>>
      %dma_start3A_291 = tpu.memref_squeeze %dma_start3A_290 : memref<1x128xi32, #tpu.memory_space<vmem>> -> memref<128xi32, #tpu.memory_space<vmem>>
      %dma_start3A_292 = arith.constant 0 : i32
      %dma_start3A_293 = arith.constant 0 : i32
      %dma_start3A_294 = tpu.memref_slice %arg3[%dma_start3A_292, %dma_start3A_293] : memref<320000x128xf32, #tpu.memory_space<hbm>> -> memref<320000x128xf32, #tpu.memory_space<hbm>>
      tpu.enqueue_indirect_dma source(%dma_start3A_294 : memref<320000x128xf32, #tpu.memory_space<hbm>>) target(%dma_start3A_288 : memref<128x128xf32, #tpu.memory_space<vmem>>) offsets(%dma_start3A_291 : memref<128xi32, #tpu.memory_space<vmem>>) semaphore(%arg12 : memref<!tpu.dma_semaphore, #tpu.memory_space<semaphore_mem>>)
      %dma_start3A_295 = arith.constant 6 : i32
      %dma_start3A_296 = arith.constant 256 : i32
      %dma_start3A_297 = arith.constant 0 : i32
      %dma_start3A_298 = tpu.memref_slice %arg11[%dma_start3A_296, %dma_start3A_297] : memref<512x128xf32, #tpu.memory_space<vmem>> -> memref<128x128xf32, #tpu.memory_space<vmem>>
      %dma_start3A_299 = arith.constant 0 : i32
      %dma_start3A_300 = tpu.memref_slice %arg10[%dma_start3A_295, %dma_start3A_299] : memref<8x128xi32, #tpu.memory_space<vmem>> -> memref<1x128xi32, #tpu.memory_space<vmem>>
      %dma_start3A_301 = tpu.memref_squeeze %dma_start3A_300 : memref<1x128xi32, #tpu.memory_space<vmem>> -> memref<128xi32, #tpu.memory_space<vmem>>
      %dma_start3A_302 = arith.constant 0 : i32
      %dma_start3A_303 = arith.constant 0 : i32
      %dma_start3A_304 = tpu.memref_slice %arg3[%dma_start3A_302, %dma_start3A_303] : memref<320000x128xf32, #tpu.memory_space<hbm>> -> memref<320000x128xf32, #tpu.memory_space<hbm>>
      tpu.enqueue_indirect_dma source(%dma_start3A_304 : memref<320000x128xf32, #tpu.memory_space<hbm>>) target(%dma_start3A_298 : memref<128x128xf32, #tpu.memory_space<vmem>>) offsets(%dma_start3A_301 : memref<128xi32, #tpu.memory_space<vmem>>) semaphore(%arg12 : memref<!tpu.dma_semaphore, #tpu.memory_space<semaphore_mem>>)
      %dma_start3A_305 = arith.constant 7 : i32
      %dma_start3A_306 = arith.constant 384 : i32
      %dma_start3A_307 = arith.constant 0 : i32
      %dma_start3A_308 = tpu.memref_slice %arg11[%dma_start3A_306, %dma_start3A_307] : memref<512x128xf32, #tpu.memory_space<vmem>> -> memref<128x128xf32, #tpu.memory_space<vmem>>
      %dma_start3A_309 = arith.constant 0 : i32
      %dma_start3A_310 = tpu.memref_slice %arg10[%dma_start3A_305, %dma_start3A_309] : memref<8x128xi32, #tpu.memory_space<vmem>> -> memref<1x128xi32, #tpu.memory_space<vmem>>
      %dma_start3A_311 = tpu.memref_squeeze %dma_start3A_310 : memref<1x128xi32, #tpu.memory_space<vmem>> -> memref<128xi32, #tpu.memory_space<vmem>>
      %dma_start3A_312 = arith.constant 0 : i32
      %dma_start3A_313 = arith.constant 0 : i32
      %dma_start3A_314 = tpu.memref_slice %arg3[%dma_start3A_312, %dma_start3A_313] : memref<320000x128xf32, #tpu.memory_space<hbm>> -> memref<320000x128xf32, #tpu.memory_space<hbm>>
      tpu.enqueue_indirect_dma source(%dma_start3A_314 : memref<320000x128xf32, #tpu.memory_space<hbm>>) target(%dma_start3A_308 : memref<128x128xf32, #tpu.memory_space<vmem>>) offsets(%dma_start3A_311 : memref<128xi32, #tpu.memory_space<vmem>>) semaphore(%arg12 : memref<!tpu.dma_semaphore, #tpu.memory_space<semaphore_mem>>)
      %dma_wait3A_315 = arith.constant 4 : i32
      %dma_wait3A_316 = arith.constant 0 : i32
      %dma_wait3A_317 = arith.constant 0 : i32
      %dma_wait3A_318 = tpu.memref_slice %arg11[%dma_wait3A_316, %dma_wait3A_317] : memref<512x128xf32, #tpu.memory_space<vmem>> -> memref<128x128xf32, #tpu.memory_space<vmem>>
      %dma_wait3A_319 = arith.constant 0 : i32
      %dma_wait3A_320 = tpu.memref_slice %arg10[%dma_wait3A_315, %dma_wait3A_319] : memref<8x128xi32, #tpu.memory_space<vmem>> -> memref<1x128xi32, #tpu.memory_space<vmem>>
      %dma_wait3A_321 = tpu.memref_squeeze %dma_wait3A_320 : memref<1x128xi32, #tpu.memory_space<vmem>> -> memref<128xi32, #tpu.memory_space<vmem>>
      %dma_wait3A_322 = arith.constant 0 : i32
      %dma_wait3A_323 = arith.constant 0 : i32
      %dma_wait3A_324 = tpu.memref_slice %arg3[%dma_wait3A_322, %dma_wait3A_323] : memref<320000x128xf32, #tpu.memory_space<hbm>> -> memref<320000x128xf32, #tpu.memory_space<hbm>>
      tpu.wait_indirect_dma semaphore(%arg12 : memref<!tpu.dma_semaphore, #tpu.memory_space<semaphore_mem>>) src(%dma_wait3A_324 : memref<320000x128xf32, #tpu.memory_space<hbm>>) dst(%dma_wait3A_318 : memref<128x128xf32, #tpu.memory_space<vmem>>)
      %dma_wait3A_325 = arith.constant 5 : i32
      %dma_wait3A_326 = arith.constant 128 : i32
      %dma_wait3A_327 = arith.constant 0 : i32
      %dma_wait3A_328 = tpu.memref_slice %arg11[%dma_wait3A_326, %dma_wait3A_327] : memref<512x128xf32, #tpu.memory_space<vmem>> -> memref<128x128xf32, #tpu.memory_space<vmem>>
      %dma_wait3A_329 = arith.constant 0 : i32
      %dma_wait3A_330 = tpu.memref_slice %arg10[%dma_wait3A_325, %dma_wait3A_329] : memref<8x128xi32, #tpu.memory_space<vmem>> -> memref<1x128xi32, #tpu.memory_space<vmem>>
      %dma_wait3A_331 = tpu.memref_squeeze %dma_wait3A_330 : memref<1x128xi32, #tpu.memory_space<vmem>> -> memref<128xi32, #tpu.memory_space<vmem>>
      %dma_wait3A_332 = arith.constant 0 : i32
      %dma_wait3A_333 = arith.constant 0 : i32
      %dma_wait3A_334 = tpu.memref_slice %arg3[%dma_wait3A_332, %dma_wait3A_333] : memref<320000x128xf32, #tpu.memory_space<hbm>> -> memref<320000x128xf32, #tpu.memory_space<hbm>>
      tpu.wait_indirect_dma semaphore(%arg12 : memref<!tpu.dma_semaphore, #tpu.memory_space<semaphore_mem>>) src(%dma_wait3A_334 : memref<320000x128xf32, #tpu.memory_space<hbm>>) dst(%dma_wait3A_328 : memref<128x128xf32, #tpu.memory_space<vmem>>)
      %dma_wait3A_335 = arith.constant 6 : i32
      %dma_wait3A_336 = arith.constant 256 : i32
      %dma_wait3A_337 = arith.constant 0 : i32
      %dma_wait3A_338 = tpu.memref_slice %arg11[%dma_wait3A_336, %dma_wait3A_337] : memref<512x128xf32, #tpu.memory_space<vmem>> -> memref<128x128xf32, #tpu.memory_space<vmem>>
      %dma_wait3A_339 = arith.constant 0 : i32
      %dma_wait3A_340 = tpu.memref_slice %arg10[%dma_wait3A_335, %dma_wait3A_339] : memref<8x128xi32, #tpu.memory_space<vmem>> -> memref<1x128xi32, #tpu.memory_space<vmem>>
      %dma_wait3A_341 = tpu.memref_squeeze %dma_wait3A_340 : memref<1x128xi32, #tpu.memory_space<vmem>> -> memref<128xi32, #tpu.memory_space<vmem>>
      %dma_wait3A_342 = arith.constant 0 : i32
      %dma_wait3A_343 = arith.constant 0 : i32
      %dma_wait3A_344 = tpu.memref_slice %arg3[%dma_wait3A_342, %dma_wait3A_343] : memref<320000x128xf32, #tpu.memory_space<hbm>> -> memref<320000x128xf32, #tpu.memory_space<hbm>>
      tpu.wait_indirect_dma semaphore(%arg12 : memref<!tpu.dma_semaphore, #tpu.memory_space<semaphore_mem>>) src(%dma_wait3A_344 : memref<320000x128xf32, #tpu.memory_space<hbm>>) dst(%dma_wait3A_338 : memref<128x128xf32, #tpu.memory_space<vmem>>)
      %dma_wait3A_345 = arith.constant 7 : i32
      %dma_wait3A_346 = arith.constant 384 : i32
      %dma_wait3A_347 = arith.constant 0 : i32
      %dma_wait3A_348 = tpu.memref_slice %arg11[%dma_wait3A_346, %dma_wait3A_347] : memref<512x128xf32, #tpu.memory_space<vmem>> -> memref<128x128xf32, #tpu.memory_space<vmem>>
      %dma_wait3A_349 = arith.constant 0 : i32
      %dma_wait3A_350 = tpu.memref_slice %arg10[%dma_wait3A_345, %dma_wait3A_349] : memref<8x128xi32, #tpu.memory_space<vmem>> -> memref<1x128xi32, #tpu.memory_space<vmem>>
      %dma_wait3A_351 = tpu.memref_squeeze %dma_wait3A_350 : memref<1x128xi32, #tpu.memory_space<vmem>> -> memref<128xi32, #tpu.memory_space<vmem>>
      %dma_wait3A_352 = arith.constant 0 : i32
      %dma_wait3A_353 = arith.constant 0 : i32
      %dma_wait3A_354 = tpu.memref_slice %arg3[%dma_wait3A_352, %dma_wait3A_353] : memref<320000x128xf32, #tpu.memory_space<hbm>> -> memref<320000x128xf32, #tpu.memory_space<hbm>>
      tpu.wait_indirect_dma semaphore(%arg12 : memref<!tpu.dma_semaphore, #tpu.memory_space<semaphore_mem>>) src(%dma_wait3A_354 : memref<320000x128xf32, #tpu.memory_space<hbm>>) dst(%dma_wait3A_348 : memref<128x128xf32, #tpu.memory_space<vmem>>)
      %add3A_355 = arith.constant 512 : i32
      %add3A_356 = arith.addi %multiple_of3A, %add3A_355 : i32
      %multiple_of3A_357 = tpu.assume_multiple %add3A_356, 8 : i32
      "tpu.region"() ({
        %run_scoped3A = tpu.sem_alloc : memref<!tpu.dma_semaphore, #tpu.memory_space<semaphore_mem>>
        %dma_start3A_524 = arith.constant 0 : i32
        %dma_start3A_525 = tpu.memref_slice %arg8[%multiple_of3A_357, %dma_start3A_524] : memref<524288x128xf32, #tpu.memory_space<hbm>> -> memref<512x128xf32, #tpu.memory_space<hbm>>
        %dma_start3A_526 = arith.constant 0 : i32
        %dma_start3A_527 = tpu.memref_slice %arg8[%multiple_of3A_357, %dma_start3A_526] : memref<524288x128xf32, #tpu.memory_space<hbm>> -> memref<512x128xf32, #tpu.memory_space<hbm>>
        tpu.enqueue_dma source(%arg11 : memref<512x128xf32, #tpu.memory_space<vmem>>) target(%dma_start3A_527 : memref<512x128xf32, #tpu.memory_space<hbm>>) target_semaphore(%run_scoped3A : memref<!tpu.dma_semaphore, #tpu.memory_space<semaphore_mem>>)
        %dma_wait3A_528 = arith.constant 0 : i32
        %dma_wait3A_529 = tpu.memref_slice %arg8[%multiple_of3A_357, %dma_wait3A_528] : memref<524288x128xf32, #tpu.memory_space<hbm>> -> memref<512x128xf32, #tpu.memory_space<hbm>>
        %dma_wait3A_530 = arith.constant 0 : i32
        %dma_wait3A_531 = tpu.memref_slice %arg8[%multiple_of3A_357, %dma_wait3A_530] : memref<524288x128xf32, #tpu.memory_space<hbm>> -> memref<512x128xf32, #tpu.memory_space<hbm>>
        tpu.wait_dma2 semaphore(%run_scoped3A : memref<!tpu.dma_semaphore, #tpu.memory_space<semaphore_mem>>) src(%arg11 : memref<512x128xf32, #tpu.memory_space<vmem>>) dst(%dma_wait3A_531 : memref<512x128xf32, #tpu.memory_space<hbm>>)
        tpu.yield
      }) : () -> ()
      "tpu.region"() ({
        %run_scoped3A = tpu.sem_alloc : memref<!tpu.dma_semaphore, #tpu.memory_space<semaphore_mem>>
        %dma_start3A_524 = arith.constant 0 : i32
        %dma_start3A_525 = tpu.memref_slice %arg6[%multiple_of3A_27, %dma_start3A_524] : memref<4096x128xi32, #tpu.memory_space<hbm>> -> memref<8x128xi32, #tpu.memory_space<hbm>>
        %dma_start3A_526 = arith.constant 0 : i32
        %dma_start3A_527 = tpu.memref_slice %arg6[%multiple_of3A_27, %dma_start3A_526] : memref<4096x128xi32, #tpu.memory_space<hbm>> -> memref<8x128xi32, #tpu.memory_space<hbm>>
        tpu.enqueue_dma source(%dma_start3A_527 : memref<8x128xi32, #tpu.memory_space<hbm>>) target(%arg10 : memref<8x128xi32, #tpu.memory_space<vmem>>) target_semaphore(%run_scoped3A : memref<!tpu.dma_semaphore, #tpu.memory_space<semaphore_mem>>)
        %dma_wait3A_528 = arith.constant 0 : i32
        %dma_wait3A_529 = tpu.memref_slice %arg6[%multiple_of3A_27, %dma_wait3A_528] : memref<4096x128xi32, #tpu.memory_space<hbm>> -> memref<8x128xi32, #tpu.memory_space<hbm>>
        %dma_wait3A_530 = arith.constant 0 : i32
        %dma_wait3A_531 = tpu.memref_slice %arg6[%multiple_of3A_27, %dma_wait3A_530] : memref<4096x128xi32, #tpu.memory_space<hbm>> -> memref<8x128xi32, #tpu.memory_space<hbm>>
        tpu.wait_dma2 semaphore(%run_scoped3A : memref<!tpu.dma_semaphore, #tpu.memory_space<semaphore_mem>>) src(%dma_wait3A_531 : memref<8x128xi32, #tpu.memory_space<hbm>>) dst(%arg10 : memref<8x128xi32, #tpu.memory_space<vmem>>)
        tpu.yield
      }) : () -> ()
      %dma_start3A_358 = arith.constant 0 : i32
      %dma_start3A_359 = arith.constant 0 : i32
      %dma_start3A_360 = arith.constant 0 : i32
      %dma_start3A_361 = tpu.memref_slice %arg11[%dma_start3A_359, %dma_start3A_360] : memref<512x128xf32, #tpu.memory_space<vmem>> -> memref<128x128xf32, #tpu.memory_space<vmem>>
      %dma_start3A_362 = arith.constant 0 : i32
      %dma_start3A_363 = tpu.memref_slice %arg10[%dma_start3A_358, %dma_start3A_362] : memref<8x128xi32, #tpu.memory_space<vmem>> -> memref<1x128xi32, #tpu.memory_space<vmem>>
      %dma_start3A_364 = tpu.memref_squeeze %dma_start3A_363 : memref<1x128xi32, #tpu.memory_space<vmem>> -> memref<128xi32, #tpu.memory_space<vmem>>
      %dma_start3A_365 = arith.constant 0 : i32
      %dma_start3A_366 = arith.constant 0 : i32
      %dma_start3A_367 = tpu.memref_slice %arg3[%dma_start3A_365, %dma_start3A_366] : memref<320000x128xf32, #tpu.memory_space<hbm>> -> memref<320000x128xf32, #tpu.memory_space<hbm>>
      tpu.enqueue_indirect_dma source(%dma_start3A_367 : memref<320000x128xf32, #tpu.memory_space<hbm>>) target(%dma_start3A_361 : memref<128x128xf32, #tpu.memory_space<vmem>>) offsets(%dma_start3A_364 : memref<128xi32, #tpu.memory_space<vmem>>) semaphore(%arg12 : memref<!tpu.dma_semaphore, #tpu.memory_space<semaphore_mem>>)
      %dma_start3A_368 = arith.constant 1 : i32
      %dma_start3A_369 = arith.constant 128 : i32
      %dma_start3A_370 = arith.constant 0 : i32
      %dma_start3A_371 = tpu.memref_slice %arg11[%dma_start3A_369, %dma_start3A_370] : memref<512x128xf32, #tpu.memory_space<vmem>> -> memref<128x128xf32, #tpu.memory_space<vmem>>
      %dma_start3A_372 = arith.constant 0 : i32
      %dma_start3A_373 = tpu.memref_slice %arg10[%dma_start3A_368, %dma_start3A_372] : memref<8x128xi32, #tpu.memory_space<vmem>> -> memref<1x128xi32, #tpu.memory_space<vmem>>
      %dma_start3A_374 = tpu.memref_squeeze %dma_start3A_373 : memref<1x128xi32, #tpu.memory_space<vmem>> -> memref<128xi32, #tpu.memory_space<vmem>>
      %dma_start3A_375 = arith.constant 0 : i32
      %dma_start3A_376 = arith.constant 0 : i32
      %dma_start3A_377 = tpu.memref_slice %arg3[%dma_start3A_375, %dma_start3A_376] : memref<320000x128xf32, #tpu.memory_space<hbm>> -> memref<320000x128xf32, #tpu.memory_space<hbm>>
      tpu.enqueue_indirect_dma source(%dma_start3A_377 : memref<320000x128xf32, #tpu.memory_space<hbm>>) target(%dma_start3A_371 : memref<128x128xf32, #tpu.memory_space<vmem>>) offsets(%dma_start3A_374 : memref<128xi32, #tpu.memory_space<vmem>>) semaphore(%arg12 : memref<!tpu.dma_semaphore, #tpu.memory_space<semaphore_mem>>)
      %dma_start3A_378 = arith.constant 2 : i32
      %dma_start3A_379 = arith.constant 256 : i32
      %dma_start3A_380 = arith.constant 0 : i32
      %dma_start3A_381 = tpu.memref_slice %arg11[%dma_start3A_379, %dma_start3A_380] : memref<512x128xf32, #tpu.memory_space<vmem>> -> memref<128x128xf32, #tpu.memory_space<vmem>>
      %dma_start3A_382 = arith.constant 0 : i32
      %dma_start3A_383 = tpu.memref_slice %arg10[%dma_start3A_378, %dma_start3A_382] : memref<8x128xi32, #tpu.memory_space<vmem>> -> memref<1x128xi32, #tpu.memory_space<vmem>>
      %dma_start3A_384 = tpu.memref_squeeze %dma_start3A_383 : memref<1x128xi32, #tpu.memory_space<vmem>> -> memref<128xi32, #tpu.memory_space<vmem>>
      %dma_start3A_385 = arith.constant 0 : i32
      %dma_start3A_386 = arith.constant 0 : i32
      %dma_start3A_387 = tpu.memref_slice %arg3[%dma_start3A_385, %dma_start3A_386] : memref<320000x128xf32, #tpu.memory_space<hbm>> -> memref<320000x128xf32, #tpu.memory_space<hbm>>
      tpu.enqueue_indirect_dma source(%dma_start3A_387 : memref<320000x128xf32, #tpu.memory_space<hbm>>) target(%dma_start3A_381 : memref<128x128xf32, #tpu.memory_space<vmem>>) offsets(%dma_start3A_384 : memref<128xi32, #tpu.memory_space<vmem>>) semaphore(%arg12 : memref<!tpu.dma_semaphore, #tpu.memory_space<semaphore_mem>>)
      %dma_start3A_388 = arith.constant 3 : i32
      %dma_start3A_389 = arith.constant 384 : i32
      %dma_start3A_390 = arith.constant 0 : i32
      %dma_start3A_391 = tpu.memref_slice %arg11[%dma_start3A_389, %dma_start3A_390] : memref<512x128xf32, #tpu.memory_space<vmem>> -> memref<128x128xf32, #tpu.memory_space<vmem>>
      %dma_start3A_392 = arith.constant 0 : i32
      %dma_start3A_393 = tpu.memref_slice %arg10[%dma_start3A_388, %dma_start3A_392] : memref<8x128xi32, #tpu.memory_space<vmem>> -> memref<1x128xi32, #tpu.memory_space<vmem>>
      %dma_start3A_394 = tpu.memref_squeeze %dma_start3A_393 : memref<1x128xi32, #tpu.memory_space<vmem>> -> memref<128xi32, #tpu.memory_space<vmem>>
      %dma_start3A_395 = arith.constant 0 : i32
      %dma_start3A_396 = arith.constant 0 : i32
      %dma_start3A_397 = tpu.memref_slice %arg3[%dma_start3A_395, %dma_start3A_396] : memref<320000x128xf32, #tpu.memory_space<hbm>> -> memref<320000x128xf32, #tpu.memory_space<hbm>>
      tpu.enqueue_indirect_dma source(%dma_start3A_397 : memref<320000x128xf32, #tpu.memory_space<hbm>>) target(%dma_start3A_391 : memref<128x128xf32, #tpu.memory_space<vmem>>) offsets(%dma_start3A_394 : memref<128xi32, #tpu.memory_space<vmem>>) semaphore(%arg12 : memref<!tpu.dma_semaphore, #tpu.memory_space<semaphore_mem>>)
      %dma_wait3A_398 = arith.constant 0 : i32
      %dma_wait3A_399 = arith.constant 0 : i32
      %dma_wait3A_400 = arith.constant 0 : i32
      %dma_wait3A_401 = tpu.memref_slice %arg11[%dma_wait3A_399, %dma_wait3A_400] : memref<512x128xf32, #tpu.memory_space<vmem>> -> memref<128x128xf32, #tpu.memory_space<vmem>>
      %dma_wait3A_402 = arith.constant 0 : i32
      %dma_wait3A_403 = tpu.memref_slice %arg10[%dma_wait3A_398, %dma_wait3A_402] : memref<8x128xi32, #tpu.memory_space<vmem>> -> memref<1x128xi32, #tpu.memory_space<vmem>>
      %dma_wait3A_404 = tpu.memref_squeeze %dma_wait3A_403 : memref<1x128xi32, #tpu.memory_space<vmem>> -> memref<128xi32, #tpu.memory_space<vmem>>
      %dma_wait3A_405 = arith.constant 0 : i32
      %dma_wait3A_406 = arith.constant 0 : i32
      %dma_wait3A_407 = tpu.memref_slice %arg3[%dma_wait3A_405, %dma_wait3A_406] : memref<320000x128xf32, #tpu.memory_space<hbm>> -> memref<320000x128xf32, #tpu.memory_space<hbm>>
      tpu.wait_indirect_dma semaphore(%arg12 : memref<!tpu.dma_semaphore, #tpu.memory_space<semaphore_mem>>) src(%dma_wait3A_407 : memref<320000x128xf32, #tpu.memory_space<hbm>>) dst(%dma_wait3A_401 : memref<128x128xf32, #tpu.memory_space<vmem>>)
      %dma_wait3A_408 = arith.constant 1 : i32
      %dma_wait3A_409 = arith.constant 128 : i32
      %dma_wait3A_410 = arith.constant 0 : i32
      %dma_wait3A_411 = tpu.memref_slice %arg11[%dma_wait3A_409, %dma_wait3A_410] : memref<512x128xf32, #tpu.memory_space<vmem>> -> memref<128x128xf32, #tpu.memory_space<vmem>>
      %dma_wait3A_412 = arith.constant 0 : i32
      %dma_wait3A_413 = tpu.memref_slice %arg10[%dma_wait3A_408, %dma_wait3A_412] : memref<8x128xi32, #tpu.memory_space<vmem>> -> memref<1x128xi32, #tpu.memory_space<vmem>>
      %dma_wait3A_414 = tpu.memref_squeeze %dma_wait3A_413 : memref<1x128xi32, #tpu.memory_space<vmem>> -> memref<128xi32, #tpu.memory_space<vmem>>
      %dma_wait3A_415 = arith.constant 0 : i32
      %dma_wait3A_416 = arith.constant 0 : i32
      %dma_wait3A_417 = tpu.memref_slice %arg3[%dma_wait3A_415, %dma_wait3A_416] : memref<320000x128xf32, #tpu.memory_space<hbm>> -> memref<320000x128xf32, #tpu.memory_space<hbm>>
      tpu.wait_indirect_dma semaphore(%arg12 : memref<!tpu.dma_semaphore, #tpu.memory_space<semaphore_mem>>) src(%dma_wait3A_417 : memref<320000x128xf32, #tpu.memory_space<hbm>>) dst(%dma_wait3A_411 : memref<128x128xf32, #tpu.memory_space<vmem>>)
      %dma_wait3A_418 = arith.constant 2 : i32
      %dma_wait3A_419 = arith.constant 256 : i32
      %dma_wait3A_420 = arith.constant 0 : i32
      %dma_wait3A_421 = tpu.memref_slice %arg11[%dma_wait3A_419, %dma_wait3A_420] : memref<512x128xf32, #tpu.memory_space<vmem>> -> memref<128x128xf32, #tpu.memory_space<vmem>>
      %dma_wait3A_422 = arith.constant 0 : i32
      %dma_wait3A_423 = tpu.memref_slice %arg10[%dma_wait3A_418, %dma_wait3A_422] : memref<8x128xi32, #tpu.memory_space<vmem>> -> memref<1x128xi32, #tpu.memory_space<vmem>>
      %dma_wait3A_424 = tpu.memref_squeeze %dma_wait3A_423 : memref<1x128xi32, #tpu.memory_space<vmem>> -> memref<128xi32, #tpu.memory_space<vmem>>
      %dma_wait3A_425 = arith.constant 0 : i32
      %dma_wait3A_426 = arith.constant 0 : i32
      %dma_wait3A_427 = tpu.memref_slice %arg3[%dma_wait3A_425, %dma_wait3A_426] : memref<320000x128xf32, #tpu.memory_space<hbm>> -> memref<320000x128xf32, #tpu.memory_space<hbm>>
      tpu.wait_indirect_dma semaphore(%arg12 : memref<!tpu.dma_semaphore, #tpu.memory_space<semaphore_mem>>) src(%dma_wait3A_427 : memref<320000x128xf32, #tpu.memory_space<hbm>>) dst(%dma_wait3A_421 : memref<128x128xf32, #tpu.memory_space<vmem>>)
      %dma_wait3A_428 = arith.constant 3 : i32
      %dma_wait3A_429 = arith.constant 384 : i32
      %dma_wait3A_430 = arith.constant 0 : i32
      %dma_wait3A_431 = tpu.memref_slice %arg11[%dma_wait3A_429, %dma_wait3A_430] : memref<512x128xf32, #tpu.memory_space<vmem>> -> memref<128x128xf32, #tpu.memory_space<vmem>>
      %dma_wait3A_432 = arith.constant 0 : i32
      %dma_wait3A_433 = tpu.memref_slice %arg10[%dma_wait3A_428, %dma_wait3A_432] : memref<8x128xi32, #tpu.memory_space<vmem>> -> memref<1x128xi32, #tpu.memory_space<vmem>>
      %dma_wait3A_434 = tpu.memref_squeeze %dma_wait3A_433 : memref<1x128xi32, #tpu.memory_space<vmem>> -> memref<128xi32, #tpu.memory_space<vmem>>
      %dma_wait3A_435 = arith.constant 0 : i32
      %dma_wait3A_436 = arith.constant 0 : i32
      %dma_wait3A_437 = tpu.memref_slice %arg3[%dma_wait3A_435, %dma_wait3A_436] : memref<320000x128xf32, #tpu.memory_space<hbm>> -> memref<320000x128xf32, #tpu.memory_space<hbm>>
      tpu.wait_indirect_dma semaphore(%arg12 : memref<!tpu.dma_semaphore, #tpu.memory_space<semaphore_mem>>) src(%dma_wait3A_437 : memref<320000x128xf32, #tpu.memory_space<hbm>>) dst(%dma_wait3A_431 : memref<128x128xf32, #tpu.memory_space<vmem>>)
      %add3A_438 = arith.constant 0 : i32
      %add3A_439 = arith.addi %multiple_of3A, %add3A_438 : i32
      %multiple_of3A_440 = tpu.assume_multiple %add3A_439, 8 : i32
      "tpu.region"() ({
        %run_scoped3A = tpu.sem_alloc : memref<!tpu.dma_semaphore, #tpu.memory_space<semaphore_mem>>
        %dma_start3A_524 = arith.constant 0 : i32
        %dma_start3A_525 = tpu.memref_slice %arg9[%multiple_of3A_440, %dma_start3A_524] : memref<524288x128xf32, #tpu.memory_space<hbm>> -> memref<512x128xf32, #tpu.memory_space<hbm>>
        %dma_start3A_526 = arith.constant 0 : i32
        %dma_start3A_527 = tpu.memref_slice %arg9[%multiple_of3A_440, %dma_start3A_526] : memref<524288x128xf32, #tpu.memory_space<hbm>> -> memref<512x128xf32, #tpu.memory_space<hbm>>
        tpu.enqueue_dma source(%arg11 : memref<512x128xf32, #tpu.memory_space<vmem>>) target(%dma_start3A_527 : memref<512x128xf32, #tpu.memory_space<hbm>>) target_semaphore(%run_scoped3A : memref<!tpu.dma_semaphore, #tpu.memory_space<semaphore_mem>>)
        %dma_wait3A_528 = arith.constant 0 : i32
        %dma_wait3A_529 = tpu.memref_slice %arg9[%multiple_of3A_440, %dma_wait3A_528] : memref<524288x128xf32, #tpu.memory_space<hbm>> -> memref<512x128xf32, #tpu.memory_space<hbm>>
        %dma_wait3A_530 = arith.constant 0 : i32
        %dma_wait3A_531 = tpu.memref_slice %arg9[%multiple_of3A_440, %dma_wait3A_530] : memref<524288x128xf32, #tpu.memory_space<hbm>> -> memref<512x128xf32, #tpu.memory_space<hbm>>
        tpu.wait_dma2 semaphore(%run_scoped3A : memref<!tpu.dma_semaphore, #tpu.memory_space<semaphore_mem>>) src(%arg11 : memref<512x128xf32, #tpu.memory_space<vmem>>) dst(%dma_wait3A_531 : memref<512x128xf32, #tpu.memory_space<hbm>>)
        tpu.yield
      }) : () -> ()
      %dma_start3A_441 = arith.constant 4 : i32
      %dma_start3A_442 = arith.constant 0 : i32
      %dma_start3A_443 = arith.constant 0 : i32
      %dma_start3A_444 = tpu.memref_slice %arg11[%dma_start3A_442, %dma_start3A_443] : memref<512x128xf32, #tpu.memory_space<vmem>> -> memref<128x128xf32, #tpu.memory_space<vmem>>
      %dma_start3A_445 = arith.constant 0 : i32
      %dma_start3A_446 = tpu.memref_slice %arg10[%dma_start3A_441, %dma_start3A_445] : memref<8x128xi32, #tpu.memory_space<vmem>> -> memref<1x128xi32, #tpu.memory_space<vmem>>
      %dma_start3A_447 = tpu.memref_squeeze %dma_start3A_446 : memref<1x128xi32, #tpu.memory_space<vmem>> -> memref<128xi32, #tpu.memory_space<vmem>>
      %dma_start3A_448 = arith.constant 0 : i32
      %dma_start3A_449 = arith.constant 0 : i32
      %dma_start3A_450 = tpu.memref_slice %arg3[%dma_start3A_448, %dma_start3A_449] : memref<320000x128xf32, #tpu.memory_space<hbm>> -> memref<320000x128xf32, #tpu.memory_space<hbm>>
      tpu.enqueue_indirect_dma source(%dma_start3A_450 : memref<320000x128xf32, #tpu.memory_space<hbm>>) target(%dma_start3A_444 : memref<128x128xf32, #tpu.memory_space<vmem>>) offsets(%dma_start3A_447 : memref<128xi32, #tpu.memory_space<vmem>>) semaphore(%arg12 : memref<!tpu.dma_semaphore, #tpu.memory_space<semaphore_mem>>)
      %dma_start3A_451 = arith.constant 5 : i32
      %dma_start3A_452 = arith.constant 128 : i32
      %dma_start3A_453 = arith.constant 0 : i32
      %dma_start3A_454 = tpu.memref_slice %arg11[%dma_start3A_452, %dma_start3A_453] : memref<512x128xf32, #tpu.memory_space<vmem>> -> memref<128x128xf32, #tpu.memory_space<vmem>>
      %dma_start3A_455 = arith.constant 0 : i32
      %dma_start3A_456 = tpu.memref_slice %arg10[%dma_start3A_451, %dma_start3A_455] : memref<8x128xi32, #tpu.memory_space<vmem>> -> memref<1x128xi32, #tpu.memory_space<vmem>>
      %dma_start3A_457 = tpu.memref_squeeze %dma_start3A_456 : memref<1x128xi32, #tpu.memory_space<vmem>> -> memref<128xi32, #tpu.memory_space<vmem>>
      %dma_start3A_458 = arith.constant 0 : i32
      %dma_start3A_459 = arith.constant 0 : i32
      %dma_start3A_460 = tpu.memref_slice %arg3[%dma_start3A_458, %dma_start3A_459] : memref<320000x128xf32, #tpu.memory_space<hbm>> -> memref<320000x128xf32, #tpu.memory_space<hbm>>
      tpu.enqueue_indirect_dma source(%dma_start3A_460 : memref<320000x128xf32, #tpu.memory_space<hbm>>) target(%dma_start3A_454 : memref<128x128xf32, #tpu.memory_space<vmem>>) offsets(%dma_start3A_457 : memref<128xi32, #tpu.memory_space<vmem>>) semaphore(%arg12 : memref<!tpu.dma_semaphore, #tpu.memory_space<semaphore_mem>>)
      %dma_start3A_461 = arith.constant 6 : i32
      %dma_start3A_462 = arith.constant 256 : i32
      %dma_start3A_463 = arith.constant 0 : i32
      %dma_start3A_464 = tpu.memref_slice %arg11[%dma_start3A_462, %dma_start3A_463] : memref<512x128xf32, #tpu.memory_space<vmem>> -> memref<128x128xf32, #tpu.memory_space<vmem>>
      %dma_start3A_465 = arith.constant 0 : i32
      %dma_start3A_466 = tpu.memref_slice %arg10[%dma_start3A_461, %dma_start3A_465] : memref<8x128xi32, #tpu.memory_space<vmem>> -> memref<1x128xi32, #tpu.memory_space<vmem>>
      %dma_start3A_467 = tpu.memref_squeeze %dma_start3A_466 : memref<1x128xi32, #tpu.memory_space<vmem>> -> memref<128xi32, #tpu.memory_space<vmem>>
      %dma_start3A_468 = arith.constant 0 : i32
      %dma_start3A_469 = arith.constant 0 : i32
      %dma_start3A_470 = tpu.memref_slice %arg3[%dma_start3A_468, %dma_start3A_469] : memref<320000x128xf32, #tpu.memory_space<hbm>> -> memref<320000x128xf32, #tpu.memory_space<hbm>>
      tpu.enqueue_indirect_dma source(%dma_start3A_470 : memref<320000x128xf32, #tpu.memory_space<hbm>>) target(%dma_start3A_464 : memref<128x128xf32, #tpu.memory_space<vmem>>) offsets(%dma_start3A_467 : memref<128xi32, #tpu.memory_space<vmem>>) semaphore(%arg12 : memref<!tpu.dma_semaphore, #tpu.memory_space<semaphore_mem>>)
      %dma_start3A_471 = arith.constant 7 : i32
      %dma_start3A_472 = arith.constant 384 : i32
      %dma_start3A_473 = arith.constant 0 : i32
      %dma_start3A_474 = tpu.memref_slice %arg11[%dma_start3A_472, %dma_start3A_473] : memref<512x128xf32, #tpu.memory_space<vmem>> -> memref<128x128xf32, #tpu.memory_space<vmem>>
      %dma_start3A_475 = arith.constant 0 : i32
      %dma_start3A_476 = tpu.memref_slice %arg10[%dma_start3A_471, %dma_start3A_475] : memref<8x128xi32, #tpu.memory_space<vmem>> -> memref<1x128xi32, #tpu.memory_space<vmem>>
      %dma_start3A_477 = tpu.memref_squeeze %dma_start3A_476 : memref<1x128xi32, #tpu.memory_space<vmem>> -> memref<128xi32, #tpu.memory_space<vmem>>
      %dma_start3A_478 = arith.constant 0 : i32
      %dma_start3A_479 = arith.constant 0 : i32
      %dma_start3A_480 = tpu.memref_slice %arg3[%dma_start3A_478, %dma_start3A_479] : memref<320000x128xf32, #tpu.memory_space<hbm>> -> memref<320000x128xf32, #tpu.memory_space<hbm>>
      tpu.enqueue_indirect_dma source(%dma_start3A_480 : memref<320000x128xf32, #tpu.memory_space<hbm>>) target(%dma_start3A_474 : memref<128x128xf32, #tpu.memory_space<vmem>>) offsets(%dma_start3A_477 : memref<128xi32, #tpu.memory_space<vmem>>) semaphore(%arg12 : memref<!tpu.dma_semaphore, #tpu.memory_space<semaphore_mem>>)
      %dma_wait3A_481 = arith.constant 4 : i32
      %dma_wait3A_482 = arith.constant 0 : i32
      %dma_wait3A_483 = arith.constant 0 : i32
      %dma_wait3A_484 = tpu.memref_slice %arg11[%dma_wait3A_482, %dma_wait3A_483] : memref<512x128xf32, #tpu.memory_space<vmem>> -> memref<128x128xf32, #tpu.memory_space<vmem>>
      %dma_wait3A_485 = arith.constant 0 : i32
      %dma_wait3A_486 = tpu.memref_slice %arg10[%dma_wait3A_481, %dma_wait3A_485] : memref<8x128xi32, #tpu.memory_space<vmem>> -> memref<1x128xi32, #tpu.memory_space<vmem>>
      %dma_wait3A_487 = tpu.memref_squeeze %dma_wait3A_486 : memref<1x128xi32, #tpu.memory_space<vmem>> -> memref<128xi32, #tpu.memory_space<vmem>>
      %dma_wait3A_488 = arith.constant 0 : i32
      %dma_wait3A_489 = arith.constant 0 : i32
      %dma_wait3A_490 = tpu.memref_slice %arg3[%dma_wait3A_488, %dma_wait3A_489] : memref<320000x128xf32, #tpu.memory_space<hbm>> -> memref<320000x128xf32, #tpu.memory_space<hbm>>
      tpu.wait_indirect_dma semaphore(%arg12 : memref<!tpu.dma_semaphore, #tpu.memory_space<semaphore_mem>>) src(%dma_wait3A_490 : memref<320000x128xf32, #tpu.memory_space<hbm>>) dst(%dma_wait3A_484 : memref<128x128xf32, #tpu.memory_space<vmem>>)
      %dma_wait3A_491 = arith.constant 5 : i32
      %dma_wait3A_492 = arith.constant 128 : i32
      %dma_wait3A_493 = arith.constant 0 : i32
      %dma_wait3A_494 = tpu.memref_slice %arg11[%dma_wait3A_492, %dma_wait3A_493] : memref<512x128xf32, #tpu.memory_space<vmem>> -> memref<128x128xf32, #tpu.memory_space<vmem>>
      %dma_wait3A_495 = arith.constant 0 : i32
      %dma_wait3A_496 = tpu.memref_slice %arg10[%dma_wait3A_491, %dma_wait3A_495] : memref<8x128xi32, #tpu.memory_space<vmem>> -> memref<1x128xi32, #tpu.memory_space<vmem>>
      %dma_wait3A_497 = tpu.memref_squeeze %dma_wait3A_496 : memref<1x128xi32, #tpu.memory_space<vmem>> -> memref<128xi32, #tpu.memory_space<vmem>>
      %dma_wait3A_498 = arith.constant 0 : i32
      %dma_wait3A_499 = arith.constant 0 : i32
      %dma_wait3A_500 = tpu.memref_slice %arg3[%dma_wait3A_498, %dma_wait3A_499] : memref<320000x128xf32, #tpu.memory_space<hbm>> -> memref<320000x128xf32, #tpu.memory_space<hbm>>
      tpu.wait_indirect_dma semaphore(%arg12 : memref<!tpu.dma_semaphore, #tpu.memory_space<semaphore_mem>>) src(%dma_wait3A_500 : memref<320000x128xf32, #tpu.memory_space<hbm>>) dst(%dma_wait3A_494 : memref<128x128xf32, #tpu.memory_space<vmem>>)
      %dma_wait3A_501 = arith.constant 6 : i32
      %dma_wait3A_502 = arith.constant 256 : i32
      %dma_wait3A_503 = arith.constant 0 : i32
      %dma_wait3A_504 = tpu.memref_slice %arg11[%dma_wait3A_502, %dma_wait3A_503] : memref<512x128xf32, #tpu.memory_space<vmem>> -> memref<128x128xf32, #tpu.memory_space<vmem>>
      %dma_wait3A_505 = arith.constant 0 : i32
      %dma_wait3A_506 = tpu.memref_slice %arg10[%dma_wait3A_501, %dma_wait3A_505] : memref<8x128xi32, #tpu.memory_space<vmem>> -> memref<1x128xi32, #tpu.memory_space<vmem>>
      %dma_wait3A_507 = tpu.memref_squeeze %dma_wait3A_506 : memref<1x128xi32, #tpu.memory_space<vmem>> -> memref<128xi32, #tpu.memory_space<vmem>>
      %dma_wait3A_508 = arith.constant 0 : i32
      %dma_wait3A_509 = arith.constant 0 : i32
      %dma_wait3A_510 = tpu.memref_slice %arg3[%dma_wait3A_508, %dma_wait3A_509] : memref<320000x128xf32, #tpu.memory_space<hbm>> -> memref<320000x128xf32, #tpu.memory_space<hbm>>
      tpu.wait_indirect_dma semaphore(%arg12 : memref<!tpu.dma_semaphore, #tpu.memory_space<semaphore_mem>>) src(%dma_wait3A_510 : memref<320000x128xf32, #tpu.memory_space<hbm>>) dst(%dma_wait3A_504 : memref<128x128xf32, #tpu.memory_space<vmem>>)
      %dma_wait3A_511 = arith.constant 7 : i32
      %dma_wait3A_512 = arith.constant 384 : i32
      %dma_wait3A_513 = arith.constant 0 : i32
      %dma_wait3A_514 = tpu.memref_slice %arg11[%dma_wait3A_512, %dma_wait3A_513] : memref<512x128xf32, #tpu.memory_space<vmem>> -> memref<128x128xf32, #tpu.memory_space<vmem>>
      %dma_wait3A_515 = arith.constant 0 : i32
      %dma_wait3A_516 = tpu.memref_slice %arg10[%dma_wait3A_511, %dma_wait3A_515] : memref<8x128xi32, #tpu.memory_space<vmem>> -> memref<1x128xi32, #tpu.memory_space<vmem>>
      %dma_wait3A_517 = tpu.memref_squeeze %dma_wait3A_516 : memref<1x128xi32, #tpu.memory_space<vmem>> -> memref<128xi32, #tpu.memory_space<vmem>>
      %dma_wait3A_518 = arith.constant 0 : i32
      %dma_wait3A_519 = arith.constant 0 : i32
      %dma_wait3A_520 = tpu.memref_slice %arg3[%dma_wait3A_518, %dma_wait3A_519] : memref<320000x128xf32, #tpu.memory_space<hbm>> -> memref<320000x128xf32, #tpu.memory_space<hbm>>
      tpu.wait_indirect_dma semaphore(%arg12 : memref<!tpu.dma_semaphore, #tpu.memory_space<semaphore_mem>>) src(%dma_wait3A_520 : memref<320000x128xf32, #tpu.memory_space<hbm>>) dst(%dma_wait3A_514 : memref<128x128xf32, #tpu.memory_space<vmem>>)
      %add3A_521 = arith.constant 512 : i32
      %add3A_522 = arith.addi %multiple_of3A, %add3A_521 : i32
      %multiple_of3A_523 = tpu.assume_multiple %add3A_522, 8 : i32
      "tpu.region"() ({
        %run_scoped3A = tpu.sem_alloc : memref<!tpu.dma_semaphore, #tpu.memory_space<semaphore_mem>>
        %dma_start3A_524 = arith.constant 0 : i32
        %dma_start3A_525 = tpu.memref_slice %arg9[%multiple_of3A_523, %dma_start3A_524] : memref<524288x128xf32, #tpu.memory_space<hbm>> -> memref<512x128xf32, #tpu.memory_space<hbm>>
        %dma_start3A_526 = arith.constant 0 : i32
        %dma_start3A_527 = tpu.memref_slice %arg9[%multiple_of3A_523, %dma_start3A_526] : memref<524288x128xf32, #tpu.memory_space<hbm>> -> memref<512x128xf32, #tpu.memory_space<hbm>>
        tpu.enqueue_dma source(%arg11 : memref<512x128xf32, #tpu.memory_space<vmem>>) target(%dma_start3A_527 : memref<512x128xf32, #tpu.memory_space<hbm>>) target_semaphore(%run_scoped3A : memref<!tpu.dma_semaphore, #tpu.memory_space<semaphore_mem>>)
        %dma_wait3A_528 = arith.constant 0 : i32
        %dma_wait3A_529 = tpu.memref_slice %arg9[%multiple_of3A_523, %dma_wait3A_528] : memref<524288x128xf32, #tpu.memory_space<hbm>> -> memref<512x128xf32, #tpu.memory_space<hbm>>
        %dma_wait3A_530 = arith.constant 0 : i32
        %dma_wait3A_531 = tpu.memref_slice %arg9[%multiple_of3A_523, %dma_wait3A_530] : memref<524288x128xf32, #tpu.memory_space<hbm>> -> memref<512x128xf32, #tpu.memory_space<hbm>>
        tpu.wait_dma2 semaphore(%run_scoped3A : memref<!tpu.dma_semaphore, #tpu.memory_space<semaphore_mem>>) src(%arg11 : memref<512x128xf32, #tpu.memory_space<vmem>>) dst(%dma_wait3A_531 : memref<512x128xf32, #tpu.memory_space<hbm>>)
        tpu.yield
      }) : () -> ()
    }
    %scan3A_6 = arith.constant 16 : i32
    return
  }
}

module attributes {stable_mosaic.version = 14 : i64} {
  func.func @_mm_stats_body(%arg0: i32, %arg1: memref<2000x128xf32, #tpu.memory_space<vmem>>, %arg2: memref<2000x128xf32, #tpu.memory_space<vmem>>, %arg3: memref<2000x128xf32, #tpu.memory_space<vmem>>, %arg4: memref<2000x64xf32, #tpu.memory_space<vmem>>, %arg5: memref<448x128xf32, #tpu.memory_space<vmem>>, %arg6: memref<448x128xf32, #tpu.memory_space<vmem>>, %arg7: memref<2000x128xf32, #tpu.memory_space<vmem>>, %arg8: memref<2000x128xf32, #tpu.memory_space<vmem>>, %arg9: memref<8x128xf32, #tpu.memory_space<vmem>>) attributes {dimension_semantics = [#tpu.dimension_semantics<arbitrary>], iteration_bounds = array<i64: 250>, scalar_prefetch = 0 : i64, scratch_operands = 0 : i64, tpu.core_type = #tpu.core_type<tc>, window_params = [{transform_indices = @transform_0, window_bounds = array<i64: 2000, 128>}, {transform_indices = @transform_1, window_bounds = array<i64: 2000, 128>}, {transform_indices = @transform_2, window_bounds = array<i64: 2000, 128>}, {transform_indices = @transform_3, window_bounds = array<i64: 2000, 64>}, {pipeline_mode = #tpu.pipeline_mode<synchronous>, transform_indices = @transform_4, window_bounds = array<i64: 448, 128>}, {pipeline_mode = #tpu.pipeline_mode<synchronous>, transform_indices = @transform_5, window_bounds = array<i64: 448, 128>}, {transform_indices = @transform_6, window_bounds = array<i64: 2000, 128>}, {transform_indices = @transform_7, window_bounds = array<i64: 2000, 128>}, {pipeline_mode = #tpu.pipeline_mode<synchronous>, transform_indices = @transform_8, window_bounds = array<i64: 8, 128>}]} {
    %get3A = arith.constant 0 : index
    %get3A_0 = arith.constant 0 : index
    %get3A_1 = vector.load %arg1[%get3A, %get3A_0] : memref<2000x128xf32, #tpu.memory_space<vmem>>, vector<2000x128xf32>
    %get3A_2 = arith.constant 0 : index
    %get3A_3 = arith.constant 0 : index
    %get3A_4 = vector.load %arg2[%get3A_2, %get3A_3] : memref<2000x128xf32, #tpu.memory_space<vmem>>, vector<2000x128xf32>
    %get3A_5 = arith.constant 0 : index
    %get3A_6 = arith.constant 0 : index
    %get3A_7 = vector.load %arg3[%get3A_5, %get3A_6] : memref<2000x128xf32, #tpu.memory_space<vmem>>, vector<2000x128xf32>
    %get3A_8 = arith.constant 0 : index
    %get3A_9 = arith.constant 0 : index
    %get3A_10 = vector.load %arg4[%get3A_8, %get3A_9] : memref<2000x64xf32, #tpu.memory_space<vmem>>, vector<2000x64xf32>
    %concatenate3A = tpu.concatenate %get3A_1, %get3A_4, %get3A_7, %get3A_10 in 1 : vector<2000x128xf32>, vector<2000x128xf32>, vector<2000x128xf32>, vector<2000x64xf32> -> vector<2000x448xf32>
    %get3A_11 = arith.constant 0 : index
    %get3A_12 = arith.constant 0 : index
    %get3A_13 = vector.load %arg5[%get3A_11, %get3A_12] : memref<448x128xf32, #tpu.memory_space<vmem>>, vector<448x128xf32>
    %dot_general3A = arith.constant dense<0.000000e+00> : vector<2000x128xf32>
    %dot_general3A_14 = tpu.matmul %concatenate3A, %get3A_13, %dot_general3A {dimension_numbers = #tpu.dot_dimension_numbers<[1], [0], [0], [1], [0, 0, 1, 1], [], []>, transpose_lhs_hint = false} : vector<2000x448xf32>, vector<448x128xf32>, vector<2000x128xf32> -> vector<2000x128xf32>
    %get3A_15 = arith.constant 0 : index
    %get3A_16 = arith.constant 0 : index
    %get3A_17 = vector.load %arg6[%get3A_15, %get3A_16] : memref<448x128xf32, #tpu.memory_space<vmem>>, vector<448x128xf32>
    %dot_general3A_18 = arith.constant dense<0.000000e+00> : vector<2000x128xf32>
    %dot_general3A_19 = tpu.matmul %concatenate3A, %get3A_17, %dot_general3A_18 {dimension_numbers = #tpu.dot_dimension_numbers<[1], [0], [0], [1], [0, 0, 1, 1], [], []>, transpose_lhs_hint = false} : vector<2000x448xf32>, vector<448x128xf32>, vector<2000x128xf32> -> vector<2000x128xf32>
    %swap3A = arith.constant 0 : index
    %swap3A_20 = arith.constant 0 : index
    %swap3A_21 = vector.load %arg7[%swap3A, %swap3A_20] : memref<2000x128xf32, #tpu.memory_space<vmem>>, vector<2000x128xf32>
    tpu.vector_store %arg7[%swap3A, %swap3A_20], %dot_general3A_14 {strides = array<i32>} : memref<2000x128xf32, #tpu.memory_space<vmem>>, vector<2000x128xf32>,
    %swap3A_22 = arith.constant 0 : index
    %swap3A_23 = arith.constant 0 : index
    %swap3A_24 = vector.load %arg8[%swap3A_22, %swap3A_23] : memref<2000x128xf32, #tpu.memory_space<vmem>>, vector<2000x128xf32>
    tpu.vector_store %arg8[%swap3A_22, %swap3A_23], %dot_general3A_19 {strides = array<i32>} : memref<2000x128xf32, #tpu.memory_space<vmem>>, vector<2000x128xf32>,
    %eq3A = arith.constant 0 : i32
    %eq3A_25 = arith.cmpi eq, %arg0, %eq3A : i32
    %convert_element_type3A = arith.extui %eq3A_25 : i1 to i32
    %cond3A = arith.constant 0 : i32
    %cond3A_26 = arith.cmpi ne, %convert_element_type3A, %cond3A : i32
    scf.if %cond3A_26 {
      %broadcast_in_dim3A_50 = arith.constant 0.000000e+00 : f32
      %broadcast_in_dim3A_51 = vector.broadcast %broadcast_in_dim3A_50 : f32 to vector<8x128xf32>
      %swap3A_52 = arith.constant 0 : index
      %swap3A_53 = arith.constant 0 : index
      %swap3A_54 = vector.load %arg9[%swap3A_52, %swap3A_53] : memref<8x128xf32, #tpu.memory_space<vmem>>, vector<8x128xf32>
      tpu.vector_store %arg9[%swap3A_52, %swap3A_53], %broadcast_in_dim3A_51 {strides = array<i32>} : memref<8x128xf32, #tpu.memory_space<vmem>>, vector<8x128xf32>,
    } else {
    }
    %broadcast_in_dim3A = arith.constant 0.000000e+00 : f32
    %broadcast_in_dim3A_27 = vector.broadcast %broadcast_in_dim3A : f32 to vector<128xf32>
    %get3A_28 = arith.constant 0 : index
    %get3A_29 = arith.constant 0 : index
    %get3A_30 = vector.load %arg9[%get3A_28, %get3A_29] : memref<8x128xf32, #tpu.memory_space<vmem>>, vector<8x128xf32>
    %reduce_sum3A = arith.constant dense<0.000000e+00> : vector<128xf32>
    %reduce_sum3A_31 = vector.multi_reduction <add>, %dot_general3A_14, %reduce_sum3A [0] : vector<2000x128xf32> to vector<128xf32>
    %mul3A = arith.mulf %dot_general3A_14, %dot_general3A_14 : vector<2000x128xf32>
    %reduce_sum3A_32 = arith.constant dense<0.000000e+00> : vector<128xf32>
    %reduce_sum3A_33 = vector.multi_reduction <add>, %mul3A, %reduce_sum3A_32 [0] : vector<2000x128xf32> to vector<128xf32>
    %reduce_sum3A_34 = arith.constant dense<0.000000e+00> : vector<128xf32>
    %reduce_sum3A_35 = vector.multi_reduction <add>, %dot_general3A_19, %reduce_sum3A_34 [0] : vector<2000x128xf32> to vector<128xf32>
    %mul3A_36 = arith.mulf %dot_general3A_19, %dot_general3A_19 : vector<2000x128xf32>
    %reduce_sum3A_37 = arith.constant dense<0.000000e+00> : vector<128xf32>
    %reduce_sum3A_38 = vector.multi_reduction <add>, %mul3A_36, %reduce_sum3A_37 [0] : vector<2000x128xf32> to vector<128xf32>
    %stack3A = vector.shape_cast %reduce_sum3A_31 : vector<128xf32> to vector<1x128xf32>
    %stack3A_39 = vector.shape_cast %reduce_sum3A_33 : vector<128xf32> to vector<1x128xf32>
    %stack3A_40 = vector.shape_cast %reduce_sum3A_35 : vector<128xf32> to vector<1x128xf32>
    %stack3A_41 = vector.shape_cast %reduce_sum3A_38 : vector<128xf32> to vector<1x128xf32>
    %stack3A_42 = vector.shape_cast %broadcast_in_dim3A_27 : vector<128xf32> to vector<1x128xf32>
    %stack3A_43 = vector.shape_cast %broadcast_in_dim3A_27 : vector<128xf32> to vector<1x128xf32>
    %stack3A_44 = vector.shape_cast %broadcast_in_dim3A_27 : vector<128xf32> to vector<1x128xf32>
    %stack3A_45 = vector.shape_cast %broadcast_in_dim3A_27 : vector<128xf32> to vector<1x128xf32>
    %stack3A_46 = tpu.concatenate %stack3A, %stack3A_39, %stack3A_40, %stack3A_41, %stack3A_42, %stack3A_43, %stack3A_44, %stack3A_45 in 0 : vector<1x128xf32>, vector<1x128xf32>, vector<1x128xf32>, vector<1x128xf32>, vector<1x128xf32>, vector<1x128xf32>, vector<1x128xf32>, vector<1x128xf32> -> vector<8x128xf32>
    %add3A = arith.addf %get3A_30, %stack3A_46 : vector<8x128xf32>
    %swap3A_47 = arith.constant 0 : index
    %swap3A_48 = arith.constant 0 : index
    %swap3A_49 = vector.load %arg9[%swap3A_47, %swap3A_48] : memref<8x128xf32, #tpu.memory_space<vmem>>, vector<8x128xf32>
    tpu.vector_store %arg9[%swap3A_47, %swap3A_48], %add3A {strides = array<i32>} : memref<8x128xf32, #tpu.memory_space<vmem>>, vector<8x128xf32>,
    return
  }
  func.func @transform_0(%arg0: i32) -> (i32, i32) {
    %c0_i32 = arith.constant 0 : i32
    %c0_i32_0 = arith.constant 0 : i32
    return %arg0, %c0_i32 : i32, i32
  }
  func.func @transform_1(%arg0: i32) -> (i32, i32) {
    %c0_i32 = arith.constant 0 : i32
    %c0_i32_0 = arith.constant 0 : i32
    return %arg0, %c0_i32 : i32, i32
  }
  func.func @transform_2(%arg0: i32) -> (i32, i32) {
    %c0_i32 = arith.constant 0 : i32
    %c0_i32_0 = arith.constant 0 : i32
    return %arg0, %c0_i32 : i32, i32
  }
  func.func @transform_3(%arg0: i32) -> (i32, i32) {
    %c0_i32 = arith.constant 0 : i32
    %c0_i32_0 = arith.constant 0 : i32
    return %arg0, %c0_i32 : i32, i32
  }
  func.func @transform_4(%arg0: i32) -> (i32, i32) {
    %c0_i32 = arith.constant 0 : i32
    %c0_i32_0 = arith.constant 0 : i32
    %c0_i32_1 = arith.constant 0 : i32
    return %c0_i32, %c0_i32_0 : i32, i32
  }
  func.func @transform_5(%arg0: i32) -> (i32, i32) {
    %c0_i32 = arith.constant 0 : i32
    %c0_i32_0 = arith.constant 0 : i32
    %c0_i32_1 = arith.constant 0 : i32
    return %c0_i32, %c0_i32_0 : i32, i32
  }
  func.func @transform_6(%arg0: i32) -> (i32, i32) {
    %c0_i32 = arith.constant 0 : i32
    %c0_i32_0 = arith.constant 0 : i32
    return %arg0, %c0_i32 : i32, i32
  }
  func.func @transform_7(%arg0: i32) -> (i32, i32) {
    %c0_i32 = arith.constant 0 : i32
    %c0_i32_0 = arith.constant 0 : i32
    return %arg0, %c0_i32 : i32, i32
  }
  func.func @transform_8(%arg0: i32) -> (i32, i32) {
    %c0_i32 = arith.constant 0 : i32
    %c0_i32_0 = arith.constant 0 : i32
    %c0_i32_1 = arith.constant 0 : i32
    return %c0_i32, %c0_i32_0 : i32, i32
  }
}

module attributes {stable_mosaic.version = 14 : i64} {
  func.func @_act_body(%arg0: i32, %arg1: memref<2000x128xf32, #tpu.memory_space<vmem>>, %arg2: memref<2000x128xf32, #tpu.memory_space<vmem>>, %arg3: memref<8x128xf32, #tpu.memory_space<vmem>>, %arg4: memref<2000x128xf32, #tpu.memory_space<vmem>>) attributes {dimension_semantics = [#tpu.dimension_semantics<arbitrary>], iteration_bounds = array<i64: 250>, scalar_prefetch = 0 : i64, scratch_operands = 0 : i64, tpu.core_type = #tpu.core_type<tc>, window_params = [{transform_indices = @transform_0, window_bounds = array<i64: 2000, 128>}, {transform_indices = @transform_1, window_bounds = array<i64: 2000, 128>}, {pipeline_mode = #tpu.pipeline_mode<synchronous>, transform_indices = @transform_2, window_bounds = array<i64: 8, 128>}, {transform_indices = @transform_3, window_bounds = array<i64: 2000, 128>}]} {
    %get3A = arith.constant 0 : index
    %get3A_0 = arith.constant 0 : index
    %get3A_1 = vector.load %arg3[%get3A, %get3A_0] : memref<8x128xf32, #tpu.memory_space<vmem>>, vector<8x128xf32>
    %get3A_2 = arith.constant 0 : index
    %get3A_3 = arith.constant 0 : index
    %get3A_4 = vector.load %arg1[%get3A_2, %get3A_3] : memref<2000x128xf32, #tpu.memory_space<vmem>>, vector<2000x128xf32>
    %slice3A = vector.extract_strided_slice %get3A_1 {offsets = [0, 0], sizes = [1, 128], strides = [1, 1]} : vector<8x128xf32> to vector<1x128xf32>
    %mul3A = vector.broadcast %slice3A : vector<1x128xf32> to vector<2000x128xf32>
    %mul3A_5 = arith.mulf %get3A_4, %mul3A : vector<2000x128xf32>
    %slice3A_6 = vector.extract_strided_slice %get3A_1 {offsets = [1, 0], sizes = [1, 128], strides = [1, 1]} : vector<8x128xf32> to vector<1x128xf32>
    %add3A = vector.broadcast %slice3A_6 : vector<1x128xf32> to vector<2000x128xf32>
    %add3A_7 = arith.addf %mul3A_5, %add3A : vector<2000x128xf32>
    %get3A_8 = arith.constant 0 : index
    %get3A_9 = arith.constant 0 : index
    %get3A_10 = vector.load %arg2[%get3A_8, %get3A_9] : memref<2000x128xf32, #tpu.memory_space<vmem>>, vector<2000x128xf32>
    %slice3A_11 = vector.extract_strided_slice %get3A_1 {offsets = [2, 0], sizes = [1, 128], strides = [1, 1]} : vector<8x128xf32> to vector<1x128xf32>
    %mul3A_12 = vector.broadcast %slice3A_11 : vector<1x128xf32> to vector<2000x128xf32>
    %mul3A_13 = arith.mulf %get3A_10, %mul3A_12 : vector<2000x128xf32>
    %slice3A_14 = vector.extract_strided_slice %get3A_1 {offsets = [3, 0], sizes = [1, 128], strides = [1, 1]} : vector<8x128xf32> to vector<1x128xf32>
    %add3A_15 = vector.broadcast %slice3A_14 : vector<1x128xf32> to vector<2000x128xf32>
    %add3A_16 = arith.addf %mul3A_13, %add3A_15 : vector<2000x128xf32>
    %logistic3A = arith.negf %add3A_7 : vector<2000x128xf32>
    %logistic3A_17 = math.exp %logistic3A : vector<2000x128xf32>
    %logistic3A_18 = arith.constant 1.000000e+00 : f32
    %logistic3A_19 = vector.broadcast %logistic3A_18 : f32 to vector<2000x128xf32>
    %logistic3A_20 = arith.addf %logistic3A_19, %logistic3A_17 : vector<2000x128xf32>
    %logistic3A_21 = arith.divf %logistic3A_19, %logistic3A_20 : vector<2000x128xf32>
    %mul3A_22 = arith.mulf %add3A_7, %logistic3A_21 : vector<2000x128xf32>
    %logistic3A_23 = arith.negf %add3A_16 : vector<2000x128xf32>
    %logistic3A_24 = math.exp %logistic3A_23 : vector<2000x128xf32>
    %logistic3A_25 = arith.constant 1.000000e+00 : f32
    %logistic3A_26 = vector.broadcast %logistic3A_25 : f32 to vector<2000x128xf32>
    %logistic3A_27 = arith.addf %logistic3A_26, %logistic3A_24 : vector<2000x128xf32>
    %logistic3A_28 = arith.divf %logistic3A_26, %logistic3A_27 : vector<2000x128xf32>
    %mul3A_29 = arith.mulf %mul3A_22, %logistic3A_28 : vector<2000x128xf32>
    %swap3A = arith.constant 0 : index
    %swap3A_30 = arith.constant 0 : index
    %swap3A_31 = vector.load %arg4[%swap3A, %swap3A_30] : memref<2000x128xf32, #tpu.memory_space<vmem>>, vector<2000x128xf32>
    tpu.vector_store %arg4[%swap3A, %swap3A_30], %mul3A_29 {strides = array<i32>} : memref<2000x128xf32, #tpu.memory_space<vmem>>, vector<2000x128xf32>,
    return
  }
  func.func @transform_0(%arg0: i32) -> (i32, i32) {
    %c0_i32 = arith.constant 0 : i32
    %c0_i32_0 = arith.constant 0 : i32
    return %arg0, %c0_i32 : i32, i32
  }
  func.func @transform_1(%arg0: i32) -> (i32, i32) {
    %c0_i32 = arith.constant 0 : i32
    %c0_i32_0 = arith.constant 0 : i32
    return %arg0, %c0_i32 : i32, i32
  }
  func.func @transform_2(%arg0: i32) -> (i32, i32) {
    %c0_i32 = arith.constant 0 : i32
    %c0_i32_0 = arith.constant 0 : i32
    %c0_i32_1 = arith.constant 0 : i32
    return %c0_i32, %c0_i32_0 : i32, i32
  }
  func.func @transform_3(%arg0: i32) -> (i32, i32) {
    %c0_i32 = arith.constant 0 : i32
    %c0_i32_0 = arith.constant 0 : i32
    return %arg0, %c0_i32 : i32, i32
  }
}

module attributes {stable_mosaic.version = 14 : i64} {
  func.func @_final_body(%arg0: i32, %arg1: memref<2000x128xf32, #tpu.memory_space<vmem>>, %arg2: memref<2000x128xf32, #tpu.memory_space<vmem>>, %arg3: memref<128x128xf32, #tpu.memory_space<vmem>>, %arg4: memref<2000x128xf32, #tpu.memory_space<vmem>>) attributes {dimension_semantics = [#tpu.dimension_semantics<arbitrary>], iteration_bounds = array<i64: 160>, scalar_prefetch = 0 : i64, scratch_operands = 0 : i64, tpu.core_type = #tpu.core_type<tc>, window_params = [{transform_indices = @transform_0, window_bounds = array<i64: 2000, 128>}, {transform_indices = @transform_1, window_bounds = array<i64: 2000, 128>}, {pipeline_mode = #tpu.pipeline_mode<synchronous>, transform_indices = @transform_2, window_bounds = array<i64: 128, 128>}, {transform_indices = @transform_3, window_bounds = array<i64: 2000, 128>}]} {
    %get3A = arith.constant 0 : index
    %get3A_0 = arith.constant 0 : index
    %get3A_1 = vector.load %arg1[%get3A, %get3A_0] : memref<2000x128xf32, #tpu.memory_space<vmem>>, vector<2000x128xf32>
    %get3A_2 = arith.constant 0 : index
    %get3A_3 = arith.constant 0 : index
    %get3A_4 = vector.load %arg3[%get3A_2, %get3A_3] : memref<128x128xf32, #tpu.memory_space<vmem>>, vector<128x128xf32>
    %dot_general3A = arith.constant dense<0.000000e+00> : vector<2000x128xf32>
    %dot_general3A_5 = tpu.matmul %get3A_1, %get3A_4, %dot_general3A {dimension_numbers = #tpu.dot_dimension_numbers<[1], [0], [0], [1], [0, 0, 1, 1], [], []>, transpose_lhs_hint = false} : vector<2000x128xf32>, vector<128x128xf32>, vector<2000x128xf32> -> vector<2000x128xf32>
    %get3A_6 = arith.constant 0 : index
    %get3A_7 = arith.constant 0 : index
    %get3A_8 = vector.load %arg2[%get3A_6, %get3A_7] : memref<2000x128xf32, #tpu.memory_space<vmem>>, vector<2000x128xf32>
    %add3A = arith.addf %dot_general3A_5, %get3A_8 : vector<2000x128xf32>
    %swap3A = arith.constant 0 : index
    %swap3A_9 = arith.constant 0 : index
    %swap3A_10 = vector.load %arg4[%swap3A, %swap3A_9] : memref<2000x128xf32, #tpu.memory_space<vmem>>, vector<2000x128xf32>
    tpu.vector_store %arg4[%swap3A, %swap3A_9], %add3A {strides = array<i32>} : memref<2000x128xf32, #tpu.memory_space<vmem>>, vector<2000x128xf32>,
    return
  }
  func.func @transform_0(%arg0: i32) -> (i32, i32) {
    %c0_i32 = arith.constant 0 : i32
    %c0_i32_0 = arith.constant 0 : i32
    return %arg0, %c0_i32 : i32, i32
  }
  func.func @transform_1(%arg0: i32) -> (i32, i32) {
    %c0_i32 = arith.constant 0 : i32
    %c0_i32_0 = arith.constant 0 : i32
    return %arg0, %c0_i32 : i32, i32
  }
  func.func @transform_2(%arg0: i32) -> (i32, i32) {
    %c0_i32 = arith.constant 0 : i32
    %c0_i32_0 = arith.constant 0 : i32
    %c0_i32_1 = arith.constant 0 : i32
    return %c0_i32, %c0_i32_0 : i32, i32
  }
  func.func @transform_3(%arg0: i32) -> (i32, i32) {
    %c0_i32 = arith.constant 0 : i32
    %c0_i32_0 = arith.constant 0 : i32
    return %arg0, %c0_i32 : i32, i32
  }
}

</mosaic_0001>

<sc_bundles>
// kernel: kernel.10.cloned.1.call-start
scs
__scs_entry_jumppad:
0x0: {  	(pc) =	sbr.rel $0x88, $3  }
0x1: {  	(tag) =	ssettag $0x0;
	lr =	simm.s32 $0x1  }
0x2: {  	[smem:$0x3F94] =	sst lr;
	_ =	strace $0xD0000000  }
0x3: {  	_ = 	snop  }
0x4: {  	_ = 	snop  }
0x5: {  	_ = 	snop  }
0x6: {  	_ = 	snop  }
0x7: {  	_ = 	snop  }
__scs_overlays_trampoline_lowered:
0x8: {  	[smem:$0x3FA3] =	sst s0  }
0x9: {  	[smem:$0x3FA4] =	sst s1  }
0xa: {  	[smem:$0x3FA5] =	sst s2  }
0xb: {  	[smem:$0x3FA6] =	sst s3  }
0xc: {  	[smem:$0x3FA7] =	sst s4  }
0xd: {  	[smem:$0x3FA8] =	sst s5  }
0xe: {  	[smem:$0x3FA9] =	sst s6  }
0xf: {  	[smem:$0x3FAA] =	sst s7  }
0x10: {  	[smem:$0x3FAB] =	sst s8  }
0x11: {  	[smem:$0x3FAC] =	sst s9;
	s0 =	simm.s32 @!p0 $0x0  }
0x12: {  	s1 =	sld [smem:$0x3F92];
	s0 =	simm.s32 @p0 $0x1  }
0x13: {  	[smem:$0x3FAD] =	sst s0;
	s0 =	simm.s32 @!p1 $0x0  }
0x14: {  	s2 =	sld [smem:$0x3F91];
	s0 =	simm.s32 @p1 $0x1  }
0x15: {  	[smem:$0x3FAE] =	sst s0;
	s0 =	simm.s32 @!p2 $0x0  }
0x16: {  	s3 =	sld [smem:$0x3FDB];
	s0 =	simm.s32 @p2 $0x1  }
0x17: {  	s4 =	simm.s32 $0x1BF5;
	[smem:$0x3FB0] =	sst s0  }
0x18: {  	s0 =	sld [smem:$0x3F93];
	_ =	swait.ge [sflag:s4], $0x0  }
0x19: {  	s7 =	sld [smem:$0x3F94]  }
0x1a: {  	s8 =	sadd.s32 $0xFFFFE003, lr  }
0x1b: {  	s9 =	sadd.s32 $0xFFFFFEF7, lr;
	s5 =	simm.s32 $0xFFFFFFFF;
	p2 =	slt.u32 s8, $0xFFFFF086  }
0x1c: {  	p1 =	slt.u32 s9, $0xF7A;
	s5 =	simm.s32 @!p2 $0x0  }
0x1d: {  	s5 =	simm.s32 @p1 $0x1;
	p0 =	seq.s32 s7, s2  }
0x1e: {  	s7 =	smul.u32 @!p0 $0xF7A, s2;
	p2 =	seq.s32 @!p0 s5, $0x0  }
0x1f: {  	s9 =	smul.u32 $0xF7A, s1;
	s8 =	simm.s32 @!p0 $0x1BF5;
	p2 =	por !p2, p0  }
0x20: {  	[sflag:s8] =	ssyncset.s32 @!p0 $0xFFFFF086;
	s6 =	sadd.s32 @!p0 s3, s7;
	s7 =	simm.s32 @!p0 $0x108  }
0x21: {  	s3 =	sadd.s32 s3, s9;
	s6 =	sadd.s32 @!p0 $0x88, s6;
	s7 =	simm.s32 @p2 $0x1082  }
0x22: {  	[simem:s7], [sflag:s8] =	dma.local @!p0 [hbm:s6], $0xF7A  }
0x23: {  	s9 =	sor.u32 $0xD0000000, s2;
	s6 =	simm.s32 $0x108;
	_ =	swait.ge @!p0 [sflag:s8], $0x0  }
0x24: {  	s3 =	sadd.s32 $0x88, s3;
	s6 =	simm.s32 @!p1 $0x1082;
	[sflag:s4] =	ssyncset.s32 $0xFFFFF086  }
0x25: {  	[simem:s6], [sflag:s4] =	dma.local [hbm:s3], $0xF7A  }
0x26: {  	[smem:$0x3F94] =	sst s1;
	(tag) =	ssettag s2;
	_ =	strace s9  }
0x27: {  	s1 =	sld [smem:$0x3FA4]  }
0x28: {  	s2 =	sld [smem:$0x3FA5]  }
0x29: {  	s4 =	sld [smem:$0x3FA7]  }
0x2a: {  	p0 =	seq.s32 s5, $0x0;
	s5 =	sld [smem:$0x3FA8]  }
0x2b: {  	s6 =	sld [smem:$0x3FA9]  }
0x2c: {  	s7 =	sld [smem:$0x3FAA]  }
0x2d: {  	s3 =	simm.s32 $0x108;
	s8 =	sld [smem:$0x3FAB]  }
0x2e: {  	s3 =	simm.s32 @!p0 $0x1082;
	s9 =	sld [smem:$0x3FAC]  }
0x2f: {  	lr =	sadd.s32 s0, s3;
	s0 =	sld [smem:$0x3FA3]  }
0x30: {  	s3 =	sld [smem:$0x3FA6]  }
0x31: {  	[smem:$0x3FAF] =	sst s10  }
0x32: {  	s10 =	sld [smem:$0x3FAD];
	_ =	sdelay $0x3  }
0x33: {  	p0 =	seq.s32 s10, $0x1;
	s10 =	sld [smem:$0x3FAF];
	_ =	sdelay $0x3  }
0x34: {  	[smem:$0x3FAF] =	sst s10  }
0x35: {  	s10 =	sld [smem:$0x3FAE];
	_ =	sdelay $0x3  }
0x36: {  	p1 =	seq.s32 s10, $0x1;
	s10 =	sld [smem:$0x3FAF];
	_ =	sdelay $0x3  }
0x37: {  	[smem:$0x3FAF] =	sst s10  }
0x38: {  	s10 =	sld [smem:$0x3FB0]  }
0x39: {  	_ = 	snop;
	(pc) =	sbr.ind lr, $3  }
0x3a: {  	_ = 	snop  }
0x3b: {  	_ = 	snop  }
0x3c: {  	p2 =	seq.s32 s10, $0x1;
	s10 =	sld [smem:$0x3FAF]  }
0x3d: {  	_ =	shalt  }
0x3e: {  	_ =	shalt  }
0x3f: {  	_ =	shalt  }
0x40: {  	_ =	shalt  }
0x41: {  	_ =	shalt  }
0x42: {  	_ =	shalt  }
0x43: {  	_ =	shalt  }
0x44: {  	_ =	shalt  }
0x45: {  	_ =	shalt  }
0x46: {  	_ =	shalt  }
0x47: {  	_ =	shalt  }
0x48: {  	_ =	shalt  }
0x49: {  	_ =	shalt  }
0x4a: {  	_ =	shalt  }
0x4b: {  	_ =	shalt  }
0x4c: {  	_ =	shalt  }
0x4d: {  	_ =	shalt  }
0x4e: {  	_ =	shalt  }
0x4f: {  	_ =	shalt  }
0x50: {  	_ =	shalt  }
0x51: {  	_ =	shalt  }
0x52: {  	_ =	shalt  }
0x53: {  	_ =	shalt  }
0x54: {  	_ =	shalt  }
0x55: {  	_ =	shalt  }
0x56: {  	_ =	shalt  }
0x57: {  	_ =	shalt  }
0x58: {  	_ =	shalt  }
0x59: {  	_ =	shalt  }
0x5a: {  	_ =	shalt  }
0x5b: {  	_ =	shalt  }
0x5c: {  	_ =	shalt  }
0x5d: {  	_ =	shalt  }
0x5e: {  	_ =	shalt  }
0x5f: {  	_ =	shalt  }
0x60: {  	_ =	shalt  }
0x61: {  	_ =	shalt  }
0x62: {  	_ =	shalt  }
0x63: {  	_ =	shalt  }
0x64: {  	_ =	shalt  }
0x65: {  	_ =	shalt  }
0x66: {  	_ =	shalt  }
0x67: {  	_ =	shalt  }
0x68: {  	_ =	shalt  }
0x69: {  	_ =	shalt  }
0x6a: {  	_ =	shalt  }
0x6b: {  	_ =	shalt  }
0x6c: {  	_ =	shalt  }
0x6d: {  	_ =	shalt  }
0x6e: {  	_ =	shalt  }
0x6f: {  	_ =	shalt  }
0x70: {  	_ =	shalt  }
0x71: {  	_ =	shalt  }
0x72: {  	_ =	shalt  }
0x73: {  	_ =	shalt  }
0x74: {  	_ =	shalt  }
0x75: {  	_ =	shalt  }
0x76: {  	_ =	shalt  }
0x77: {  	_ =	shalt  }
0x78: {  	_ =	shalt  }
0x79: {  	_ =	shalt  }
0x7a: {  	_ =	shalt  }
0x7b: {  	_ =	shalt  }
0x7c: {  	_ =	shalt  }
0x7d: {  	_ =	shalt  }
0x7e: {  	_ =	shalt  }
0x7f: {  	_ =	shalt  }
0x80: {  	_ =	shalt  }
0x81: {  	_ =	shalt  }
0x82: {  	_ =	shalt  }
0x83: {  	_ =	shalt  }
0x84: {  	_ =	shalt  }
0x85: {  	_ =	shalt  }
0x86: {  	_ =	shalt  }
0x87: {  	_ =	shalt  }
.Lfunc_end0:
.L_simem_size_0:
called_computation.1_lowered:
.L_overlay_start_0:
0x88: {  	s2 =	sld [smem:$0x3FD9]  }
0x89: {  	s3 =	sld [smem:$0x3FFE];
	_ =	sdelay $0x1  }
0x8a: {  	s1 =	srdreg.scid  }
0x8b: {  	s0 =	sand.u32 $0x1, s1  }
0x8c: {  	s16 =	sshll.u32 s0, $0xA;
	s2 =	sadd.s32 s3, s2  }
0x8d: {  	s2 =	sadd.s32 s2, s16  }
0x8e: {  	[smem:$0x3FBB] =	sst s2  }
0x8f: {  	_ = 	snop  }
0x90: {  	(tm) =	ssettm $0x1  }
0x91: {  	s17 =	sld [smem:$0x3FFB];
	_ =	sdelay $0x3  }
0x92: {  	_ =	strace s17  }
0x93: {  	s2 =	sld [smem:$0x3FFC];
	_ =	sdelay $0x3  }
0x94: {  	_ =	strace s2  }
0x95: {  	s2 =	sld [smem:$0x3FFD];
	_ =	sdelay $0x3  }
0x96: {  	_ =	strace s2  }
0x97: {  	_ =	strace $0x8FFFFFFF  }
0x98: {  	s18 =	sld [smem:$0x3FDB];
	_ =	sdelay $0x1  }
0x99: {  	s19 =	simm.s32 $_scs_section_size  }
0x9a: {  	s4 =	simm.s32 $_size__tile_overlayer_lowered;
	s5 =	simm.s32 $_tile_overlayer_lowered  }
0x9b: {  	s22 =	simm.s32 $0x1BFF;
	s21 =	sshll.u32 s5, $0x1;
	s2 =	sadd.s32 s19, s18  }
0x9c: {  	s6 =	simm.s32 $0x0;
	s20 =	sshll.u32 s4, $0x1;
	s4 =	sadd.s32 s21, s2  }
0x9d: {  	[timem:s6], [sflag:s22] =	dma.local [hbm:s4], s20  }
0x9e: {  	_ =	swait.ge [sflag:s22], s20  }
0x9f: {  	s3 =	ssub.s32 $0x0, s20;
	[sflag:s22] =	ssyncset.done $0x0  }
0xa0: {  	[sflag:s22] =	ssyncadd.s32 s3;
	_ =	sdelay $0x1  }
0xa1: {  	s23 =	simm.s32 $0x1B8B  }
0xa2: {  	_ =	swait.ge [sflag:s23], $0x1  }
0xa3: {  	[sflag:s23] =	ssyncset.done $0x0  }
0xa4: {  	s25 =	simm.s32 $0x1B8E;
	s24 =	sld [smem:$0x3FFE];
	[sflag:s23] =	ssyncadd.s32 $0xFFFFFFFF  }
0xa5: {  	s26 =	simm.s32 $execute0_lowered;
	[smem:$0x3FD2] =	sst s25  }
0xa6: {  	s4 =	sshll.u32 s26, $0x1;
	_ =	strace $0x80000049;
	[dreg:$0x1] =	wrdreg $0xFFFFFFFF  }
0xa7: {  	s28 =	simm.s32 $_size_execute0_lowered;
	s2 =	sadd.s32 s2, s4;
	[dreg:$0x0] =	wrdreg $0x0  }
0xa8: {  	s4 =	sshll.u32 s28, $0x1;
	[dreg:$0x2] =	wrdreg s2  }
0xa9: {  	[dreg:$0x3] =	wrdreg s4  }
0xaa: {  	[dreg:$0x4] =	wrdreg $0xC0  }
0xab: {  	_ =	task [dreg:s6], $0x5FFFF  }
0xac: {  	[dreg:$0x1] =	wrdreg $0xFFFFFFFF  }
0xad: {  	[dreg:$0x0] =	wrdreg $0x60  }
0xae: {  	[dreg:$0x2] =	wrdreg s24  }
0xaf: {  	[dreg:$0x3] =	wrdreg $0x0  }
0xb0: {  	[dreg:$0x4] =	wrdreg $0x9  }
0xb1: {  	_ =	task.clear_ibuf [dreg:s6], $0x5FFFF;
	_ =	strace $0x90000049  }
0xb2: {  	s29 =	simm.s32 $0x9;
	_ =	strace $0x8000004B  }
0xb3: {  	_ =	swait.ge [sflag:s29], $0x1  }
0xb4: {  	[sflag:s29] =	ssyncadd.s32 $0xFFFFFFFF  }
0xb5: {  	_ =	strace $0x9000004B  }
0xb6: {  	_ =	sfence  }
0xb7: {  	s30 =	sld [smem:$0x0];
	_ =	sdelay $0x2  }
0xb8: {  	s31 =	sshll.u32 s1, $0xD;
	s1 =	sshrl.u32 s1, $0x2  }
0xb9: {  	s3 =	sand.u32 $0x4000, s31;
	s1 =	sadd.s32 s1, s30  }
0xba: {  	s0 =	sor.u32 s3, s0;
	s1 =	sshll.u32 s1, $0x11  }
0xbb: {  	s0 =	sor.u32 s1, s0  }
0xbc: {  	s0 =	sadd.s32 $0x8F2B, s0  }
0xbd: {  	[sflag:s0] =	ssyncadd.remote.s32 $0x1  }
0xbe: {  	_ =	sfence.sel $0xFFFF  }
0xbf: {  	[dreg:$0x0] =	wrdreg $0xFFFFFFFF;
	(pc) =	sbr.abs _section_cstart, $3  }
0xc0: {  	[dreg:$0x1] =	wrdreg $0xFFFFFFFF  }
0xc1: {  	_ =	task.clear_ibuf [dreg:s6], $0x2FFFF;
	_ =	strace $0x9FFFFFFF  }
0xc2: {  	(tm) =	ssettm $0x7FFFFFFF  }
0xc3: {  	_ =	shalt  }
tec
execute0_lowered:
.L_overlay_start_1:
0x0: {  	(tag) =	ssettag $0x1  }
0x1: {  	s0 =	rddreg [dreg:$0x0]  }
0x2: {  	s2 =	rddreg [dreg:$0x1];
	s3 =	simm.s32 $0x0;
	s1 =	stileid.u32  }
0x3: {  	s5 =	srdreg.scid;
	s15 =	simm.s32 $0x14500;
	s16 =	simm.s32 $0x3  }
0x4: {  	s17 =	simm.s32 $0x80;
	s18 =	simm.s32 $0x14400;
	s19 =	simm.s32 $0x18500  }
0x5: {  	s20 =	simm.s32 $0x14480;
	s21 =	simm.s32 $0x1;
	s22 =	simm.s32 $0x2  }
0x6: {  	[smem:$0x7FF] =	sst s3;
	s4 =	sshll.u32 s1, $0xC;
	s6 =	sshll.u32 s1, $0x13  }
0x7: {  	s5 =	sand.u32 $0x1, s5;
	s7 =	smul.u32 $0x4F000, s1;
	p0 =	seq.s32 s1, $0xF  }
0x8: {  	_ =	strace $0x8000004A;
	s13 =	sadd.s32 s4, s0;
	s12 =	sadd.s32 s6, s0  }
0x9: {  	s30 =	ssub.s32 $0x2, s5;
	s4 =	sadd.s32 $0x832400, s0;
	s5 =	sshll.u32 s5, $0x4  }
.Ltmp0:
0xa: {  	s31 =	sshrl.u32 s30, $0x1;
	s7 =	sshrl.u32 s7, $0x2;
	(pc) =	sbr.rel .LBB2_1-.Ltmp0, $4  }
0xb: {  	s12 =	sadd.s32 $0x32400, s12;
	s14 =	sadd.s32 $0x22400, s13;
	s0 =	ssub.s32 s30, s31  }
0xc: {  	s6 =	sadd.s32 s7, s2;
	s7 =	smul.u32 $0x278, s1;
	s1 =	simm.s32 $0x0  }
0xd: {  	s8 =	sadd.s32 $0x4000, s6;
	s9 =	sadd.s32 $0x8000, s6;
	s0 =	smax.u32 s0, $0x1  }
0xe: {  	v0 =	vimm.f32 $0.0e+00;
	s10 =	sadd.s32 $0xC000, s6;
	s11 =	sadd.s32 $0x10000, s6;
	[dreg:$0x3] =	wrdreg s0  }
.LBB2_10:
0xf: {  	s1 =	rddreg [dreg:$0x4]  }
0x10: {  	s0 =	rddreg [dreg:$0x3];
	s1 =	sadd.s32 $0x1, s1  }
0x11: {  	p1 =	sne.s32 s1, s0  }
.Ltmp1:
0x12: {  	_ = 	snop;
	(pc) =	sbr.rel @!p1 .LBB2_11-.Ltmp1, $1  }
0x13: {  	_ =	sdelay $0x3  }
.LBB2_1:
.Ltmp2:
0x14: {  	(pc) =	sbr.rel .LBB2_2-.Ltmp2, $2  }
0x15: {  	_ =	sdelay $0x2  }
0x16: {  	[dreg:$0x4] =	wrdreg s1;
	s24 =	simm.s32 $0x0  }
.LBB2_9:
0x17: {  	_ =	swait.ge [sflag:s21], $0x4000  }
0x18: {  	[sflag:s21] =	ssyncset.done $0x0  }
0x19: {  	s0 =	smul.u32 @p0 $0x138800, s26;
	[sflag:s21] =	ssyncadd.s32 $0xFFFFC000  }
0x1a: {  	_ =	swait.ge [sflag:s22], $0x4000  }
0x1b: {  	s0 =	sshrl.u32 @p0 s0, $0x3;
	[sflag:s22] =	ssyncset.done $0x0  }
0x1c: {  	s1 =	sshrl.u32 @p0 s6, $0x3;
	s0 =	sadd.s32 @p0 s4, s0;
	[sflag:s22] =	ssyncadd.s32 $0xFFFFC000  }
0x1d: {  	s13 =	simm.s32 @p0 $0x1FC3;
	s0 =	sadd.s32 @p0 $0x25080, s0;
	[bflag:$0x0] =	sbarrier.arrive $0xFFFF  }
0x1e: {  	[hbm:s0], [sflag:s13] =	dma.local @p0 [spmem:s1], $0x2080  }
0x1f: {  	s0 =	simm.s32 @p0 $0x3  }
0x20: {  	_ =	swait.ge @p0 [sflag:s0], $0x2080  }
0x21: {  	s1 =	sadd.s32 @!p0 s7, s25;
	[sflag:s0] =	ssyncset.done @p0 $0x0  }
0x22: {  	[sflag:s0] =	ssyncadd.s32 @p0 $0xFFFFDF80;
	s0 =	sshll.u32 @!p0 s1, $0x4;
	s1 =	stileid.u32  }
0x23: {  	s24 =	sadd.s32 $0x1, s24;
	s1 =	sshll.u32 @!p0 s1, $0x6  }
0x24: {  	s13 =	sshrl.u32 @!p0 s6, $0x3;
	s0 =	sadd.s32 @!p0 s4, s0;
	s1 =	sor.u32 @!p0 $0x1C03, s1  }
0x25: {  	[hbm:s0], [sflag:s1] =	dma.local @!p0 [spmem:s13], $0x2780  }
0x26: {  	p1 =	sne.s32 s24, $0x10;
	s0 =	simm.s32 @!p0 $0x3  }
.Ltmp3:
0x27: {  	_ =	swait.ge @!p0 [sflag:s0], $0x2780;
	(pc) =	sbr.rel @!p1 .LBB2_10-.Ltmp3, $3  }
0x28: {  	[sflag:s0] =	ssyncset.done @!p0 $0x0  }
0x29: {  	[sflag:s0] =	ssyncadd.s32 @!p0 $0xFFFFD880  }
0x2a: {  	[bflag:$0x0] =	sbarrier.arrive $0xFFFF;
	_ =	sdelay $0x1  }
.LBB2_2:
0x2b: {  	s0 =	simm.s32 $0x0;
	s13 =	simm.s32 $0x200  }
.LBB2_3:
0x2c: {  	p1 =	sne.s32 s13, $0xFE00;
	[tilespmem:s0+$0x14570] =	vst v0  }
0x2d: {  	[tilespmem:s0+$0x14500] =	vst v0  }
0x2e: {  	[tilespmem:s0+$0x14510] =	vst v0  }
.Ltmp4:
0x2f: {  	[tilespmem:s0+$0x14520] =	vst v0;
	(pc) =	sbr.rel @p1 .LBB2_3-.Ltmp4, $4  }
0x30: {  	[tilespmem:s0+$0x14530] =	vst v0  }
0x31: {  	[tilespmem:s0+$0x14540] =	vst v0  }
0x32: {  	[tilespmem:s0+$0x14550] =	vst v0  }
0x33: {  	[tilespmem:s0+$0x14560] =	vst v0;
	s0 =	sshra.s32 s13, $0x2;
	s13 =	sadd.s32 $0x200, s13  }
0x34: {  	[tilespmem:s0+$0x14570] =	vst v0  }
0x35: {  	[tilespmem:s0+$0x14500] =	vst v0  }
0x36: {  	[tilespmem:s0+$0x14510] =	vst v0  }
0x37: {  	[tilespmem:s0+$0x14520] =	vst v0  }
0x38: {  	[tilespmem:s0+$0x14530] =	vst v0  }
0x39: {  	[tilespmem:s0+$0x14540] =	vst v0  }
0x3a: {  	[tilespmem:s0+$0x14550] =	vst v0  }
0x3b: {  	[tilespmem:s0+$0x14560] =	vst v0  }
0x3c: {  	[spmem:s6] =	stream.linear.scatter [tilespmem:s15], [sflag:$0x3], $0x4000, $0x38;
	[tilespmem:$0x1C500] =	vst v63  }
0x3d: {  	_ =	swait.ge [sflag:s16], $0x4000  }
0x3e: {  	[sflag:s16] =	ssyncset.done $0x0  }
0x3f: {  	[sflag:s16] =	ssyncadd.s32 $0xFFFFC000  }
0x40: {  	[spmem:s8] =	stream.linear.scatter [tilespmem:s15], [sflag:$0x3], $0x4000, $0x38;
	[tilespmem:$0x1C500] =	vst v63  }
0x41: {  	_ =	swait.ge [sflag:s16], $0x4000  }
0x42: {  	[sflag:s16] =	ssyncset.done $0x0  }
0x43: {  	[sflag:s16] =	ssyncadd.s32 $0xFFFFC000  }
0x44: {  	[spmem:s9] =	stream.linear.scatter [tilespmem:s15], [sflag:$0x3], $0x4000, $0x38;
	[tilespmem:$0x1C500] =	vst v63  }
0x45: {  	_ =	swait.ge [sflag:s16], $0x4000  }
0x46: {  	[sflag:s16] =	ssyncset.done $0x0  }
0x47: {  	[sflag:s16] =	ssyncadd.s32 $0xFFFFC000  }
0x48: {  	[spmem:s10] =	stream.linear.scatter [tilespmem:s15], [sflag:$0x3], $0x4000, $0x38;
	[tilespmem:$0x1C500] =	vst v63  }
0x49: {  	_ =	swait.ge [sflag:s16], $0x4000  }
0x4a: {  	[sflag:s16] =	ssyncset.done $0x0  }
0x4b: {  	[sflag:s16] =	ssyncadd.s32 $0xFFFFC000  }
0x4c: {  	[spmem:s11] =	stream.linear.scatter [tilespmem:s15], [sflag:$0x3], $0x3C00, $0x38;
	[tilespmem:$0x1C500] =	vst v63  }
.Ltmp5:
0x4d: {  	s26 =	sadd.s32 s5, s24;
	_ =	swait.ge [sflag:s16], $0x3C00;
	(pc) =	sbr.rel .LBB2_5-.Ltmp5, $4  }
0x4e: {  	s25 =	smul.u32 $0x2710, s26;
	[sflag:s16] =	ssyncset.done $0x0  }
0x4f: {  	s28 =	simm.s32 $0x0;
	[sflag:s16] =	ssyncadd.s32 $0xFFFFC400  }
0x50: {  	s29 =	simm.s32 $0x1;
	s23 =	sadd.s32 $0x2710, s25;
	[bflag:$0x0] =	sbarrier.arrive $0xFFFF  }
0x51: {  	s30 =	smov.u32 s14;
	s31 =	smov.u32 s12;
	s0 =	simm.s32 $0x0;
	v1 =	vmov s25;
	v2 =	vmov s23  }
.LBB2_7:
0x52: {  	_ =	swait.ge [sflag:s21], $0x4000  }
0x53: {  	[sflag:s21] =	ssyncset.done $0x0  }
0x54: {  	p1 =	por $0x0, $0x0;
	s13 =	smov.u32 s29;
	[sflag:s21] =	ssyncadd.s32 $0xFFFFC000  }
.LBB2_8:
0x55: {  	s23 =	sand.u32 $0x700, s28  }
0x56: {  	v3 =	vld [tilespmem:s23+$0x13C00];
	_ =	sdelay $0x4  }
0x57: {  	vm0 =	vge.s32 v3, v1;
	vm1 =	vlt.s32 v3, v2  }
0x58: {  	v3 =	vsub.s32 v3, v1;
	vm0 =	vmand vm0, vm1  }
0x59: {  	v3 =	vnsel vm0, $0x2710, v3  }
0x5a: {  	[tilespmem:$0x14400] =	vst v3  }
0x5b: {  	v3 =	vld [tilespmem:s23+$0x13C10];
	_ =	sdelay $0x4  }
0x5c: {  	vm10 =	vge.s32 v3, v1;
	vm11 =	vlt.s32 v3, v2  }
0x5d: {  	v3 =	vsub.s32 v3, v1;
	vm0 =	vmand vm10, vm11  }
0x5e: {  	v3 =	vnsel vm0, $0x2710, v3  }
0x5f: {  	[tilespmem:$0x14410] =	vst v3  }
0x60: {  	v3 =	vld [tilespmem:s23+$0x13C20];
	_ =	sdelay $0x4  }
0x61: {  	vm12 =	vge.s32 v3, v1;
	vm13 =	vlt.s32 v3, v2  }
0x62: {  	v3 =	vsub.s32 v3, v1;
	vm0 =	vmand vm12, vm13  }
0x63: {  	v3 =	vnsel vm0, $0x2710, v3  }
0x64: {  	[tilespmem:$0x14420] =	vst v3  }
0x65: {  	v3 =	vld [tilespmem:s23+$0x13C30];
	_ =	sdelay $0x4  }
0x66: {  	vm14 =	vge.s32 v3, v1;
	vm15 =	vlt.s32 v3, v2  }
0x67: {  	v3 =	vsub.s32 v3, v1;
	vm0 =	vmand vm14, vm15  }
0x68: {  	v3 =	vnsel vm0, $0x2710, v3  }
0x69: {  	[tilespmem:$0x14430] =	vst v3  }
0x6a: {  	v3 =	vld [tilespmem:s23+$0x13C40];
	_ =	sdelay $0x4  }
0x6b: {  	vm4 =	vge.s32 v3, v1;
	vm5 =	vlt.s32 v3, v2  }
0x6c: {  	v3 =	vsub.s32 v3, v1;
	vm0 =	vmand vm4, vm5  }
0x6d: {  	v3 =	vnsel vm0, $0x2710, v3  }
0x6e: {  	[tilespmem:$0x14440] =	vst v3  }
0x6f: {  	v3 =	vld [tilespmem:s23+$0x13C50];
	_ =	sdelay $0x4  }
0x70: {  	vm6 =	vge.s32 v3, v1;
	vm7 =	vlt.s32 v3, v2  }
0x71: {  	v3 =	vsub.s32 v3, v1;
	vm0 =	vmand vm6, vm7  }
0x72: {  	v3 =	vnsel vm0, $0x2710, v3  }
0x73: {  	[tilespmem:$0x14450] =	vst v3  }
0x74: {  	v3 =	vld [tilespmem:s23+$0x13C60];
	_ =	sdelay $0x4  }
0x75: {  	vm8 =	vge.s32 v3, v1;
	vm9 =	vlt.s32 v3, v2  }
0x76: {  	v3 =	vsub.s32 v3, v1;
	vm0 =	vmand vm8, vm9  }
0x77: {  	v3 =	vnsel vm0, $0x2710, v3  }
0x78: {  	[tilespmem:$0x14460] =	vst v3  }
0x79: {  	v3 =	vld [tilespmem:s23+$0x13C70];
	_ =	sdelay $0x4  }
0x7a: {  	vm10 =	vge.s32 v3, v1;
	vm11 =	vlt.s32 v3, v2  }
0x7b: {  	v3 =	vsub.s32 v3, v1;
	vm0 =	vmand vm10, vm11  }
0x7c: {  	v3 =	vnsel vm0, $0x2710, v3  }
0x7d: {  	[tilespmem:$0x14470] =	vst v3  }
0x7e: {  	[tilespmem:s15], [sflag:$0x3] =	stream.linear.gather [hbm4b:s31+s3], $0x4000, $0x38;
	[tilespmem:$0x1C500] =	vst v63  }
0x7f: {  	_ =	swait.ge [sflag:s16], $0x4000  }
0x80: {  	[sflag:s16] =	ssyncset.done $0x0  }
0x81: {  	s23 =	simm.s32 @!p1 $0x2;
	[sflag:s16] =	ssyncadd.s32 $0xFFFFC000  }
0x82: {  	[spmem:s2] =	stream.indirect.scatter.add.f32 [tilespmem:s15], [sflag:$0x1], $0x80, s18, s17, $0xb8;
	[tilespmem:$0x1C500] =	vst v63  }
0x83: {  	_ =	swait.ge @!p1 [sflag:s23], $0x4000  }
0x84: {  	s1 =	sshll.u32 s13, $0x7;
	[sflag:s23] =	ssyncset.done @!p1 $0x0  }
0x85: {  	s1 =	sand.u32 $0x780, s1;
	[sflag:s23] =	ssyncadd.s32 @!p1 $0xFFFFC000  }
0x86: {  	v3 =	vld [tilespmem:s1+$0x13C00];
	_ =	sdelay $0x4  }
0x87: {  	vm12 =	vge.s32 v3, v1;
	vm13 =	vlt.s32 v3, v2  }
0x88: {  	v3 =	vsub.s32 v3, v1;
	vm0 =	vmand vm12, vm13  }
0x89: {  	v3 =	vnsel vm0, $0x2710, v3  }
0x8a: {  	[tilespmem:$0x14480] =	vst v3  }
0x8b: {  	v3 =	vld [tilespmem:s1+$0x13C10];
	_ =	sdelay $0x4  }
0x8c: {  	vm14 =	vge.s32 v3, v1;
	vm15 =	vlt.s32 v3, v2  }
0x8d: {  	v3 =	vsub.s32 v3, v1;
	vm0 =	vmand vm14, vm15  }
0x8e: {  	v3 =	vnsel vm0, $0x2710, v3  }
0x8f: {  	[tilespmem:$0x14490] =	vst v3  }
0x90: {  	v3 =	vld [tilespmem:s1+$0x13C20];
	_ =	sdelay $0x4  }
0x91: {  	vm4 =	vge.s32 v3, v1;
	vm5 =	vlt.s32 v3, v2  }
0x92: {  	v3 =	vsub.s32 v3, v1;
	vm0 =	vmand vm4, vm5  }
0x93: {  	v3 =	vnsel vm0, $0x2710, v3  }
0x94: {  	[tilespmem:$0x144A0] =	vst v3  }
0x95: {  	v3 =	vld [tilespmem:s1+$0x13C30];
	_ =	sdelay $0x4  }
0x96: {  	vm6 =	vge.s32 v3, v1;
	vm7 =	vlt.s32 v3, v2  }
0x97: {  	v3 =	vsub.s32 v3, v1;
	vm0 =	vmand vm6, vm7  }
0x98: {  	v3 =	vnsel vm0, $0x2710, v3  }
0x99: {  	[tilespmem:$0x144B0] =	vst v3  }
0x9a: {  	v3 =	vld [tilespmem:s1+$0x13C40];
	_ =	sdelay $0x4  }
0x9b: {  	vm8 =	vge.s32 v3, v1;
	vm9 =	vlt.s32 v3, v2  }
0x9c: {  	v3 =	vsub.s32 v3, v1;
	vm0 =	vmand vm8, vm9  }
0x9d: {  	v3 =	vnsel vm0, $0x2710, v3  }
0x9e: {  	[tilespmem:$0x144C0] =	vst v3  }
0x9f: {  	v3 =	vld [tilespmem:s1+$0x13C50];
	_ =	sdelay $0x4  }
0xa0: {  	vm10 =	vge.s32 v3, v1;
	vm11 =	vlt.s32 v3, v2  }
0xa1: {  	v3 =	vsub.s32 v3, v1;
	vm0 =	vmand vm10, vm11  }
0xa2: {  	v3 =	vnsel vm0, $0x2710, v3  }
0xa3: {  	[tilespmem:$0x144D0] =	vst v3  }
0xa4: {  	v3 =	vld [tilespmem:s1+$0x13C60];
	_ =	sdelay $0x4  }
0xa5: {  	vm12 =	vge.s32 v3, v1;
	vm13 =	vlt.s32 v3, v2  }
0xa6: {  	v3 =	vsub.s32 v3, v1;
	vm0 =	vmand vm12, vm13  }
0xa7: {  	v3 =	vnsel vm0, $0x2710, v3  }
0xa8: {  	[tilespmem:$0x144E0] =	vst v3  }
0xa9: {  	v3 =	vld [tilespmem:s1+$0x13C70];
	_ =	sdelay $0x4  }
0xaa: {  	vm14 =	vge.s32 v3, v1;
	vm15 =	vlt.s32 v3, v2  }
0xab: {  	v3 =	vsub.s32 v3, v1;
	vm0 =	vmand vm14, vm15  }
0xac: {  	s0 =	sadd.s32 $0x1, s0;
	s23 =	sshll.u32 s13, $0xB;
	v3 =	vnsel vm0, $0x2710, v3  }
0xad: {  	p1 =	sne.s32 s0, $0x80;
	s1 =	sadd.s32 s23, s12;
	[tilespmem:$0x144F0] =	vst v3  }
0xae: {  	[tilespmem:s19], [sflag:$0x3] =	stream.linear.gather [hbm4b:s1+s3], $0x4000, $0x38;
	[tilespmem:$0x1C500] =	vst v63  }
.Ltmp6:
0xaf: {  	_ = 	snop;
	(pc) =	sbr.rel @!p1 .LBB2_9-.Ltmp6, $4  }
0xb0: {  	_ =	swait.ge [sflag:s16], $0x4000  }
0xb1: {  	s30 =	sadd.s32 $0x20, s30;
	s28 =	sadd.s32 $0x100, s28;
	[sflag:s16] =	ssyncset.done $0x0  }
0xb2: {  	s29 =	sadd.s32 $0x2, s29;
	s31 =	sadd.s32 $0x1000, s31;
	[sflag:s16] =	ssyncadd.s32 $0xFFFFC000  }
0xb3: {  	[spmem:s2] =	stream.indirect.scatter.add.f32 [tilespmem:s19], [sflag:$0x2], $0x80, s20, s17, $0xb8;
	[tilespmem:$0x1C500] =	vst v63  }
.LBB2_5:
0xb4: {  	s13 =	sand.u32 $0x7, s0  }
0xb5: {  	p1 =	sne.s32 s13, $0x0  }
0xb6: {  	s13 =	simm.s32 @!p1 $0x0;
	s23 =	simm.s32 @!p1 $0x13C00;
	p2 =	seq.s32 @!p1 s0, $0x0  }
0xb7: {  	[tilespmem:s23], [sflag:$0x3] =	stream.linear.gather @!p1 [hbm4b:s30+s13], $0x800, $0x38;
	[tilespmem:$0x1C500] =	vst v63  }
0xb8: {  	p2 =	por p1, !p2  }
.Ltmp7:
0xb9: {  	_ = 	snop;
	(pc) =	sbr.rel @p2 .LBB2_7-.Ltmp7, $4  }
0xba: {  	s13 =	simm.s32 @!p1 $0x3  }
0xbb: {  	_ =	swait.ge @!p1 [sflag:s13], $0x800  }
0xbc: {  	[sflag:s13] =	ssyncset.done @!p1 $0x0  }
0xbd: {  	[sflag:s13] =	ssyncadd.s32 @!p1 $0xFFFFF800  }
.Ltmp8:
0xbe: {  	(pc) =	sbr.rel .LBB2_8-.Ltmp8, $2  }
0xbf: {  	_ =	sdelay $0x2  }
0xc0: {  	s13 =	simm.s32 @!p1 $0x1;
	p1 =	por @!p1 $0x1, $0x1  }
.LBB2_11:
0xc1: {  	_ =	sfence.sel $0x180000  }
0xc2: {  	[bflag:$0x0] =	sbarrier.arrive $0xFFFF  }
0xc3: {  	_ =	strace $0x9000004A  }
0xc4: {  	s0 =	stileid.u32;
	[bflag:$0x2] =	sbarrier.arrive $0xFFFF  }
0xc5: {  	p0 =	sne.s32 s0, $0x0;
	s0 =	rddreg [dreg:$0x2]  }
0xc6: {  	s0 =	sadd.s32 @!p0 $0x100000, s0  }
0xc7: {  	[sflag:s0] =	ssyncadd.tile.s32 @!p0 $0x1;
	_ =	shalt  }
.Lfunc_end2:
_tile_overlayer_lowered:
.L_overlay_start_2:
0xc8: {  	(tag) =	ssettag $0x2  }
0xc9: {  	s0 =	rddreg [dreg:$0x0];
	s2 =	stileid.u32  }
0xca: {  	s1 =	rddreg [dreg:$0x1];
	p0 =	sne.s32 s2, $0x0  }
0xcb: {  	s3 =	rddreg [dreg:$0x2];
	[bflag:$0x3] =	sbarrier.arrive $0xFFFF;
	s2 =	simm.s32 @!p0 $0x1C03  }
0xcc: {  	[timem:s3], [sflag:s2] =	dma.local @!p0 [hbm:s0], s1  }
0xcd: {  	s0 =	simm.s32 @!p0 $0x3  }
0xce: {  	_ =	swait.ge @!p0 [sflag:s0], s1  }
0xcf: {  	s1 =	ssub.s32 @!p0 $0x0, s1;
	[sflag:s0] =	ssyncset.done @!p0 $0x0  }
0xd0: {  	[sflag:s0] =	ssyncadd.s32 @!p0 s1  }
0xd1: {  	[bflag:$0x3] =	sbarrier.arrive $0xFFFF  }
0xd2: {  	_ =	shalt  }

// kernel: kernel.7.cloned.1.call-start
scs
__scs_entry_jumppad:
0x0: {  	(pc) =	sbr.rel $0x88, $3  }
0x1: {  	(tag) =	ssettag $0x0;
	lr =	simm.s32 $0x1  }
0x2: {  	[smem:$0x3F94] =	sst lr;
	_ =	strace $0xD0000000  }
0x3: {  	_ = 	snop  }
0x4: {  	_ = 	snop  }
0x5: {  	_ = 	snop  }
0x6: {  	_ = 	snop  }
0x7: {  	_ = 	snop  }
__scs_overlays_trampoline_lowered:
0x8: {  	[smem:$0x3FA3] =	sst s0  }
0x9: {  	[smem:$0x3FA4] =	sst s1  }
0xa: {  	[smem:$0x3FA5] =	sst s2  }
0xb: {  	[smem:$0x3FA6] =	sst s3  }
0xc: {  	[smem:$0x3FA7] =	sst s4  }
0xd: {  	[smem:$0x3FA8] =	sst s5  }
0xe: {  	[smem:$0x3FA9] =	sst s6  }
0xf: {  	[smem:$0x3FAA] =	sst s7  }
0x10: {  	[smem:$0x3FAB] =	sst s8  }
0x11: {  	[smem:$0x3FAC] =	sst s9;
	s0 =	simm.s32 @!p0 $0x0  }
0x12: {  	s1 =	sld [smem:$0x3F92];
	s0 =	simm.s32 @p0 $0x1  }
0x13: {  	[smem:$0x3FAD] =	sst s0;
	s0 =	simm.s32 @!p1 $0x0  }
0x14: {  	s2 =	sld [smem:$0x3F91];
	s0 =	simm.s32 @p1 $0x1  }
0x15: {  	[smem:$0x3FAE] =	sst s0;
	s0 =	simm.s32 @!p2 $0x0  }
0x16: {  	s3 =	sld [smem:$0x3FDB];
	s0 =	simm.s32 @p2 $0x1  }
0x17: {  	s4 =	simm.s32 $0x1BF5;
	[smem:$0x3FB0] =	sst s0  }
0x18: {  	s0 =	sld [smem:$0x3F93];
	_ =	swait.ge [sflag:s4], $0x0  }
0x19: {  	s7 =	sld [smem:$0x3F94]  }
0x1a: {  	s8 =	sadd.s32 $0xFFFFE003, lr  }
0x1b: {  	s9 =	sadd.s32 $0xFFFFFEF7, lr;
	s5 =	simm.s32 $0xFFFFFFFF;
	p2 =	slt.u32 s8, $0xFFFFF086  }
0x1c: {  	p1 =	slt.u32 s9, $0xF7A;
	s5 =	simm.s32 @!p2 $0x0  }
0x1d: {  	s5 =	simm.s32 @p1 $0x1;
	p0 =	seq.s32 s7, s2  }
0x1e: {  	s7 =	smul.u32 @!p0 $0xF7A, s2;
	p2 =	seq.s32 @!p0 s5, $0x0  }
0x1f: {  	s9 =	smul.u32 $0xF7A, s1;
	s8 =	simm.s32 @!p0 $0x1BF5;
	p2 =	por !p2, p0  }
0x20: {  	[sflag:s8] =	ssyncset.s32 @!p0 $0xFFFFF086;
	s6 =	sadd.s32 @!p0 s3, s7;
	s7 =	simm.s32 @!p0 $0x108  }
0x21: {  	s3 =	sadd.s32 s3, s9;
	s6 =	sadd.s32 @!p0 $0x88, s6;
	s7 =	simm.s32 @p2 $0x1082  }
0x22: {  	[simem:s7], [sflag:s8] =	dma.local @!p0 [hbm:s6], $0xF7A  }
0x23: {  	s9 =	sor.u32 $0xD0000000, s2;
	s6 =	simm.s32 $0x108;
	_ =	swait.ge @!p0 [sflag:s8], $0x0  }
0x24: {  	s3 =	sadd.s32 $0x88, s3;
	s6 =	simm.s32 @!p1 $0x1082;
	[sflag:s4] =	ssyncset.s32 $0xFFFFF086  }
0x25: {  	[simem:s6], [sflag:s4] =	dma.local [hbm:s3], $0xF7A  }
0x26: {  	[smem:$0x3F94] =	sst s1;
	(tag) =	ssettag s2;
	_ =	strace s9  }
0x27: {  	s1 =	sld [smem:$0x3FA4]  }
0x28: {  	s2 =	sld [smem:$0x3FA5]  }
0x29: {  	s4 =	sld [smem:$0x3FA7]  }
0x2a: {  	p0 =	seq.s32 s5, $0x0;
	s5 =	sld [smem:$0x3FA8]  }
0x2b: {  	s6 =	sld [smem:$0x3FA9]  }
0x2c: {  	s7 =	sld [smem:$0x3FAA]  }
0x2d: {  	s3 =	simm.s32 $0x108;
	s8 =	sld [smem:$0x3FAB]  }
0x2e: {  	s3 =	simm.s32 @!p0 $0x1082;
	s9 =	sld [smem:$0x3FAC]  }
0x2f: {  	lr =	sadd.s32 s0, s3;
	s0 =	sld [smem:$0x3FA3]  }
0x30: {  	s3 =	sld [smem:$0x3FA6]  }
0x31: {  	[smem:$0x3FAF] =	sst s10  }
0x32: {  	s10 =	sld [smem:$0x3FAD];
	_ =	sdelay $0x3  }
0x33: {  	p0 =	seq.s32 s10, $0x1;
	s10 =	sld [smem:$0x3FAF];
	_ =	sdelay $0x3  }
0x34: {  	[smem:$0x3FAF] =	sst s10  }
0x35: {  	s10 =	sld [smem:$0x3FAE];
	_ =	sdelay $0x3  }
0x36: {  	p1 =	seq.s32 s10, $0x1;
	s10 =	sld [smem:$0x3FAF];
	_ =	sdelay $0x3  }
0x37: {  	[smem:$0x3FAF] =	sst s10  }
0x38: {  	s10 =	sld [smem:$0x3FB0]  }
0x39: {  	_ = 	snop;
	(pc) =	sbr.ind lr, $3  }
0x3a: {  	_ = 	snop  }
0x3b: {  	_ = 	snop  }
0x3c: {  	p2 =	seq.s32 s10, $0x1;
	s10 =	sld [smem:$0x3FAF]  }
0x3d: {  	_ =	shalt  }
0x3e: {  	_ =	shalt  }
0x3f: {  	_ =	shalt  }
0x40: {  	_ =	shalt  }
0x41: {  	_ =	shalt  }
0x42: {  	_ =	shalt  }
0x43: {  	_ =	shalt  }
0x44: {  	_ =	shalt  }
0x45: {  	_ =	shalt  }
0x46: {  	_ =	shalt  }
0x47: {  	_ =	shalt  }
0x48: {  	_ =	shalt  }
0x49: {  	_ =	shalt  }
0x4a: {  	_ =	shalt  }
0x4b: {  	_ =	shalt  }
0x4c: {  	_ =	shalt  }
0x4d: {  	_ =	shalt  }
0x4e: {  	_ =	shalt  }
0x4f: {  	_ =	shalt  }
0x50: {  	_ =	shalt  }
0x51: {  	_ =	shalt  }
0x52: {  	_ =	shalt  }
0x53: {  	_ =	shalt  }
0x54: {  	_ =	shalt  }
0x55: {  	_ =	shalt  }
0x56: {  	_ =	shalt  }
0x57: {  	_ =	shalt  }
0x58: {  	_ =	shalt  }
0x59: {  	_ =	shalt  }
0x5a: {  	_ =	shalt  }
0x5b: {  	_ =	shalt  }
0x5c: {  	_ =	shalt  }
0x5d: {  	_ =	shalt  }
0x5e: {  	_ =	shalt  }
0x5f: {  	_ =	shalt  }
0x60: {  	_ =	shalt  }
0x61: {  	_ =	shalt  }
0x62: {  	_ =	shalt  }
0x63: {  	_ =	shalt  }
0x64: {  	_ =	shalt  }
0x65: {  	_ =	shalt  }
0x66: {  	_ =	shalt  }
0x67: {  	_ =	shalt  }
0x68: {  	_ =	shalt  }
0x69: {  	_ =	shalt  }
0x6a: {  	_ =	shalt  }
0x6b: {  	_ =	shalt  }
0x6c: {  	_ =	shalt  }
0x6d: {  	_ =	shalt  }
0x6e: {  	_ =	shalt  }
0x6f: {  	_ =	shalt  }
0x70: {  	_ =	shalt  }
0x71: {  	_ =	shalt  }
0x72: {  	_ =	shalt  }
0x73: {  	_ =	shalt  }
0x74: {  	_ =	shalt  }
0x75: {  	_ =	shalt  }
0x76: {  	_ =	shalt  }
0x77: {  	_ =	shalt  }
0x78: {  	_ =	shalt  }
0x79: {  	_ =	shalt  }
0x7a: {  	_ =	shalt  }
0x7b: {  	_ =	shalt  }
0x7c: {  	_ =	shalt  }
0x7d: {  	_ =	shalt  }
0x7e: {  	_ =	shalt  }
0x7f: {  	_ =	shalt  }
0x80: {  	_ =	shalt  }
0x81: {  	_ =	shalt  }
0x82: {  	_ =	shalt  }
0x83: {  	_ =	shalt  }
0x84: {  	_ =	shalt  }
0x85: {  	_ =	shalt  }
0x86: {  	_ =	shalt  }
0x87: {  	_ =	shalt  }
.Lfunc_end0:
.L_simem_size_0:
called_computation_lowered:
.L_overlay_start_0:
0x88: {  	s2 =	sld [smem:$0x3FD9]  }
0x89: {  	s3 =	sld [smem:$0x3FFE];
	_ =	sdelay $0x1  }
0x8a: {  	s1 =	srdreg.scid  }
0x8b: {  	s0 =	sand.u32 $0x1, s1  }
0x8c: {  	s17 =	sshll.u32 s0, $0xA;
	s2 =	sadd.s32 s3, s2  }
0x8d: {  	s2 =	sadd.s32 s2, s17  }
0x8e: {  	[smem:$0x3FBB] =	sst s2  }
0x8f: {  	_ = 	snop  }
0x90: {  	s2 =	sld [smem:$0x3FC9]  }
0x91: {  	s18 =	sld [smem:$0x3FC8]  }
0x92: {  	s4 =	sld [smem:$0x3FD0];
	(tm) =	ssettm $0x1  }
0x93: {  	s5 =	sld [smem:$0x3FFB];
	_ =	sdelay $0x3  }
0x94: {  	_ =	strace s5  }
0x95: {  	s5 =	sld [smem:$0x3FFC];
	_ =	sdelay $0x3  }
0x96: {  	_ =	strace s5  }
0x97: {  	s5 =	sld [smem:$0x3FFD];
	_ =	sdelay $0x3  }
0x98: {  	_ =	strace s5  }
0x99: {  	_ =	strace $0x8FFFFFFF  }
0x9a: {  	s19 =	sld [smem:$0x3FDB];
	_ =	sdelay $0x1  }
0x9b: {  	s6 =	simm.s32 $_scs_section_size  }
0x9c: {  	s7 =	simm.s32 $_size__tile_overlayer_lowered;
	s8 =	simm.s32 $_tile_overlayer_lowered  }
0x9d: {  	s22 =	simm.s32 $0x1BFF;
	s21 =	sshll.u32 s8, $0x1;
	s5 =	sadd.s32 s6, s19  }
0x9e: {  	s9 =	simm.s32 $0x0;
	s20 =	sshll.u32 s7, $0x1;
	s7 =	sadd.s32 s21, s5  }
0x9f: {  	[timem:s9], [sflag:s22] =	dma.local [hbm:s7], s20  }
0xa0: {  	_ =	swait.ge [sflag:s22], s20  }
0xa1: {  	s6 =	ssub.s32 $0x0, s20;
	[sflag:s22] =	ssyncset.done $0x0  }
0xa2: {  	[sflag:s22] =	ssyncadd.s32 s6;
	_ =	sdelay $0x1  }
0xa3: {  	s23 =	simm.s32 $0x1B8B  }
0xa4: {  	_ =	swait.ge [sflag:s23], $0x1  }
0xa5: {  	[sflag:s23] =	ssyncset.done $0x0  }
0xa6: {  	s25 =	simm.s32 $0x1B8E;
	s24 =	sld [smem:$0x3FFE];
	[sflag:s23] =	ssyncadd.s32 $0xFFFFFFFF  }
0xa7: {  	s26 =	simm.s32 $execute0_lowered;
	[smem:$0x3FD2] =	sst s25  }
0xa8: {  	s7 =	sshll.u32 s26, $0x1;
	_ =	strace $0x80000046;
	[dreg:$0x1] =	wrdreg $0xFFFFFFFF  }
0xa9: {  	s28 =	simm.s32 $_size_execute0_lowered;
	s5 =	sadd.s32 s5, s7;
	[dreg:$0x0] =	wrdreg $0x0  }
0xaa: {  	s7 =	sshll.u32 s28, $0x1;
	[dreg:$0x2] =	wrdreg s5  }
0xab: {  	[dreg:$0x3] =	wrdreg s7  }
0xac: {  	[dreg:$0x4] =	wrdreg $0xC0  }
0xad: {  	_ =	task [dreg:s9], $0x5FFFF  }
0xae: {  	[dreg:$0x1] =	wrdreg $0xFFFFFFFF  }
0xaf: {  	[dreg:$0x0] =	wrdreg $0x60  }
0xb0: {  	[dreg:$0x2] =	wrdreg s2  }
0xb1: {  	[dreg:$0x3] =	wrdreg s18  }
0xb2: {  	[dreg:$0x4] =	wrdreg s24  }
0xb3: {  	[dreg:$0x5] =	wrdreg s4  }
0xb4: {  	[dreg:$0x6] =	wrdreg $0x9  }
0xb5: {  	_ =	task.clear_ibuf [dreg:s9], $0x7FFFF;
	_ =	strace $0x90000046  }
0xb6: {  	s29 =	simm.s32 $0x9;
	_ =	strace $0x80000048  }
0xb7: {  	_ =	swait.ge [sflag:s29], $0x1  }
0xb8: {  	[sflag:s29] =	ssyncadd.s32 $0xFFFFFFFF  }
0xb9: {  	_ =	strace $0x90000048  }
0xba: {  	_ =	sfence  }
0xbb: {  	s30 =	sld [smem:$0x0];
	_ =	sdelay $0x2  }
0xbc: {  	s31 =	sshll.u32 s1, $0xD;
	s1 =	sshrl.u32 s1, $0x2  }
0xbd: {  	s3 =	sand.u32 $0x4000, s31;
	s1 =	sadd.s32 s1, s30  }
0xbe: {  	s0 =	sor.u32 s3, s0;
	s1 =	sshll.u32 s1, $0x11  }
0xbf: {  	s0 =	sor.u32 s1, s0  }
0xc0: {  	s0 =	sadd.s32 $0x8F2B, s0  }
0xc1: {  	[sflag:s0] =	ssyncadd.remote.s32 $0x1  }
0xc2: {  	_ =	sfence.sel $0xFFFF  }
0xc3: {  	[dreg:$0x0] =	wrdreg $0xFFFFFFFF;
	(pc) =	sbr.abs _section_cstart, $3  }
0xc4: {  	[dreg:$0x1] =	wrdreg $0xFFFFFFFF  }
0xc5: {  	_ =	task.clear_ibuf [dreg:s9], $0x2FFFF;
	_ =	strace $0x9FFFFFFF  }
0xc6: {  	(tm) =	ssettm $0x7FFFFFFF  }
0xc7: {  	_ =	shalt  }
tec
execute0_lowered:
.L_overlay_start_1:
0x0: {  	(tag) =	ssettag $0x1  }
0x1: {  	s1 =	rddreg [dreg:$0x0]  }
0x2: {  	s2 =	rddreg [dreg:$0x1]  }
0x3: {  	s5 =	rddreg [dreg:$0x2]  }
0x4: {  	s9 =	rddreg [dreg:$0x3]  }
0x5: {  	s0 =	rddreg [dreg:$0x4];
	s6 =	srdreg.scid  }
0x6: {  	s4 =	simm.s32 $0x0;
	s3 =	stileid.u32;
	s13 =	simm.s32 $0x400  }
0x7: {  	s14 =	simm.s32 $0x4400;
	s15 =	simm.s32 $0x100;
	s16 =	simm.s32 $0x8400  }
0x8: {  	s17 =	simm.s32 $0x180;
	s18 =	simm.s32 $0xC400;
	s19 =	simm.s32 $0x1  }
0x9: {  	s20 =	simm.s32 $0x200;
	s21 =	simm.s32 $0x280;
	s22 =	simm.s32 $0x300  }
0xa: {  	s23 =	simm.s32 $0x380;
	s24 =	simm.s32 $0x0;
	s6 =	sand.u32 $0x1, s6  }
0xb: {  	[smem:$0x7FF] =	sst s4;
	s7 =	sshll.u32 s3, $0xF;
	s29 =	sshll.u32 s3, $0x13  }
0xc: {  	s8 =	sshll.u32 s6, $0xE;
	_ =	strace $0x80000047;
	s10 =	ssub.s32 $0x2, s6  }
0xd: {  	s6 =	sshll.u32 s6, $0x12;
	s7 =	sor.u32 s8, s7;
	s8 =	sadd.s32 s29, s5  }
0xe: {  	s30 =	sshrl.u32 s10, $0x1;
	s11 =	sshrl.u32 s7, $0x3;
	s8 =	sadd.s32 s6, s8  }
0xf: {  	s31 =	ssub.s32 s10, s30;
	s12 =	sadd.s32 s11, s5;
	s6 =	sadd.s32 $0x32400, s8  }
0x10: {  	s5 =	smax.u32 s31, $0x1;
	s7 =	sadd.s32 $0x1032400, s8;
	s9 =	sadd.s32 s11, s9  }
0x11: {  	s11 =	simm.s32 $0x2;
	[dreg:$0x5] =	wrdreg s6;
	s6 =	sadd.s32 $0x832400, s8  }
0x12: {  	s8 =	sadd.s32 $0x12400, s12;
	s10 =	sadd.s32 $0x2400, s12;
	s12 =	simm.s32 $0x80  }
.LBB2_1:
0x13: {  	[tilespmem:s4], [sflag:$0x2] =	stream.linear.gather [hbm4b:s10+s4], $0x400, $0x38;
	[tilespmem:$0x10400] =	vst v63  }
0x14: {  	_ =	swait.ge [sflag:s11], $0x400  }
0x15: {  	[sflag:s11] =	ssyncset.done $0x0  }
0x16: {  	[sflag:s11] =	ssyncadd.s32 $0xFFFFFC00  }
0x17: {  	[tilespmem:s13], [sflag:$0x1] =	stream.indirect.gather [hbm4b:s1+s12], $0x80, s4, s12, $0xb8;
	[tilespmem:$0x10400] =	vst v63  }
0x18: {  	_ = 	snop  }
0x19: {  	[tilespmem:s14], [sflag:$0x1] =	stream.indirect.gather [hbm4b:s1+s12], $0x80, s12, s12, $0xb8;
	[tilespmem:$0x10400] =	vst v63  }
0x1a: {  	_ = 	snop  }
0x1b: {  	[tilespmem:s16], [sflag:$0x1] =	stream.indirect.gather [hbm4b:s1+s12], $0x80, s15, s12, $0xb8;
	[tilespmem:$0x10400] =	vst v63  }
0x1c: {  	_ = 	snop  }
0x1d: {  	[tilespmem:s18], [sflag:$0x1] =	stream.indirect.gather [hbm4b:s1+s12], $0x80, s17, s12, $0xb8;
	[tilespmem:$0x10400] =	vst v63  }
0x1e: {  	_ =	swait.ge [sflag:s19], $0x4000  }
0x1f: {  	[sflag:s19] =	ssyncset.done $0x0  }
0x20: {  	[sflag:s19] =	ssyncadd.s32 $0xFFFFC000  }
0x21: {  	_ =	swait.ge [sflag:s19], $0x4000  }
0x22: {  	[sflag:s19] =	ssyncset.done $0x0  }
0x23: {  	[sflag:s19] =	ssyncadd.s32 $0xFFFFC000  }
0x24: {  	_ =	swait.ge [sflag:s19], $0x4000  }
0x25: {  	[sflag:s19] =	ssyncset.done $0x0  }
0x26: {  	[sflag:s19] =	ssyncadd.s32 $0xFFFFC000  }
0x27: {  	_ =	swait.ge [sflag:s19], $0x4000  }
0x28: {  	s25 =	rddreg [dreg:$0x5];
	[sflag:s19] =	ssyncset.done $0x0  }
0x29: {  	[sflag:s19] =	ssyncadd.s32 $0xFFFFC000;
	s25 =	sadd.s32 $0x0, s25  }
0x2a: {  	[hbm4b:s25+s4] =	stream.linear.scatter [tilespmem:s13], [sflag:$0x2], $0x10000, $0x38;
	[tilespmem:$0x10400] =	vst v63  }
0x2b: {  	_ =	swait.ge [sflag:s11], $0x10000  }
0x2c: {  	[sflag:s11] =	ssyncset.done $0x0  }
0x2d: {  	[sflag:s11] =	ssyncadd.s32 $0xFFFF0000  }
0x2e: {  	[tilespmem:s13], [sflag:$0x1] =	stream.indirect.gather [hbm4b:s1+s12], $0x80, s20, s12, $0xb8;
	[tilespmem:$0x10400] =	vst v63  }
0x2f: {  	_ = 	snop  }
0x30: {  	[tilespmem:s14], [sflag:$0x1] =	stream.indirect.gather [hbm4b:s1+s12], $0x80, s21, s12, $0xb8;
	[tilespmem:$0x10400] =	vst v63  }
0x31: {  	_ = 	snop  }
0x32: {  	[tilespmem:s16], [sflag:$0x1] =	stream.indirect.gather [hbm4b:s1+s12], $0x80, s22, s12, $0xb8;
	[tilespmem:$0x10400] =	vst v63  }
0x33: {  	_ = 	snop  }
0x34: {  	[tilespmem:s18], [sflag:$0x1] =	stream.indirect.gather [hbm4b:s1+s12], $0x80, s23, s12, $0xb8;
	[tilespmem:$0x10400] =	vst v63  }
0x35: {  	_ =	swait.ge [sflag:s19], $0x4000  }
0x36: {  	[sflag:s19] =	ssyncset.done $0x0  }
0x37: {  	[sflag:s19] =	ssyncadd.s32 $0xFFFFC000  }
0x38: {  	_ =	swait.ge [sflag:s19], $0x4000  }
0x39: {  	[sflag:s19] =	ssyncset.done $0x0  }
0x3a: {  	[sflag:s19] =	ssyncadd.s32 $0xFFFFC000  }
0x3b: {  	_ =	swait.ge [sflag:s19], $0x4000  }
0x3c: {  	[sflag:s19] =	ssyncset.done $0x0  }
0x3d: {  	[sflag:s19] =	ssyncadd.s32 $0xFFFFC000  }
0x3e: {  	_ =	swait.ge [sflag:s19], $0x4000  }
0x3f: {  	[sflag:s19] =	ssyncset.done $0x0  }
0x40: {  	s25 =	sadd.s32 $0x2000, s25;
	[sflag:s19] =	ssyncadd.s32 $0xFFFFC000  }
0x41: {  	[hbm4b:s25+s4] =	stream.linear.scatter [tilespmem:s13], [sflag:$0x2], $0x10000, $0x38;
	[tilespmem:$0x10400] =	vst v63  }
0x42: {  	_ =	swait.ge [sflag:s11], $0x10000  }
0x43: {  	[sflag:s11] =	ssyncset.done $0x0  }
0x44: {  	[sflag:s11] =	ssyncadd.s32 $0xFFFF0000  }
0x45: {  	[tilespmem:s4], [sflag:$0x2] =	stream.linear.gather [hbm4b:s9+s4], $0x400, $0x38;
	[tilespmem:$0x10400] =	vst v63  }
0x46: {  	_ =	swait.ge [sflag:s11], $0x400  }
0x47: {  	[sflag:s11] =	ssyncset.done $0x0  }
0x48: {  	[sflag:s11] =	ssyncadd.s32 $0xFFFFFC00  }
0x49: {  	[tilespmem:s13], [sflag:$0x1] =	stream.indirect.gather [hbm4b:s2+s12], $0x80, s4, s12, $0xb8;
	[tilespmem:$0x10400] =	vst v63  }
0x4a: {  	_ = 	snop  }
0x4b: {  	[tilespmem:s14], [sflag:$0x1] =	stream.indirect.gather [hbm4b:s2+s12], $0x80, s12, s12, $0xb8;
	[tilespmem:$0x10400] =	vst v63  }
0x4c: {  	_ = 	snop  }
0x4d: {  	[tilespmem:s16], [sflag:$0x1] =	stream.indirect.gather [hbm4b:s2+s12], $0x80, s15, s12, $0xb8;
	[tilespmem:$0x10400] =	vst v63  }
0x4e: {  	_ = 	snop  }
0x4f: {  	[tilespmem:s18], [sflag:$0x1] =	stream.indirect.gather [hbm4b:s2+s12], $0x80, s17, s12, $0xb8;
	[tilespmem:$0x10400] =	vst v63  }
0x50: {  	_ =	swait.ge [sflag:s19], $0x4000  }
0x51: {  	[sflag:s19] =	ssyncset.done $0x0  }
0x52: {  	[sflag:s19] =	ssyncadd.s32 $0xFFFFC000  }
0x53: {  	_ =	swait.ge [sflag:s19], $0x4000  }
0x54: {  	[sflag:s19] =	ssyncset.done $0x0  }
0x55: {  	[sflag:s19] =	ssyncadd.s32 $0xFFFFC000  }
0x56: {  	_ =	swait.ge [sflag:s19], $0x4000  }
0x57: {  	[sflag:s19] =	ssyncset.done $0x0  }
0x58: {  	[sflag:s19] =	ssyncadd.s32 $0xFFFFC000  }
0x59: {  	_ =	swait.ge [sflag:s19], $0x4000  }
0x5a: {  	[sflag:s19] =	ssyncset.done $0x0  }
0x5b: {  	s30 =	sadd.s32 $0x0, s6;
	[sflag:s19] =	ssyncadd.s32 $0xFFFFC000  }
0x5c: {  	[hbm4b:s30+s4] =	stream.linear.scatter [tilespmem:s13], [sflag:$0x2], $0x10000, $0x38;
	[tilespmem:$0x10400] =	vst v63  }
0x5d: {  	_ =	swait.ge [sflag:s11], $0x10000  }
0x5e: {  	[sflag:s11] =	ssyncset.done $0x0  }
0x5f: {  	[sflag:s11] =	ssyncadd.s32 $0xFFFF0000  }
0x60: {  	[tilespmem:s13], [sflag:$0x1] =	stream.indirect.gather [hbm4b:s2+s12], $0x80, s20, s12, $0xb8;
	[tilespmem:$0x10400] =	vst v63  }
0x61: {  	_ = 	snop  }
0x62: {  	[tilespmem:s14], [sflag:$0x1] =	stream.indirect.gather [hbm4b:s2+s12], $0x80, s21, s12, $0xb8;
	[tilespmem:$0x10400] =	vst v63  }
0x63: {  	_ = 	snop  }
0x64: {  	[tilespmem:s16], [sflag:$0x1] =	stream.indirect.gather [hbm4b:s2+s12], $0x80, s22, s12, $0xb8;
	[tilespmem:$0x10400] =	vst v63  }
0x65: {  	_ = 	snop  }
0x66: {  	[tilespmem:s18], [sflag:$0x1] =	stream.indirect.gather [hbm4b:s2+s12], $0x80, s23, s12, $0xb8;
	[tilespmem:$0x10400] =	vst v63  }
0x67: {  	_ =	swait.ge [sflag:s19], $0x4000  }
0x68: {  	[sflag:s19] =	ssyncset.done $0x0  }
0x69: {  	[sflag:s19] =	ssyncadd.s32 $0xFFFFC000  }
0x6a: {  	_ =	swait.ge [sflag:s19], $0x4000  }
0x6b: {  	[sflag:s19] =	ssyncset.done $0x0  }
0x6c: {  	[sflag:s19] =	ssyncadd.s32 $0xFFFFC000  }
0x6d: {  	_ =	swait.ge [sflag:s19], $0x4000  }
0x6e: {  	[sflag:s19] =	ssyncset.done $0x0  }
0x6f: {  	[sflag:s19] =	ssyncadd.s32 $0xFFFFC000  }
0x70: {  	_ =	swait.ge [sflag:s19], $0x4000  }
0x71: {  	[sflag:s19] =	ssyncset.done $0x0  }
0x72: {  	s25 =	sadd.s32 $0x2000, s30;
	[sflag:s19] =	ssyncadd.s32 $0xFFFFC000  }
0x73: {  	[hbm4b:s25+s4] =	stream.linear.scatter [tilespmem:s13], [sflag:$0x2], $0x10000, $0x38;
	[tilespmem:$0x10400] =	vst v63  }
0x74: {  	_ =	swait.ge [sflag:s11], $0x10000  }
0x75: {  	[sflag:s11] =	ssyncset.done $0x0  }
0x76: {  	[sflag:s11] =	ssyncadd.s32 $0xFFFF0000  }
0x77: {  	[tilespmem:s4], [sflag:$0x2] =	stream.linear.gather [hbm4b:s8+s4], $0x400, $0x38;
	[tilespmem:$0x10400] =	vst v63  }
0x78: {  	_ =	swait.ge [sflag:s11], $0x400  }
0x79: {  	[sflag:s11] =	ssyncset.done $0x0  }
0x7a: {  	[sflag:s11] =	ssyncadd.s32 $0xFFFFFC00  }
0x7b: {  	[tilespmem:s13], [sflag:$0x1] =	stream.indirect.gather [hbm4b:s2+s12], $0x80, s4, s12, $0xb8;
	[tilespmem:$0x10400] =	vst v63  }
0x7c: {  	_ = 	snop  }
0x7d: {  	[tilespmem:s14], [sflag:$0x1] =	stream.indirect.gather [hbm4b:s2+s12], $0x80, s12, s12, $0xb8;
	[tilespmem:$0x10400] =	vst v63  }
0x7e: {  	_ = 	snop  }
0x7f: {  	[tilespmem:s16], [sflag:$0x1] =	stream.indirect.gather [hbm4b:s2+s12], $0x80, s15, s12, $0xb8;
	[tilespmem:$0x10400] =	vst v63  }
0x80: {  	_ = 	snop  }
0x81: {  	[tilespmem:s18], [sflag:$0x1] =	stream.indirect.gather [hbm4b:s2+s12], $0x80, s17, s12, $0xb8;
	[tilespmem:$0x10400] =	vst v63  }
0x82: {  	_ =	swait.ge [sflag:s19], $0x4000  }
0x83: {  	[sflag:s19] =	ssyncset.done $0x0  }
0x84: {  	[sflag:s19] =	ssyncadd.s32 $0xFFFFC000  }
0x85: {  	_ =	swait.ge [sflag:s19], $0x4000  }
0x86: {  	[sflag:s19] =	ssyncset.done $0x0  }
0x87: {  	[sflag:s19] =	ssyncadd.s32 $0xFFFFC000  }
0x88: {  	_ =	swait.ge [sflag:s19], $0x4000  }
0x89: {  	[sflag:s19] =	ssyncset.done $0x0  }
0x8a: {  	[sflag:s19] =	ssyncadd.s32 $0xFFFFC000  }
0x8b: {  	_ =	swait.ge [sflag:s19], $0x4000  }
0x8c: {  	[sflag:s19] =	ssyncset.done $0x0  }
0x8d: {  	s31 =	sadd.s32 $0x0, s7;
	[sflag:s19] =	ssyncadd.s32 $0xFFFFC000  }
0x8e: {  	[hbm4b:s31+s4] =	stream.linear.scatter [tilespmem:s13], [sflag:$0x2], $0x10000, $0x38;
	[tilespmem:$0x10400] =	vst v63  }
0x8f: {  	_ =	swait.ge [sflag:s11], $0x10000  }
0x90: {  	[sflag:s11] =	ssyncset.done $0x0  }
0x91: {  	[sflag:s11] =	ssyncadd.s32 $0xFFFF0000  }
0x92: {  	[tilespmem:s13], [sflag:$0x1] =	stream.indirect.gather [hbm4b:s2+s12], $0x80, s20, s12, $0xb8;
	[tilespmem:$0x10400] =	vst v63  }
0x93: {  	_ = 	snop  }
0x94: {  	[tilespmem:s14], [sflag:$0x1] =	stream.indirect.gather [hbm4b:s2+s12], $0x80, s21, s12, $0xb8;
	[tilespmem:$0x10400] =	vst v63  }
0x95: {  	_ = 	snop  }
0x96: {  	[tilespmem:s16], [sflag:$0x1] =	stream.indirect.gather [hbm4b:s2+s12], $0x80, s22, s12, $0xb8;
	[tilespmem:$0x10400] =	vst v63  }
0x97: {  	_ = 	snop  }
0x98: {  	[tilespmem:s18], [sflag:$0x1] =	stream.indirect.gather [hbm4b:s2+s12], $0x80, s23, s12, $0xb8;
	[tilespmem:$0x10400] =	vst v63  }
0x99: {  	_ =	swait.ge [sflag:s19], $0x4000  }
0x9a: {  	[sflag:s19] =	ssyncset.done $0x0  }
0x9b: {  	[sflag:s19] =	ssyncadd.s32 $0xFFFFC000  }
0x9c: {  	_ =	swait.ge [sflag:s19], $0x4000  }
0x9d: {  	[sflag:s19] =	ssyncset.done $0x0  }
0x9e: {  	[sflag:s19] =	ssyncadd.s32 $0xFFFFC000  }
0x9f: {  	_ =	swait.ge [sflag:s19], $0x4000  }
0xa0: {  	[sflag:s19] =	ssyncset.done $0x0  }
0xa1: {  	[sflag:s19] =	ssyncadd.s32 $0xFFFFC000  }
0xa2: {  	_ =	swait.ge [sflag:s19], $0x4000  }
0xa3: {  	[sflag:s19] =	ssyncset.done $0x0  }
0xa4: {  	s25 =	sadd.s32 $0x2000, s31;
	[sflag:s19] =	ssyncadd.s32 $0xFFFFC000  }
0xa5: {  	[hbm4b:s25+s4] =	stream.linear.scatter [tilespmem:s13], [sflag:$0x2], $0x10000, $0x38;
	[tilespmem:$0x10400] =	vst v63  }
0xa6: {  	s26 =	sadd.s32 $0x80, s10;
	s28 =	smov.u32 s8;
	_ =	swait.ge [sflag:s11], $0x10000  }
0xa7: {  	s29 =	smov.u32 s9;
	s25 =	simm.s32 $0x4000;
	[sflag:s11] =	ssyncset.done $0x0  }
.LBB2_2:
0xa8: {  	[sflag:s11] =	ssyncadd.s32 $0xFFFF0000  }
0xa9: {  	[tilespmem:s4], [sflag:$0x2] =	stream.linear.gather [hbm4b:s26+s4], $0x400, $0x38;
	[tilespmem:$0x10400] =	vst v63  }
0xaa: {  	_ =	swait.ge [sflag:s11], $0x400  }
0xab: {  	[sflag:s11] =	ssyncset.done $0x0  }
0xac: {  	[sflag:s11] =	ssyncadd.s32 $0xFFFFFC00  }
0xad: {  	[tilespmem:s13], [sflag:$0x1] =	stream.indirect.gather [hbm4b:s1+s12], $0x80, s4, s12, $0xb8;
	[tilespmem:$0x10400] =	vst v63  }
0xae: {  	_ = 	snop  }
0xaf: {  	[tilespmem:s14], [sflag:$0x1] =	stream.indirect.gather [hbm4b:s1+s12], $0x80, s12, s12, $0xb8;
	[tilespmem:$0x10400] =	vst v63  }
0xb0: {  	_ = 	snop  }
0xb1: {  	[tilespmem:s16], [sflag:$0x1] =	stream.indirect.gather [hbm4b:s1+s12], $0x80, s15, s12, $0xb8;
	[tilespmem:$0x10400] =	vst v63  }
0xb2: {  	_ = 	snop  }
0xb3: {  	[tilespmem:s18], [sflag:$0x1] =	stream.indirect.gather [hbm4b:s1+s12], $0x80, s17, s12, $0xb8;
	[tilespmem:$0x10400] =	vst v63  }
0xb4: {  	_ =	swait.ge [sflag:s19], $0x4000  }
0xb5: {  	[sflag:s19] =	ssyncset.done $0x0  }
0xb6: {  	[sflag:s19] =	ssyncadd.s32 $0xFFFFC000  }
0xb7: {  	_ =	swait.ge [sflag:s19], $0x4000  }
0xb8: {  	[sflag:s19] =	ssyncset.done $0x0  }
0xb9: {  	[sflag:s19] =	ssyncadd.s32 $0xFFFFC000  }
0xba: {  	_ =	swait.ge [sflag:s19], $0x4000  }
0xbb: {  	[sflag:s19] =	ssyncset.done $0x0  }
0xbc: {  	[sflag:s19] =	ssyncadd.s32 $0xFFFFC000  }
0xbd: {  	_ =	swait.ge [sflag:s19], $0x4000  }
0xbe: {  	s30 =	smov.u32 s25;
	s31 =	rddreg [dreg:$0x5];
	[sflag:s19] =	ssyncset.done $0x0  }
0xbf: {  	[sflag:s19] =	ssyncadd.s32 $0xFFFFC000;
	s31 =	sadd.s32 s30, s31  }
0xc0: {  	[hbm4b:s31+s4] =	stream.linear.scatter [tilespmem:s13], [sflag:$0x2], $0x10000, $0x38;
	[tilespmem:$0x10400] =	vst v63  }
0xc1: {  	_ =	swait.ge [sflag:s11], $0x10000  }
0xc2: {  	[sflag:s11] =	ssyncset.done $0x0  }
0xc3: {  	[sflag:s11] =	ssyncadd.s32 $0xFFFF0000  }
0xc4: {  	[tilespmem:s13], [sflag:$0x1] =	stream.indirect.gather [hbm4b:s1+s12], $0x80, s20, s12, $0xb8;
	[tilespmem:$0x10400] =	vst v63  }
0xc5: {  	_ = 	snop  }
0xc6: {  	[tilespmem:s14], [sflag:$0x1] =	stream.indirect.gather [hbm4b:s1+s12], $0x80, s21, s12, $0xb8;
	[tilespmem:$0x10400] =	vst v63  }
0xc7: {  	_ = 	snop  }
0xc8: {  	[tilespmem:s16], [sflag:$0x1] =	stream.indirect.gather [hbm4b:s1+s12], $0x80, s22, s12, $0xb8;
	[tilespmem:$0x10400] =	vst v63  }
0xc9: {  	_ = 	snop  }
0xca: {  	[tilespmem:s18], [sflag:$0x1] =	stream.indirect.gather [hbm4b:s1+s12], $0x80, s23, s12, $0xb8;
	[tilespmem:$0x10400] =	vst v63  }
0xcb: {  	_ =	swait.ge [sflag:s19], $0x4000  }
0xcc: {  	[sflag:s19] =	ssyncset.done $0x0  }
0xcd: {  	[sflag:s19] =	ssyncadd.s32 $0xFFFFC000  }
0xce: {  	_ =	swait.ge [sflag:s19], $0x4000  }
0xcf: {  	[sflag:s19] =	ssyncset.done $0x0  }
0xd0: {  	[sflag:s19] =	ssyncadd.s32 $0xFFFFC000  }
0xd1: {  	_ =	swait.ge [sflag:s19], $0x4000  }
0xd2: {  	[sflag:s19] =	ssyncset.done $0x0  }
0xd3: {  	[sflag:s19] =	ssyncadd.s32 $0xFFFFC000  }
0xd4: {  	_ =	swait.ge [sflag:s19], $0x4000  }
0xd5: {  	[sflag:s19] =	ssyncset.done $0x0  }
0xd6: {  	s31 =	sadd.s32 $0x2000, s31;
	[sflag:s19] =	ssyncadd.s32 $0xFFFFC000  }
0xd7: {  	[hbm4b:s31+s4] =	stream.linear.scatter [tilespmem:s13], [sflag:$0x2], $0x10000, $0x38;
	[tilespmem:$0x10400] =	vst v63  }
0xd8: {  	_ =	swait.ge [sflag:s11], $0x10000  }
0xd9: {  	[sflag:s11] =	ssyncset.done $0x0  }
0xda: {  	s29 =	sadd.s32 $0x80, s29;
	[sflag:s11] =	ssyncadd.s32 $0xFFFF0000  }
0xdb: {  	[tilespmem:s4], [sflag:$0x2] =	stream.linear.gather [hbm4b:s29+s4], $0x400, $0x38;
	[tilespmem:$0x10400] =	vst v63  }
0xdc: {  	_ =	swait.ge [sflag:s11], $0x400  }
0xdd: {  	[sflag:s11] =	ssyncset.done $0x0  }
0xde: {  	[sflag:s11] =	ssyncadd.s32 $0xFFFFFC00  }
0xdf: {  	[tilespmem:s13], [sflag:$0x1] =	stream.indirect.gather [hbm4b:s2+s12], $0x80, s4, s12, $0xb8;
	[tilespmem:$0x10400] =	vst v63  }
0xe0: {  	_ = 	snop  }
0xe1: {  	[tilespmem:s14], [sflag:$0x1] =	stream.indirect.gather [hbm4b:s2+s12], $0x80, s12, s12, $0xb8;
	[tilespmem:$0x10400] =	vst v63  }
0xe2: {  	_ = 	snop  }
0xe3: {  	[tilespmem:s16], [sflag:$0x1] =	stream.indirect.gather [hbm4b:s2+s12], $0x80, s15, s12, $0xb8;
	[tilespmem:$0x10400] =	vst v63  }
0xe4: {  	_ = 	snop  }
0xe5: {  	[tilespmem:s18], [sflag:$0x1] =	stream.indirect.gather [hbm4b:s2+s12], $0x80, s17, s12, $0xb8;
	[tilespmem:$0x10400] =	vst v63  }
0xe6: {  	_ =	swait.ge [sflag:s19], $0x4000  }
0xe7: {  	[sflag:s19] =	ssyncset.done $0x0  }
0xe8: {  	[sflag:s19] =	ssyncadd.s32 $0xFFFFC000  }
0xe9: {  	_ =	swait.ge [sflag:s19], $0x4000  }
0xea: {  	[sflag:s19] =	ssyncset.done $0x0  }
0xeb: {  	[sflag:s19] =	ssyncadd.s32 $0xFFFFC000  }
0xec: {  	_ =	swait.ge [sflag:s19], $0x4000  }
0xed: {  	[sflag:s19] =	ssyncset.done $0x0  }
0xee: {  	[sflag:s19] =	ssyncadd.s32 $0xFFFFC000  }
0xef: {  	_ =	swait.ge [sflag:s19], $0x4000  }
0xf0: {  	[sflag:s19] =	ssyncset.done $0x0  }
0xf1: {  	s31 =	sadd.s32 s30, s6;
	[sflag:s19] =	ssyncadd.s32 $0xFFFFC000  }
0xf2: {  	[hbm4b:s31+s4] =	stream.linear.scatter [tilespmem:s13], [sflag:$0x2], $0x10000, $0x38;
	[tilespmem:$0x10400] =	vst v63  }
0xf3: {  	_ =	swait.ge [sflag:s11], $0x10000  }
0xf4: {  	[sflag:s11] =	ssyncset.done $0x0  }
0xf5: {  	[sflag:s11] =	ssyncadd.s32 $0xFFFF0000  }
0xf6: {  	[tilespmem:s13], [sflag:$0x1] =	stream.indirect.gather [hbm4b:s2+s12], $0x80, s20, s12, $0xb8;
	[tilespmem:$0x10400] =	vst v63  }
0xf7: {  	_ = 	snop  }
0xf8: {  	[tilespmem:s14], [sflag:$0x1] =	stream.indirect.gather [hbm4b:s2+s12], $0x80, s21, s12, $0xb8;
	[tilespmem:$0x10400] =	vst v63  }
0xf9: {  	_ = 	snop  }
0xfa: {  	[tilespmem:s16], [sflag:$0x1] =	stream.indirect.gather [hbm4b:s2+s12], $0x80, s22, s12, $0xb8;
	[tilespmem:$0x10400] =	vst v63  }
0xfb: {  	_ = 	snop  }
0xfc: {  	[tilespmem:s18], [sflag:$0x1] =	stream.indirect.gather [hbm4b:s2+s12], $0x80, s23, s12, $0xb8;
	[tilespmem:$0x10400] =	vst v63  }
0xfd: {  	_ =	swait.ge [sflag:s19], $0x4000  }
0xfe: {  	[sflag:s19] =	ssyncset.done $0x0  }
0xff: {  	[sflag:s19] =	ssyncadd.s32 $0xFFFFC000  }
0x100: {  	_ =	swait.ge [sflag:s19], $0x4000  }
0x101: {  	[sflag:s19] =	ssyncset.done $0x0  }
0x102: {  	[sflag:s19] =	ssyncadd.s32 $0xFFFFC000  }
0x103: {  	_ =	swait.ge [sflag:s19], $0x4000  }
0x104: {  	[sflag:s19] =	ssyncset.done $0x0  }
0x105: {  	[sflag:s19] =	ssyncadd.s32 $0xFFFFC000  }
0x106: {  	_ =	swait.ge [sflag:s19], $0x4000  }
0x107: {  	[sflag:s19] =	ssyncset.done $0x0  }
0x108: {  	s31 =	sadd.s32 $0x2000, s31;
	[sflag:s19] =	ssyncadd.s32 $0xFFFFC000  }
0x109: {  	[hbm4b:s31+s4] =	stream.linear.scatter [tilespmem:s13], [sflag:$0x2], $0x10000, $0x38;
	[tilespmem:$0x10400] =	vst v63  }
0x10a: {  	_ =	swait.ge [sflag:s11], $0x10000  }
0x10b: {  	[sflag:s11] =	ssyncset.done $0x0  }
0x10c: {  	s28 =	sadd.s32 $0x80, s28;
	[sflag:s11] =	ssyncadd.s32 $0xFFFF0000  }
0x10d: {  	[tilespmem:s4], [sflag:$0x2] =	stream.linear.gather [hbm4b:s28+s4], $0x400, $0x38;
	[tilespmem:$0x10400] =	vst v63  }
0x10e: {  	_ =	swait.ge [sflag:s11], $0x400  }
0x10f: {  	[sflag:s11] =	ssyncset.done $0x0  }
0x110: {  	[sflag:s11] =	ssyncadd.s32 $0xFFFFFC00  }
0x111: {  	[tilespmem:s13], [sflag:$0x1] =	stream.indirect.gather [hbm4b:s2+s12], $0x80, s4, s12, $0xb8;
	[tilespmem:$0x10400] =	vst v63  }
0x112: {  	_ = 	snop  }
0x113: {  	[tilespmem:s14], [sflag:$0x1] =	stream.indirect.gather [hbm4b:s2+s12], $0x80, s12, s12, $0xb8;
	[tilespmem:$0x10400] =	vst v63  }
0x114: {  	_ = 	snop  }
0x115: {  	[tilespmem:s16], [sflag:$0x1] =	stream.indirect.gather [hbm4b:s2+s12], $0x80, s15, s12, $0xb8;
	[tilespmem:$0x10400] =	vst v63  }
0x116: {  	_ = 	snop  }
0x117: {  	[tilespmem:s18], [sflag:$0x1] =	stream.indirect.gather [hbm4b:s2+s12], $0x80, s17, s12, $0xb8;
	[tilespmem:$0x10400] =	vst v63  }
0x118: {  	_ =	swait.ge [sflag:s19], $0x4000  }
0x119: {  	[sflag:s19] =	ssyncset.done $0x0  }
0x11a: {  	[sflag:s19] =	ssyncadd.s32 $0xFFFFC000  }
0x11b: {  	_ =	swait.ge [sflag:s19], $0x4000  }
0x11c: {  	[sflag:s19] =	ssyncset.done $0x0  }
0x11d: {  	[sflag:s19] =	ssyncadd.s32 $0xFFFFC000  }
0x11e: {  	_ =	swait.ge [sflag:s19], $0x4000  }
0x11f: {  	[sflag:s19] =	ssyncset.done $0x0  }
0x120: {  	[sflag:s19] =	ssyncadd.s32 $0xFFFFC000  }
0x121: {  	_ =	swait.ge [sflag:s19], $0x4000  }
0x122: {  	[sflag:s19] =	ssyncset.done $0x0  }
0x123: {  	s30 =	sadd.s32 s30, s7;
	[sflag:s19] =	ssyncadd.s32 $0xFFFFC000  }
0x124: {  	[hbm4b:s30+s4] =	stream.linear.scatter [tilespmem:s13], [sflag:$0x2], $0x10000, $0x38;
	[tilespmem:$0x10400] =	vst v63  }
0x125: {  	_ =	swait.ge [sflag:s11], $0x10000  }
0x126: {  	[sflag:s11] =	ssyncset.done $0x0  }
0x127: {  	[sflag:s11] =	ssyncadd.s32 $0xFFFF0000  }
0x128: {  	[tilespmem:s13], [sflag:$0x1] =	stream.indirect.gather [hbm4b:s2+s12], $0x80, s20, s12, $0xb8;
	[tilespmem:$0x10400] =	vst v63  }
0x129: {  	_ = 	snop  }
0x12a: {  	[tilespmem:s14], [sflag:$0x1] =	stream.indirect.gather [hbm4b:s2+s12], $0x80, s21, s12, $0xb8;
	[tilespmem:$0x10400] =	vst v63  }
0x12b: {  	_ = 	snop  }
0x12c: {  	[tilespmem:s16], [sflag:$0x1] =	stream.indirect.gather [hbm4b:s2+s12], $0x80, s22, s12, $0xb8;
	[tilespmem:$0x10400] =	vst v63  }
0x12d: {  	_ = 	snop  }
0x12e: {  	[tilespmem:s18], [sflag:$0x1] =	stream.indirect.gather [hbm4b:s2+s12], $0x80, s23, s12, $0xb8;
	[tilespmem:$0x10400] =	vst v63  }
0x12f: {  	_ =	swait.ge [sflag:s19], $0x4000  }
0x130: {  	[sflag:s19] =	ssyncset.done $0x0  }
0x131: {  	[sflag:s19] =	ssyncadd.s32 $0xFFFFC000  }
0x132: {  	_ =	swait.ge [sflag:s19], $0x4000  }
0x133: {  	[sflag:s19] =	ssyncset.done $0x0  }
0x134: {  	[sflag:s19] =	ssyncadd.s32 $0xFFFFC000  }
0x135: {  	_ =	swait.ge [sflag:s19], $0x4000  }
0x136: {  	[sflag:s19] =	ssyncset.done $0x0  }
0x137: {  	[sflag:s19] =	ssyncadd.s32 $0xFFFFC000  }
0x138: {  	p0 =	sne.s32 s25, $0x3C000;
	_ =	swait.ge [sflag:s19], $0x4000  }
.Ltmp0:
0x139: {  	[sflag:s19] =	ssyncset.done $0x0;
	(pc) =	sbr.rel @p0 .LBB2_2-.Ltmp0, $4  }
0x13a: {  	s30 =	sadd.s32 $0x2000, s30;
	[sflag:s19] =	ssyncadd.s32 $0xFFFFC000  }
0x13b: {  	[hbm4b:s30+s4] =	stream.linear.scatter [tilespmem:s13], [sflag:$0x2], $0x10000, $0x38;
	[tilespmem:$0x10400] =	vst v63  }
0x13c: {  	_ =	swait.ge [sflag:s11], $0x10000  }
0x13d: {  	s25 =	sadd.s32 $0x4000, s25;
	s26 =	sadd.s32 $0x80, s26;
	[sflag:s11] =	ssyncset.done $0x0  }
0x13e: {  	s24 =	sadd.s32 $0x1, s24  }
0x13f: {  	p0 =	sne.s32 s24, s5  }
.Ltmp1:
0x140: {  	_ = 	snop;
	(pc) =	sbr.rel @p0 .LBB2_1-.Ltmp1, $2  }
0x141: {  	_ =	sdelay $0x2  }
0x142: {  	[sflag:s11] =	ssyncadd.s32 $0xFFFF0000  }
0x143: {  	_ =	sfence.sel $0x180000  }
0x144: {  	[bflag:$0x0] =	sbarrier.arrive $0xFFFF  }
0x145: {  	p0 =	sne.s32 s3, $0x0;
	_ =	strace $0x90000047  }
0x146: {  	s0 =	sadd.s32 @!p0 $0x100000, s0;
	[bflag:$0x2] =	sbarrier.arrive $0xFFFF  }
0x147: {  	[sflag:s0] =	ssyncadd.tile.s32 @!p0 $0x1;
	_ =	shalt  }
.Lfunc_end2:
_tile_overlayer_lowered:
.L_overlay_start_2:
0x148: {  	(tag) =	ssettag $0x2  }
0x149: {  	s0 =	rddreg [dreg:$0x0];
	s2 =	stileid.u32  }
0x14a: {  	s1 =	rddreg [dreg:$0x1];
	p0 =	sne.s32 s2, $0x0  }
0x14b: {  	s3 =	rddreg [dreg:$0x2];
	[bflag:$0x3] =	sbarrier.arrive $0xFFFF;
	s2 =	simm.s32 @!p0 $0x1C02  }
0x14c: {  	[timem:s3], [sflag:s2] =	dma.local @!p0 [hbm:s0], s1  }
0x14d: {  	s0 =	simm.s32 @!p0 $0x2  }
0x14e: {  	_ =	swait.ge @!p0 [sflag:s0], s1  }
0x14f: {  	s1 =	ssub.s32 @!p0 $0x0, s1;
	[sflag:s0] =	ssyncset.done @!p0 $0x0  }
0x150: {  	[sflag:s0] =	ssyncadd.s32 @!p0 s1  }
0x151: {  	[bflag:$0x3] =	sbarrier.arrive $0xFFFF  }
0x152: {  	_ =	shalt  }

</sc_bundles>
